<compile_context>
chip_gen: v7x
topology: tpu7x:2x2x1
jax: 0.10.2.dev20260603
libtpu: 0.0.44.dev20260713+nightly
codegen_flags: <defaults>
</compile_context>

<pallas_src>
import functools

import jax
import jax.numpy as jnp
from jax import lax
from jax.experimental import pallas as pl
from jax.experimental.pallas import tpu as pltpu
from jax.experimental.pallas import tpu_sc as plsc

_N = 10000
_E = 320000
_D = 128

_NC = 2
_NS = 16
_NW = _NC * _NS

_NP = 10240
_EPT = _E // _NW
_CH = 80
_NCHUNK = _EPT // _CH
_RPT = _NP // _NS
_RB = 1024


def _zero_fill(ref, val):
    v = jnp.full((16,), val, jnp.float32)

    def body(r, _):
        for j in range(_D // 16):
            ref[r, pl.ds(j * 16, 16)] = v
        return 0

    lax.fori_loop(0, _CH, body, 0)


def _count_sc(dst3d):
    mesh = plsc.VectorSubcoreMesh(
        core_axis_name="c", subcore_axis_name="s", num_cores=_NC)

    @functools.partial(
        pl.kernel,
        mesh=mesh,
        out_type=jax.ShapeDtypeStruct((_NC, _NP, _D), jnp.float32),
        scratch_types=[
            pltpu.VMEM((_NCHUNK, _CH), jnp.int32),
            pltpu.VMEM((_CH, _D), jnp.float32),
            pltpu.VMEM((_CH, _D), jnp.float32),
            pltpu.VMEM_SHARED((_NP, _D), jnp.float32),
            pltpu.SemaphoreType.DMA,
            pltpu.SemaphoreType.DMA,
        ],
    )
    def k(dst_hbm, cnt_out, dst_all, ones_b, zeros_b, cnt_sh, semA, semB):
        cid = lax.axis_index("c")
        sid = lax.axis_index("s")
        wid = cid * _NS + sid
        pltpu.sync_copy(dst_hbm.at[wid], dst_all)
        _zero_fill(ones_b, 1.0)
        _zero_fill(zeros_b, 0.0)
        for j in range(_RPT // _CH):
            pltpu.sync_copy(
                zeros_b, cnt_sh.at[pl.ds(sid * _RPT + j * _CH, _CH)])
        plsc.subcore_barrier()

        def fire(c, sem):
            pltpu.make_async_copy(
                ones_b, cnt_sh.at[dst_all.at[c]], sem).start(add=True)

        def drain(sem):
            pltpu.make_async_copy(
                ones_b, cnt_sh.at[dst_all.at[0]], sem).wait()

        fire(0, semA)
        fire(1, semB)

        def body(i, _):
            drain(semA)
            fire(2 + 2 * i, semA)
            drain(semB)
            fire(3 + 2 * i, semB)
            return 0

        npairs = (_NCHUNK - 2) // 2
        lax.fori_loop(0, npairs, body, 0)
        for c in range(2 + 2 * npairs, _NCHUNK):
            drain(semA)
            fire(c, semA)
        drain(semA)
        drain(semB)
        plsc.subcore_barrier()

        obase = pl.multiple_of(sid * _RPT, 8)
        pltpu.sync_copy(cnt_sh.at[pl.ds(obase, _RPT)],
                        cnt_out.at[cid, pl.ds(obase, _RPT)])

    return k(dst3d)


def _seg_sum_sc(feat, src2d, dst3d):
    mesh = plsc.VectorSubcoreMesh(
        core_axis_name="c", subcore_axis_name="s", num_cores=_NC)

    @functools.partial(
        pl.kernel,
        mesh=mesh,
        out_type=jax.ShapeDtypeStruct((_NC, _NP, _D), jnp.float32),
        scratch_types=[
            pltpu.VMEM((_EPT,), jnp.int32),
            pltpu.VMEM((_CH,), jnp.int32),
            pltpu.VMEM((_CH,), jnp.int32),
            pltpu.VMEM((_CH, _D), jnp.float32),
            pltpu.VMEM((_CH, _D), jnp.float32),
            pltpu.VMEM_SHARED((_NP, _D), jnp.float32),
            pltpu.SemaphoreType.DMA,
            pltpu.SemaphoreType.DMA,
            pltpu.SemaphoreType.DMA,
            pltpu.SemaphoreType.DMA,
            pltpu.SemaphoreType.DMA,
            pltpu.SemaphoreType.DMA,
        ],
    )
    def k(feat_hbm, src_hbm, dst_hbm, acc_out, src_all, idxA, idxB,
          rowsA, rowsB, acc_sh, gA, gB, sA, sB, iA, iB):
        cid = lax.axis_index("c")
        sid = lax.axis_index("s")
        wid = cid * _NS + sid
        pltpu.sync_copy(src_hbm.at[wid], src_all)
        _zero_fill(rowsA, 0.0)
        _zero_fill(rowsB, 0.0)
        for j in range(_RPT // _CH):
            pltpu.sync_copy(
                rowsA, acc_sh.at[pl.ds(sid * _RPT + j * _CH, _CH)])
        plsc.subcore_barrier()

        def gather(c, rows, sem):
            off = pl.multiple_of(c * _CH, 8)
            pltpu.make_async_copy(
                feat_hbm.at[src_all.at[pl.ds(off, _CH)]], rows, sem).start()

        def gwait(rows, sem):
            pltpu.make_async_copy(
                feat_hbm.at[src_all.at[pl.ds(0, _CH)]], rows, sem).wait()

        def idx_start(c, idx, sem):
            pltpu.make_async_copy(dst_hbm.at[wid, c], idx, sem).start()

        def idx_wait(idx, sem):
            pltpu.make_async_copy(dst_hbm.at[wid, 0], idx, sem).wait()

        def scat(rows, idx, sem):
            pltpu.make_async_copy(rows, acc_sh.at[idx], sem).start(add=True)

        def swait(rows, idx, sem):
            pltpu.make_async_copy(rows, acc_sh.at[idx], sem).wait()

        pltpu.sync_copy(dst_hbm.at[wid, 0], idxB)
        scat(rowsB, idxB, sB)
        idx_start(0, idxA, iA)

        def body(i, _):
            a = 2 * i
            gather(a, rowsA, gA)
            swait(rowsB, idxB, sB)
            idx_start(a + 1, idxB, iB)
            gwait(rowsA, gA)
            idx_wait(idxA, iA)
            scat(rowsA, idxA, sA)
            gather(a + 1, rowsB, gB)
            gwait(rowsB, gB)
            swait(rowsA, idxA, sA)
            nxt = jnp.minimum(a + 2, _NCHUNK - 1)
            idx_start(nxt, idxA, iA)
            idx_wait(idxB, iB)
            scat(rowsB, idxB, sB)
            return 0

        npairs = _NCHUNK // 2
        lax.fori_loop(0, npairs, body, 0)
        for c in range(2 * npairs, _NCHUNK):
            gather(c, rowsA, gA)
            swait(rowsB, idxB, sB)
            gwait(rowsA, gA)
            idx_wait(idxA, iA)
            scat(rowsA, idxA, sA)
            swait(rowsA, idxA, sA)
        if _NCHUNK % 2 == 0:
            swait(rowsB, idxB, sB)
            idx_wait(idxA, iA)
        plsc.subcore_barrier()

        obase = pl.multiple_of(sid * _RPT, 8)
        pltpu.sync_copy(acc_sh.at[pl.ds(obase, _RPT)],
                        acc_out.at[cid, pl.ds(obase, _RPT)])

    return k(feat, src2d, dst3d)


def _dense_tc(partials, counts, feat, Wl, Wr, b, relu):
    def body(p_ref, c_ref, f_ref, wl_ref, wr_ref, b_ref, o_ref):
        cnt = jnp.sum(c_ref[...], axis=0)
        recip = 1.0 / jnp.maximum(cnt, 1.0)
        agg = jnp.sum(p_ref[...], axis=0) * recip
        y = (jnp.dot(agg, wl_ref[...], preferred_element_type=jnp.float32)
             + jnp.dot(f_ref[...], wr_ref[...],
                       preferred_element_type=jnp.float32)
             + b_ref[...])
        if relu:
            y = jnp.maximum(y, 0.0)
        o_ref[...] = y

    return pl.pallas_call(
        body,
        grid=(_NP // _RB,),
        in_specs=[
            pl.BlockSpec((_NC, _RB, _D), lambda i: (0, i, 0)),
            pl.BlockSpec((_NC, _RB, 1), lambda i: (0, i, 0)),
            pl.BlockSpec((_RB, _D), lambda i: (i, 0)),
            pl.BlockSpec((_D, _D), lambda i: (0, 0)),
            pl.BlockSpec((_D, _D), lambda i: (0, 0)),
            pl.BlockSpec((1, _D), lambda i: (0, 0)),
        ],
        out_specs=pl.BlockSpec((_RB, _D), lambda i: (i, 0)),
        out_shape=jax.ShapeDtypeStruct((_N, _D), jnp.float32),
    )(partials, counts, feat, Wl, Wr, b)


def kernel(x, edge_index, Wl1, Wr1, b1, Wl2, Wr2, b2):
    src2d = edge_index[0].reshape(_NW, _EPT)
    dst3d = edge_index[1].reshape(_NW, _NCHUNK, _CH)
    cnt = _count_sc(dst3d)[:, :, :1]
    p1 = _seg_sum_sc(x, src2d, dst3d)
    h = _dense_tc(p1, cnt, x, Wl1, Wr1, b1.reshape(1, _D), relu=True)
    p2 = _seg_sum_sc(h, src2d, dst3d)
    out = _dense_tc(p2, cnt, h, Wl2, Wr2, b2.reshape(1, _D), relu=False)
    return out

# --- scband reference (transcript-rebuilt; emitter-appended) ---
"""Pipeline reference for scband-qsage-77154792505948 (READ-ONLY COPY).

The authoritative reference and input builder live on the scoring server;
editing this copy changes nothing except your own understanding.
"""

import jax, jax.numpy as jnp
import numpy as np

N = 10000
E = 320000
D_IN = 128
D_H = 128
D_OUT = 128


def setup_inputs(seed: int = 0) -> dict:
    key = jax.random.key(seed)
    ks = jax.random.split(key, 8)
    x = jax.random.normal(ks[0], (N, D_IN), dtype=jnp.float32)
    edge_index = jax.random.randint(ks[1], (2, E), 0, N, dtype=jnp.int32)
    s1 = 1.0 / np.sqrt(D_IN)
    s2 = 1.0 / np.sqrt(D_H)
    Wl1 = jax.random.normal(ks[2], (D_IN, D_H), dtype=jnp.float32) * s1
    Wr1 = jax.random.normal(ks[3], (D_IN, D_H), dtype=jnp.float32) * s1
    b1 = jnp.zeros((D_H,), dtype=jnp.float32)
    Wl2 = jax.random.normal(ks[4], (D_H, D_OUT), dtype=jnp.float32) * s2
    Wr2 = jax.random.normal(ks[5], (D_H, D_OUT), dtype=jnp.float32) * s2
    b2 = jnp.zeros((D_OUT,), dtype=jnp.float32)
    return {"x": x, "edge_index": edge_index, "Wl1": Wl1, "Wr1": Wr1, "b1": b1, "Wl2": Wl2, "Wr2": Wr2, "b2": b2}


def _sage_conv(x, edge_index, Wl, Wr, b):
    # GraphSAGE with mean aggregation: out = mean_agg(x)[dst] @ Wl + x @ Wr + b
    src = edge_index[0]
    dst = edge_index[1]
    msgs = jnp.take(x, src, axis=0)  # gather [E, d]
    summed = jax.ops.segment_sum(msgs, dst, num_segments=x.shape[0])  # scatter-add
    cnt = jax.ops.segment_sum(jnp.ones((msgs.shape[0],), dtype=x.dtype), dst, num_segments=x.shape[0])
    agg = summed / jnp.clip(cnt, 1.0)[:, None]
    return agg @ Wl + x @ Wr + b


def reference(x, edge_index, Wl1, Wr1, b1, Wl2, Wr2, b2):
    # full_precision_forward: sage_1 -> ReLU -> dropout(eval: identity) -> sage_2
    h = _sage_conv(x, edge_index, Wl1, Wr1, b1)
    h = jax.nn.relu(h)
    # dropout(p=0.5, training=False) is identity in eval mode
    out = _sage_conv(h, edge_index, Wl2, Wr2, b2)
    return out

if __name__ == "__main__":
    import jax
    _d = setup_inputs()
    print(jax.jit(kernel)(*tuple(_d.values())))

</pallas_src>

<mosaic_0001>
#map = affine_map<(d0, d1) -> (0, 0, 0)>
module attributes {stable_mosaic.version = 14 : i64} {
  func.func @k(%arg0: i32, %arg1: i32, %arg2: memref<32x125x80xi32, #tpu.memory_space<hbm>>, %arg3: memref<2x10240x128xf32, #tpu.memory_space<hbm>>, %arg4: memref<125x80xi32, #tpu.memory_space<vmem>>, %arg5: memref<80x128xf32, #tpu.memory_space<vmem>>, %arg6: memref<80x128xf32, #tpu.memory_space<vmem>>, %arg7: memref<10240x128xf32, #tpu.memory_space<vmem_shared>>, %arg8: memref<!tpu.dma_semaphore, #tpu.memory_space<semaphore_mem>>, %arg9: memref<!tpu.dma_semaphore, #tpu.memory_space<semaphore_mem>>) attributes {dimension_semantics = [#tpu.dimension_semantics<core_parallel>, #tpu.dimension_semantics<subcore_parallel>], iteration_bounds = array<i64: 2, 16>, scalar_prefetch = 0 : i64, scratch_operands = 6 : i64, tpu.core_type = #tpu.core_type<sc_vector_subcore>, window_params = [{transform_indices = #map}, {transform_indices = #map}]} {
    %mul3A = arith.constant 16 : i32
    %mul3A_0 = arith.muli %arg0, %mul3A : i32
    %add3A = arith.addi %mul3A_0, %arg1 : i32
    "tpu.region"() ({
      %run_scoped3A = tpu.sem_alloc : memref<!tpu.dma_semaphore, #tpu.memory_space<semaphore_mem>>
      %dma_start3A_99 = arith.constant 0 : i32
      %dma_start3A_100 = arith.constant 0 : i32
      %dma_start3A_101 = tpu.memref_slice %arg2[%add3A, %dma_start3A_99, %dma_start3A_100] : memref<32x125x80xi32, #tpu.memory_space<hbm>> -> memref<1x125x80xi32, #tpu.memory_space<hbm>>
      %dma_start3A_102 = tpu.memref_squeeze %dma_start3A_101 : memref<1x125x80xi32, #tpu.memory_space<hbm>> -> memref<125x80xi32, #tpu.memory_space<hbm>>
      %dma_start3A_103 = arith.constant 0 : i32
      %dma_start3A_104 = arith.constant 0 : i32
      %dma_start3A_105 = tpu.memref_slice %arg2[%add3A, %dma_start3A_103, %dma_start3A_104] : memref<32x125x80xi32, #tpu.memory_space<hbm>> -> memref<1x125x80xi32, #tpu.memory_space<hbm>>
      %dma_start3A_106 = tpu.memref_squeeze %dma_start3A_105 : memref<1x125x80xi32, #tpu.memory_space<hbm>> -> memref<125x80xi32, #tpu.memory_space<hbm>>
      tpu.enqueue_dma source(%dma_start3A_106 : memref<125x80xi32, #tpu.memory_space<hbm>>) target(%arg4 : memref<125x80xi32, #tpu.memory_space<vmem>>) target_semaphore(%run_scoped3A : memref<!tpu.dma_semaphore, #tpu.memory_space<semaphore_mem>>)
      %dma_wait3A_107 = arith.constant 0 : i32
      %dma_wait3A_108 = arith.constant 0 : i32
      %dma_wait3A_109 = tpu.memref_slice %arg2[%add3A, %dma_wait3A_107, %dma_wait3A_108] : memref<32x125x80xi32, #tpu.memory_space<hbm>> -> memref<1x125x80xi32, #tpu.memory_space<hbm>>
      %dma_wait3A_110 = tpu.memref_squeeze %dma_wait3A_109 : memref<1x125x80xi32, #tpu.memory_space<hbm>> -> memref<125x80xi32, #tpu.memory_space<hbm>>
      %dma_wait3A_111 = arith.constant 0 : i32
      %dma_wait3A_112 = arith.constant 0 : i32
      %dma_wait3A_113 = tpu.memref_slice %arg2[%add3A, %dma_wait3A_111, %dma_wait3A_112] : memref<32x125x80xi32, #tpu.memory_space<hbm>> -> memref<1x125x80xi32, #tpu.memory_space<hbm>>
      %dma_wait3A_114 = tpu.memref_squeeze %dma_wait3A_113 : memref<1x125x80xi32, #tpu.memory_space<hbm>> -> memref<125x80xi32, #tpu.memory_space<hbm>>
      tpu.wait_dma2 semaphore(%run_scoped3A : memref<!tpu.dma_semaphore, #tpu.memory_space<semaphore_mem>>) src(%dma_wait3A_114 : memref<125x80xi32, #tpu.memory_space<hbm>>) dst(%arg4 : memref<125x80xi32, #tpu.memory_space<vmem>>)
      tpu.yield
    }) : () -> ()
    %broadcast_in_dim3A = arith.constant 1.000000e+00 : f32
    %broadcast_in_dim3A_1 = vector.broadcast %broadcast_in_dim3A : f32 to vector<16xf32>
    %scan3A = arith.constant 0 : i32
    %scan3A_2 = arith.constant 0 : i32
    %scan3A_3 = arith.constant 80 : i32
    %scan3A_4 = arith.addi %scan3A_2, %scan3A_3 : i32
    %scan3A_5 = arith.constant 1 : i32
    %scan3A_6 = scf.for %scan3A_99 = %scan3A_2 to %scan3A_4 step %scan3A_5 iter_args(%scan3A_100 = %scan3A) -> (i32)  : i32 {
      %swap3A = arith.index_cast %scan3A_99 : i32 to index
      %swap3A_101 = arith.constant 0 : index
      %swap3A_102 = tpu.vector_load %arg5[%swap3A, %swap3A_101] {strides = array<i32>} : memref<80x128xf32, #tpu.memory_space<vmem>>, vector<1x16xf32>,
      %swap3A_103 = vector.shape_cast %swap3A_102 : vector<1x16xf32> to vector<16xf32>
      %swap3A_104 = vector.shape_cast %broadcast_in_dim3A_1 : vector<16xf32> to vector<1x16xf32>
      tpu.vector_store %arg5[%swap3A, %swap3A_101], %swap3A_104 {strides = array<i32>} : memref<80x128xf32, #tpu.memory_space<vmem>>, vector<1x16xf32>,
      %swap3A_105 = arith.index_cast %scan3A_99 : i32 to index
      %swap3A_106 = arith.constant 16 : index
      %swap3A_107 = tpu.vector_load %arg5[%swap3A_105, %swap3A_106] {strides = array<i32>} : memref<80x128xf32, #tpu.memory_space<vmem>>, vector<1x16xf32>,
      %swap3A_108 = vector.shape_cast %swap3A_107 : vector<1x16xf32> to vector<16xf32>
      %swap3A_109 = vector.shape_cast %broadcast_in_dim3A_1 : vector<16xf32> to vector<1x16xf32>
      tpu.vector_store %arg5[%swap3A_105, %swap3A_106], %swap3A_109 {strides = array<i32>} : memref<80x128xf32, #tpu.memory_space<vmem>>, vector<1x16xf32>,
      %swap3A_110 = arith.index_cast %scan3A_99 : i32 to index
      %swap3A_111 = arith.constant 32 : index
      %swap3A_112 = tpu.vector_load %arg5[%swap3A_110, %swap3A_111] {strides = array<i32>} : memref<80x128xf32, #tpu.memory_space<vmem>>, vector<1x16xf32>,
      %swap3A_113 = vector.shape_cast %swap3A_112 : vector<1x16xf32> to vector<16xf32>
      %swap3A_114 = vector.shape_cast %broadcast_in_dim3A_1 : vector<16xf32> to vector<1x16xf32>
      tpu.vector_store %arg5[%swap3A_110, %swap3A_111], %swap3A_114 {strides = array<i32>} : memref<80x128xf32, #tpu.memory_space<vmem>>, vector<1x16xf32>,
      %swap3A_115 = arith.index_cast %scan3A_99 : i32 to index
      %swap3A_116 = arith.constant 48 : index
      %swap3A_117 = tpu.vector_load %arg5[%swap3A_115, %swap3A_116] {strides = array<i32>} : memref<80x128xf32, #tpu.memory_space<vmem>>, vector<1x16xf32>,
      %swap3A_118 = vector.shape_cast %swap3A_117 : vector<1x16xf32> to vector<16xf32>
      %swap3A_119 = vector.shape_cast %broadcast_in_dim3A_1 : vector<16xf32> to vector<1x16xf32>
      tpu.vector_store %arg5[%swap3A_115, %swap3A_116], %swap3A_119 {strides = array<i32>} : memref<80x128xf32, #tpu.memory_space<vmem>>, vector<1x16xf32>,
      %swap3A_120 = arith.index_cast %scan3A_99 : i32 to index
      %swap3A_121 = arith.constant 64 : index
      %swap3A_122 = tpu.vector_load %arg5[%swap3A_120, %swap3A_121] {strides = array<i32>} : memref<80x128xf32, #tpu.memory_space<vmem>>, vector<1x16xf32>,
      %swap3A_123 = vector.shape_cast %swap3A_122 : vector<1x16xf32> to vector<16xf32>
      %swap3A_124 = vector.shape_cast %broadcast_in_dim3A_1 : vector<16xf32> to vector<1x16xf32>
      tpu.vector_store %arg5[%swap3A_120, %swap3A_121], %swap3A_124 {strides = array<i32>} : memref<80x128xf32, #tpu.memory_space<vmem>>, vector<1x16xf32>,
      %swap3A_125 = arith.index_cast %scan3A_99 : i32 to index
      %swap3A_126 = arith.constant 80 : index
      %swap3A_127 = tpu.vector_load %arg5[%swap3A_125, %swap3A_126] {strides = array<i32>} : memref<80x128xf32, #tpu.memory_space<vmem>>, vector<1x16xf32>,
      %swap3A_128 = vector.shape_cast %swap3A_127 : vector<1x16xf32> to vector<16xf32>
      %swap3A_129 = vector.shape_cast %broadcast_in_dim3A_1 : vector<16xf32> to vector<1x16xf32>
      tpu.vector_store %arg5[%swap3A_125, %swap3A_126], %swap3A_129 {strides = array<i32>} : memref<80x128xf32, #tpu.memory_space<vmem>>, vector<1x16xf32>,
      %swap3A_130 = arith.index_cast %scan3A_99 : i32 to index
      %swap3A_131 = arith.constant 96 : index
      %swap3A_132 = tpu.vector_load %arg5[%swap3A_130, %swap3A_131] {strides = array<i32>} : memref<80x128xf32, #tpu.memory_space<vmem>>, vector<1x16xf32>,
      %swap3A_133 = vector.shape_cast %swap3A_132 : vector<1x16xf32> to vector<16xf32>
      %swap3A_134 = vector.shape_cast %broadcast_in_dim3A_1 : vector<16xf32> to vector<1x16xf32>
      tpu.vector_store %arg5[%swap3A_130, %swap3A_131], %swap3A_134 {strides = array<i32>} : memref<80x128xf32, #tpu.memory_space<vmem>>, vector<1x16xf32>,
      %swap3A_135 = arith.index_cast %scan3A_99 : i32 to index
      %swap3A_136 = arith.constant 112 : index
      %swap3A_137 = tpu.vector_load %arg5[%swap3A_135, %swap3A_136] {strides = array<i32>} : memref<80x128xf32, #tpu.memory_space<vmem>>, vector<1x16xf32>,
      %swap3A_138 = vector.shape_cast %swap3A_137 : vector<1x16xf32> to vector<16xf32>
      %swap3A_139 = vector.shape_cast %broadcast_in_dim3A_1 : vector<16xf32> to vector<1x16xf32>
      tpu.vector_store %arg5[%swap3A_135, %swap3A_136], %swap3A_139 {strides = array<i32>} : memref<80x128xf32, #tpu.memory_space<vmem>>, vector<1x16xf32>,
      %scan3A_140 = arith.constant 0 : i32
      scf.yield %scan3A_140 : i32
    }
    %scan3A_7 = arith.constant 80 : i32
    %broadcast_in_dim3A_8 = arith.constant 0.000000e+00 : f32
    %broadcast_in_dim3A_9 = vector.broadcast %broadcast_in_dim3A_8 : f32 to vector<16xf32>
    %scan3A_10 = arith.constant 0 : i32
    %scan3A_11 = arith.constant 0 : i32
    %scan3A_12 = arith.constant 80 : i32
    %scan3A_13 = arith.addi %scan3A_11, %scan3A_12 : i32
    %scan3A_14 = arith.constant 1 : i32
    %scan3A_15 = scf.for %scan3A_99 = %scan3A_11 to %scan3A_13 step %scan3A_14 iter_args(%scan3A_100 = %scan3A_10) -> (i32)  : i32 {
      %swap3A = arith.index_cast %scan3A_99 : i32 to index
      %swap3A_101 = arith.constant 0 : index
      %swap3A_102 = tpu.vector_load %arg6[%swap3A, %swap3A_101] {strides = array<i32>} : memref<80x128xf32, #tpu.memory_space<vmem>>, vector<1x16xf32>,
      %swap3A_103 = vector.shape_cast %swap3A_102 : vector<1x16xf32> to vector<16xf32>
      %swap3A_104 = vector.shape_cast %broadcast_in_dim3A_9 : vector<16xf32> to vector<1x16xf32>
      tpu.vector_store %arg6[%swap3A, %swap3A_101], %swap3A_104 {strides = array<i32>} : memref<80x128xf32, #tpu.memory_space<vmem>>, vector<1x16xf32>,
      %swap3A_105 = arith.index_cast %scan3A_99 : i32 to index
      %swap3A_106 = arith.constant 16 : index
      %swap3A_107 = tpu.vector_load %arg6[%swap3A_105, %swap3A_106] {strides = array<i32>} : memref<80x128xf32, #tpu.memory_space<vmem>>, vector<1x16xf32>,
      %swap3A_108 = vector.shape_cast %swap3A_107 : vector<1x16xf32> to vector<16xf32>
      %swap3A_109 = vector.shape_cast %broadcast_in_dim3A_9 : vector<16xf32> to vector<1x16xf32>
      tpu.vector_store %arg6[%swap3A_105, %swap3A_106], %swap3A_109 {strides = array<i32>} : memref<80x128xf32, #tpu.memory_space<vmem>>, vector<1x16xf32>,
      %swap3A_110 = arith.index_cast %scan3A_99 : i32 to index
      %swap3A_111 = arith.constant 32 : index
      %swap3A_112 = tpu.vector_load %arg6[%swap3A_110, %swap3A_111] {strides = array<i32>} : memref<80x128xf32, #tpu.memory_space<vmem>>, vector<1x16xf32>,
      %swap3A_113 = vector.shape_cast %swap3A_112 : vector<1x16xf32> to vector<16xf32>
      %swap3A_114 = vector.shape_cast %broadcast_in_dim3A_9 : vector<16xf32> to vector<1x16xf32>
      tpu.vector_store %arg6[%swap3A_110, %swap3A_111], %swap3A_114 {strides = array<i32>} : memref<80x128xf32, #tpu.memory_space<vmem>>, vector<1x16xf32>,
      %swap3A_115 = arith.index_cast %scan3A_99 : i32 to index
      %swap3A_116 = arith.constant 48 : index
      %swap3A_117 = tpu.vector_load %arg6[%swap3A_115, %swap3A_116] {strides = array<i32>} : memref<80x128xf32, #tpu.memory_space<vmem>>, vector<1x16xf32>,
      %swap3A_118 = vector.shape_cast %swap3A_117 : vector<1x16xf32> to vector<16xf32>
      %swap3A_119 = vector.shape_cast %broadcast_in_dim3A_9 : vector<16xf32> to vector<1x16xf32>
      tpu.vector_store %arg6[%swap3A_115, %swap3A_116], %swap3A_119 {strides = array<i32>} : memref<80x128xf32, #tpu.memory_space<vmem>>, vector<1x16xf32>,
      %swap3A_120 = arith.index_cast %scan3A_99 : i32 to index
      %swap3A_121 = arith.constant 64 : index
      %swap3A_122 = tpu.vector_load %arg6[%swap3A_120, %swap3A_121] {strides = array<i32>} : memref<80x128xf32, #tpu.memory_space<vmem>>, vector<1x16xf32>,
      %swap3A_123 = vector.shape_cast %swap3A_122 : vector<1x16xf32> to vector<16xf32>
      %swap3A_124 = vector.shape_cast %broadcast_in_dim3A_9 : vector<16xf32> to vector<1x16xf32>
      tpu.vector_store %arg6[%swap3A_120, %swap3A_121], %swap3A_124 {strides = array<i32>} : memref<80x128xf32, #tpu.memory_space<vmem>>, vector<1x16xf32>,
      %swap3A_125 = arith.index_cast %scan3A_99 : i32 to index
      %swap3A_126 = arith.constant 80 : index
      %swap3A_127 = tpu.vector_load %arg6[%swap3A_125, %swap3A_126] {strides = array<i32>} : memref<80x128xf32, #tpu.memory_space<vmem>>, vector<1x16xf32>,
      %swap3A_128 = vector.shape_cast %swap3A_127 : vector<1x16xf32> to vector<16xf32>
      %swap3A_129 = vector.shape_cast %broadcast_in_dim3A_9 : vector<16xf32> to vector<1x16xf32>
      tpu.vector_store %arg6[%swap3A_125, %swap3A_126], %swap3A_129 {strides = array<i32>} : memref<80x128xf32, #tpu.memory_space<vmem>>, vector<1x16xf32>,
      %swap3A_130 = arith.index_cast %scan3A_99 : i32 to index
      %swap3A_131 = arith.constant 96 : index
      %swap3A_132 = tpu.vector_load %arg6[%swap3A_130, %swap3A_131] {strides = array<i32>} : memref<80x128xf32, #tpu.memory_space<vmem>>, vector<1x16xf32>,
      %swap3A_133 = vector.shape_cast %swap3A_132 : vector<1x16xf32> to vector<16xf32>
      %swap3A_134 = vector.shape_cast %broadcast_in_dim3A_9 : vector<16xf32> to vector<1x16xf32>
      tpu.vector_store %arg6[%swap3A_130, %swap3A_131], %swap3A_134 {strides = array<i32>} : memref<80x128xf32, #tpu.memory_space<vmem>>, vector<1x16xf32>,
      %swap3A_135 = arith.index_cast %scan3A_99 : i32 to index
      %swap3A_136 = arith.constant 112 : index
      %swap3A_137 = tpu.vector_load %arg6[%swap3A_135, %swap3A_136] {strides = array<i32>} : memref<80x128xf32, #tpu.memory_space<vmem>>, vector<1x16xf32>,
      %swap3A_138 = vector.shape_cast %swap3A_137 : vector<1x16xf32> to vector<16xf32>
      %swap3A_139 = vector.shape_cast %broadcast_in_dim3A_9 : vector<16xf32> to vector<1x16xf32>
      tpu.vector_store %arg6[%swap3A_135, %swap3A_136], %swap3A_139 {strides = array<i32>} : memref<80x128xf32, #tpu.memory_space<vmem>>, vector<1x16xf32>,
      %scan3A_140 = arith.constant 0 : i32
      scf.yield %scan3A_140 : i32
    }
    %scan3A_16 = arith.constant 80 : i32
    %mul3A_17 = arith.constant 640 : i32
    %mul3A_18 = arith.muli %arg1, %mul3A_17 : i32
    %add3A_19 = arith.constant 0 : i32
    %add3A_20 = arith.addi %mul3A_18, %add3A_19 : i32
    "tpu.region"() ({
      %run_scoped3A = tpu.sem_alloc : memref<!tpu.dma_semaphore, #tpu.memory_space<semaphore_mem>>
      %dma_start3A_99 = arith.constant 0 : i32
      %dma_start3A_100 = tpu.memref_slice %arg7[%add3A_20, %dma_start3A_99] : memref<10240x128xf32, #tpu.memory_space<vmem_shared>> -> memref<80x128xf32, #tpu.memory_space<vmem_shared>>
      %dma_start3A_101 = arith.constant 0 : i32
      %dma_start3A_102 = tpu.memref_slice %arg7[%add3A_20, %dma_start3A_101] : memref<10240x128xf32, #tpu.memory_space<vmem_shared>> -> memref<80x128xf32, #tpu.memory_space<vmem_shared>>
      tpu.enqueue_dma source(%arg6 : memref<80x128xf32, #tpu.memory_space<vmem>>) target(%dma_start3A_102 : memref<80x128xf32, #tpu.memory_space<vmem_shared>>) target_semaphore(%run_scoped3A : memref<!tpu.dma_semaphore, #tpu.memory_space<semaphore_mem>>)
      %dma_wait3A_103 = arith.constant 0 : i32
      %dma_wait3A_104 = tpu.memref_slice %arg7[%add3A_20, %dma_wait3A_103] : memref<10240x128xf32, #tpu.memory_space<vmem_shared>> -> memref<80x128xf32, #tpu.memory_space<vmem_shared>>
      %dma_wait3A_105 = arith.constant 0 : i32
      %dma_wait3A_106 = tpu.memref_slice %arg7[%add3A_20, %dma_wait3A_105] : memref<10240x128xf32, #tpu.memory_space<vmem_shared>> -> memref<80x128xf32, #tpu.memory_space<vmem_shared>>
      tpu.wait_dma2 semaphore(%run_scoped3A : memref<!tpu.dma_semaphore, #tpu.memory_space<semaphore_mem>>) src(%arg6 : memref<80x128xf32, #tpu.memory_space<vmem>>) dst(%dma_wait3A_106 : memref<80x128xf32, #tpu.memory_space<vmem_shared>>)
      tpu.yield
    }) : () -> ()
    %mul3A_21 = arith.constant 640 : i32
    %mul3A_22 = arith.muli %arg1, %mul3A_21 : i32
    %add3A_23 = arith.constant 80 : i32
    %add3A_24 = arith.addi %mul3A_22, %add3A_23 : i32
    "tpu.region"() ({
      %run_scoped3A = tpu.sem_alloc : memref<!tpu.dma_semaphore, #tpu.memory_space<semaphore_mem>>
      %dma_start3A_99 = arith.constant 0 : i32
      %dma_start3A_100 = tpu.memref_slice %arg7[%add3A_24, %dma_start3A_99] : memref<10240x128xf32, #tpu.memory_space<vmem_shared>> -> memref<80x128xf32, #tpu.memory_space<vmem_shared>>
      %dma_start3A_101 = arith.constant 0 : i32
      %dma_start3A_102 = tpu.memref_slice %arg7[%add3A_24, %dma_start3A_101] : memref<10240x128xf32, #tpu.memory_space<vmem_shared>> -> memref<80x128xf32, #tpu.memory_space<vmem_shared>>
      tpu.enqueue_dma source(%arg6 : memref<80x128xf32, #tpu.memory_space<vmem>>) target(%dma_start3A_102 : memref<80x128xf32, #tpu.memory_space<vmem_shared>>) target_semaphore(%run_scoped3A : memref<!tpu.dma_semaphore, #tpu.memory_space<semaphore_mem>>)
      %dma_wait3A_103 = arith.constant 0 : i32
      %dma_wait3A_104 = tpu.memref_slice %arg7[%add3A_24, %dma_wait3A_103] : memref<10240x128xf32, #tpu.memory_space<vmem_shared>> -> memref<80x128xf32, #tpu.memory_space<vmem_shared>>
      %dma_wait3A_105 = arith.constant 0 : i32
      %dma_wait3A_106 = tpu.memref_slice %arg7[%add3A_24, %dma_wait3A_105] : memref<10240x128xf32, #tpu.memory_space<vmem_shared>> -> memref<80x128xf32, #tpu.memory_space<vmem_shared>>
      tpu.wait_dma2 semaphore(%run_scoped3A : memref<!tpu.dma_semaphore, #tpu.memory_space<semaphore_mem>>) src(%arg6 : memref<80x128xf32, #tpu.memory_space<vmem>>) dst(%dma_wait3A_106 : memref<80x128xf32, #tpu.memory_space<vmem_shared>>)
      tpu.yield
    }) : () -> ()
    %mul3A_25 = arith.constant 640 : i32
    %mul3A_26 = arith.muli %arg1, %mul3A_25 : i32
    %add3A_27 = arith.constant 160 : i32
    %add3A_28 = arith.addi %mul3A_26, %add3A_27 : i32
    "tpu.region"() ({
      %run_scoped3A = tpu.sem_alloc : memref<!tpu.dma_semaphore, #tpu.memory_space<semaphore_mem>>
      %dma_start3A_99 = arith.constant 0 : i32
      %dma_start3A_100 = tpu.memref_slice %arg7[%add3A_28, %dma_start3A_99] : memref<10240x128xf32, #tpu.memory_space<vmem_shared>> -> memref<80x128xf32, #tpu.memory_space<vmem_shared>>
      %dma_start3A_101 = arith.constant 0 : i32
      %dma_start3A_102 = tpu.memref_slice %arg7[%add3A_28, %dma_start3A_101] : memref<10240x128xf32, #tpu.memory_space<vmem_shared>> -> memref<80x128xf32, #tpu.memory_space<vmem_shared>>
      tpu.enqueue_dma source(%arg6 : memref<80x128xf32, #tpu.memory_space<vmem>>) target(%dma_start3A_102 : memref<80x128xf32, #tpu.memory_space<vmem_shared>>) target_semaphore(%run_scoped3A : memref<!tpu.dma_semaphore, #tpu.memory_space<semaphore_mem>>)
      %dma_wait3A_103 = arith.constant 0 : i32
      %dma_wait3A_104 = tpu.memref_slice %arg7[%add3A_28, %dma_wait3A_103] : memref<10240x128xf32, #tpu.memory_space<vmem_shared>> -> memref<80x128xf32, #tpu.memory_space<vmem_shared>>
      %dma_wait3A_105 = arith.constant 0 : i32
      %dma_wait3A_106 = tpu.memref_slice %arg7[%add3A_28, %dma_wait3A_105] : memref<10240x128xf32, #tpu.memory_space<vmem_shared>> -> memref<80x128xf32, #tpu.memory_space<vmem_shared>>
      tpu.wait_dma2 semaphore(%run_scoped3A : memref<!tpu.dma_semaphore, #tpu.memory_space<semaphore_mem>>) src(%arg6 : memref<80x128xf32, #tpu.memory_space<vmem>>) dst(%dma_wait3A_106 : memref<80x128xf32, #tpu.memory_space<vmem_shared>>)
      tpu.yield
    }) : () -> ()
    %mul3A_29 = arith.constant 640 : i32
    %mul3A_30 = arith.muli %arg1, %mul3A_29 : i32
    %add3A_31 = arith.constant 240 : i32
    %add3A_32 = arith.addi %mul3A_30, %add3A_31 : i32
    "tpu.region"() ({
      %run_scoped3A = tpu.sem_alloc : memref<!tpu.dma_semaphore, #tpu.memory_space<semaphore_mem>>
      %dma_start3A_99 = arith.constant 0 : i32
      %dma_start3A_100 = tpu.memref_slice %arg7[%add3A_32, %dma_start3A_99] : memref<10240x128xf32, #tpu.memory_space<vmem_shared>> -> memref<80x128xf32, #tpu.memory_space<vmem_shared>>
      %dma_start3A_101 = arith.constant 0 : i32
      %dma_start3A_102 = tpu.memref_slice %arg7[%add3A_32, %dma_start3A_101] : memref<10240x128xf32, #tpu.memory_space<vmem_shared>> -> memref<80x128xf32, #tpu.memory_space<vmem_shared>>
      tpu.enqueue_dma source(%arg6 : memref<80x128xf32, #tpu.memory_space<vmem>>) target(%dma_start3A_102 : memref<80x128xf32, #tpu.memory_space<vmem_shared>>) target_semaphore(%run_scoped3A : memref<!tpu.dma_semaphore, #tpu.memory_space<semaphore_mem>>)
      %dma_wait3A_103 = arith.constant 0 : i32
      %dma_wait3A_104 = tpu.memref_slice %arg7[%add3A_32, %dma_wait3A_103] : memref<10240x128xf32, #tpu.memory_space<vmem_shared>> -> memref<80x128xf32, #tpu.memory_space<vmem_shared>>
      %dma_wait3A_105 = arith.constant 0 : i32
      %dma_wait3A_106 = tpu.memref_slice %arg7[%add3A_32, %dma_wait3A_105] : memref<10240x128xf32, #tpu.memory_space<vmem_shared>> -> memref<80x128xf32, #tpu.memory_space<vmem_shared>>
      tpu.wait_dma2 semaphore(%run_scoped3A : memref<!tpu.dma_semaphore, #tpu.memory_space<semaphore_mem>>) src(%arg6 : memref<80x128xf32, #tpu.memory_space<vmem>>) dst(%dma_wait3A_106 : memref<80x128xf32, #tpu.memory_space<vmem_shared>>)
      tpu.yield
    }) : () -> ()
    %mul3A_33 = arith.constant 640 : i32
    %mul3A_34 = arith.muli %arg1, %mul3A_33 : i32
    %add3A_35 = arith.constant 320 : i32
    %add3A_36 = arith.addi %mul3A_34, %add3A_35 : i32
    "tpu.region"() ({
      %run_scoped3A = tpu.sem_alloc : memref<!tpu.dma_semaphore, #tpu.memory_space<semaphore_mem>>
      %dma_start3A_99 = arith.constant 0 : i32
      %dma_start3A_100 = tpu.memref_slice %arg7[%add3A_36, %dma_start3A_99] : memref<10240x128xf32, #tpu.memory_space<vmem_shared>> -> memref<80x128xf32, #tpu.memory_space<vmem_shared>>
      %dma_start3A_101 = arith.constant 0 : i32
      %dma_start3A_102 = tpu.memref_slice %arg7[%add3A_36, %dma_start3A_101] : memref<10240x128xf32, #tpu.memory_space<vmem_shared>> -> memref<80x128xf32, #tpu.memory_space<vmem_shared>>
      tpu.enqueue_dma source(%arg6 : memref<80x128xf32, #tpu.memory_space<vmem>>) target(%dma_start3A_102 : memref<80x128xf32, #tpu.memory_space<vmem_shared>>) target_semaphore(%run_scoped3A : memref<!tpu.dma_semaphore, #tpu.memory_space<semaphore_mem>>)
      %dma_wait3A_103 = arith.constant 0 : i32
      %dma_wait3A_104 = tpu.memref_slice %arg7[%add3A_36, %dma_wait3A_103] : memref<10240x128xf32, #tpu.memory_space<vmem_shared>> -> memref<80x128xf32, #tpu.memory_space<vmem_shared>>
      %dma_wait3A_105 = arith.constant 0 : i32
      %dma_wait3A_106 = tpu.memref_slice %arg7[%add3A_36, %dma_wait3A_105] : memref<10240x128xf32, #tpu.memory_space<vmem_shared>> -> memref<80x128xf32, #tpu.memory_space<vmem_shared>>
      tpu.wait_dma2 semaphore(%run_scoped3A : memref<!tpu.dma_semaphore, #tpu.memory_space<semaphore_mem>>) src(%arg6 : memref<80x128xf32, #tpu.memory_space<vmem>>) dst(%dma_wait3A_106 : memref<80x128xf32, #tpu.memory_space<vmem_shared>>)
      tpu.yield
    }) : () -> ()
    %mul3A_37 = arith.constant 640 : i32
    %mul3A_38 = arith.muli %arg1, %mul3A_37 : i32
    %add3A_39 = arith.constant 400 : i32
    %add3A_40 = arith.addi %mul3A_38, %add3A_39 : i32
    "tpu.region"() ({
      %run_scoped3A = tpu.sem_alloc : memref<!tpu.dma_semaphore, #tpu.memory_space<semaphore_mem>>
      %dma_start3A_99 = arith.constant 0 : i32
      %dma_start3A_100 = tpu.memref_slice %arg7[%add3A_40, %dma_start3A_99] : memref<10240x128xf32, #tpu.memory_space<vmem_shared>> -> memref<80x128xf32, #tpu.memory_space<vmem_shared>>
      %dma_start3A_101 = arith.constant 0 : i32
      %dma_start3A_102 = tpu.memref_slice %arg7[%add3A_40, %dma_start3A_101] : memref<10240x128xf32, #tpu.memory_space<vmem_shared>> -> memref<80x128xf32, #tpu.memory_space<vmem_shared>>
      tpu.enqueue_dma source(%arg6 : memref<80x128xf32, #tpu.memory_space<vmem>>) target(%dma_start3A_102 : memref<80x128xf32, #tpu.memory_space<vmem_shared>>) target_semaphore(%run_scoped3A : memref<!tpu.dma_semaphore, #tpu.memory_space<semaphore_mem>>)
      %dma_wait3A_103 = arith.constant 0 : i32
      %dma_wait3A_104 = tpu.memref_slice %arg7[%add3A_40, %dma_wait3A_103] : memref<10240x128xf32, #tpu.memory_space<vmem_shared>> -> memref<80x128xf32, #tpu.memory_space<vmem_shared>>
      %dma_wait3A_105 = arith.constant 0 : i32
      %dma_wait3A_106 = tpu.memref_slice %arg7[%add3A_40, %dma_wait3A_105] : memref<10240x128xf32, #tpu.memory_space<vmem_shared>> -> memref<80x128xf32, #tpu.memory_space<vmem_shared>>
      tpu.wait_dma2 semaphore(%run_scoped3A : memref<!tpu.dma_semaphore, #tpu.memory_space<semaphore_mem>>) src(%arg6 : memref<80x128xf32, #tpu.memory_space<vmem>>) dst(%dma_wait3A_106 : memref<80x128xf32, #tpu.memory_space<vmem_shared>>)
      tpu.yield
    }) : () -> ()
    %mul3A_41 = arith.constant 640 : i32
    %mul3A_42 = arith.muli %arg1, %mul3A_41 : i32
    %add3A_43 = arith.constant 480 : i32
    %add3A_44 = arith.addi %mul3A_42, %add3A_43 : i32
    "tpu.region"() ({
      %run_scoped3A = tpu.sem_alloc : memref<!tpu.dma_semaphore, #tpu.memory_space<semaphore_mem>>
      %dma_start3A_99 = arith.constant 0 : i32
      %dma_start3A_100 = tpu.memref_slice %arg7[%add3A_44, %dma_start3A_99] : memref<10240x128xf32, #tpu.memory_space<vmem_shared>> -> memref<80x128xf32, #tpu.memory_space<vmem_shared>>
      %dma_start3A_101 = arith.constant 0 : i32
      %dma_start3A_102 = tpu.memref_slice %arg7[%add3A_44, %dma_start3A_101] : memref<10240x128xf32, #tpu.memory_space<vmem_shared>> -> memref<80x128xf32, #tpu.memory_space<vmem_shared>>
      tpu.enqueue_dma source(%arg6 : memref<80x128xf32, #tpu.memory_space<vmem>>) target(%dma_start3A_102 : memref<80x128xf32, #tpu.memory_space<vmem_shared>>) target_semaphore(%run_scoped3A : memref<!tpu.dma_semaphore, #tpu.memory_space<semaphore_mem>>)
      %dma_wait3A_103 = arith.constant 0 : i32
      %dma_wait3A_104 = tpu.memref_slice %arg7[%add3A_44, %dma_wait3A_103] : memref<10240x128xf32, #tpu.memory_space<vmem_shared>> -> memref<80x128xf32, #tpu.memory_space<vmem_shared>>
      %dma_wait3A_105 = arith.constant 0 : i32
      %dma_wait3A_106 = tpu.memref_slice %arg7[%add3A_44, %dma_wait3A_105] : memref<10240x128xf32, #tpu.memory_space<vmem_shared>> -> memref<80x128xf32, #tpu.memory_space<vmem_shared>>
      tpu.wait_dma2 semaphore(%run_scoped3A : memref<!tpu.dma_semaphore, #tpu.memory_space<semaphore_mem>>) src(%arg6 : memref<80x128xf32, #tpu.memory_space<vmem>>) dst(%dma_wait3A_106 : memref<80x128xf32, #tpu.memory_space<vmem_shared>>)
      tpu.yield
    }) : () -> ()
    %mul3A_45 = arith.constant 640 : i32
    %mul3A_46 = arith.muli %arg1, %mul3A_45 : i32
    %add3A_47 = arith.constant 560 : i32
    %add3A_48 = arith.addi %mul3A_46, %add3A_47 : i32
    "tpu.region"() ({
      %run_scoped3A = tpu.sem_alloc : memref<!tpu.dma_semaphore, #tpu.memory_space<semaphore_mem>>
      %dma_start3A_99 = arith.constant 0 : i32
      %dma_start3A_100 = tpu.memref_slice %arg7[%add3A_48, %dma_start3A_99] : memref<10240x128xf32, #tpu.memory_space<vmem_shared>> -> memref<80x128xf32, #tpu.memory_space<vmem_shared>>
      %dma_start3A_101 = arith.constant 0 : i32
      %dma_start3A_102 = tpu.memref_slice %arg7[%add3A_48, %dma_start3A_101] : memref<10240x128xf32, #tpu.memory_space<vmem_shared>> -> memref<80x128xf32, #tpu.memory_space<vmem_shared>>
      tpu.enqueue_dma source(%arg6 : memref<80x128xf32, #tpu.memory_space<vmem>>) target(%dma_start3A_102 : memref<80x128xf32, #tpu.memory_space<vmem_shared>>) target_semaphore(%run_scoped3A : memref<!tpu.dma_semaphore, #tpu.memory_space<semaphore_mem>>)
      %dma_wait3A_103 = arith.constant 0 : i32
      %dma_wait3A_104 = tpu.memref_slice %arg7[%add3A_48, %dma_wait3A_103] : memref<10240x128xf32, #tpu.memory_space<vmem_shared>> -> memref<80x128xf32, #tpu.memory_space<vmem_shared>>
      %dma_wait3A_105 = arith.constant 0 : i32
      %dma_wait3A_106 = tpu.memref_slice %arg7[%add3A_48, %dma_wait3A_105] : memref<10240x128xf32, #tpu.memory_space<vmem_shared>> -> memref<80x128xf32, #tpu.memory_space<vmem_shared>>
      tpu.wait_dma2 semaphore(%run_scoped3A : memref<!tpu.dma_semaphore, #tpu.memory_space<semaphore_mem>>) src(%arg6 : memref<80x128xf32, #tpu.memory_space<vmem>>) dst(%dma_wait3A_106 : memref<80x128xf32, #tpu.memory_space<vmem_shared>>)
      tpu.yield
    }) : () -> ()
    %barrier3A = arith.constant 0 : index
    tpu.barrier barrier_id(%barrier3A)
    %dma_start3A = arith.constant 0 : i32
    %dma_start3A_49 = arith.constant 0 : i32
    %dma_start3A_50 = tpu.memref_slice %arg4[%dma_start3A, %dma_start3A_49] : memref<125x80xi32, #tpu.memory_space<vmem>> -> memref<1x80xi32, #tpu.memory_space<vmem>>
    %dma_start3A_51 = tpu.memref_squeeze %dma_start3A_50 : memref<1x80xi32, #tpu.memory_space<vmem>> -> memref<80xi32, #tpu.memory_space<vmem>>
    %dma_start3A_52 = arith.constant 0 : i32
    %dma_start3A_53 = arith.constant 0 : i32
    %dma_start3A_54 = tpu.memref_slice %arg7[%dma_start3A_52, %dma_start3A_53] : memref<10240x128xf32, #tpu.memory_space<vmem_shared>> -> memref<10240x128xf32, #tpu.memory_space<vmem_shared>>
    tpu.enqueue_indirect_dma source(%arg5 : memref<80x128xf32, #tpu.memory_space<vmem>>) target(%dma_start3A_54 : memref<10240x128xf32, #tpu.memory_space<vmem_shared>>) offsets(%dma_start3A_51 : memref<80xi32, #tpu.memory_space<vmem>>) semaphore(%arg8 : memref<!tpu.dma_semaphore, #tpu.memory_space<semaphore_mem>>) {add = true}
    %dma_start3A_55 = arith.constant 1 : i32
    %dma_start3A_56 = arith.constant 0 : i32
    %dma_start3A_57 = tpu.memref_slice %arg4[%dma_start3A_55, %dma_start3A_56] : memref<125x80xi32, #tpu.memory_space<vmem>> -> memref<1x80xi32, #tpu.memory_space<vmem>>
    %dma_start3A_58 = tpu.memref_squeeze %dma_start3A_57 : memref<1x80xi32, #tpu.memory_space<vmem>> -> memref<80xi32, #tpu.memory_space<vmem>>
    %dma_start3A_59 = arith.constant 0 : i32
    %dma_start3A_60 = arith.constant 0 : i32
    %dma_start3A_61 = tpu.memref_slice %arg7[%dma_start3A_59, %dma_start3A_60] : memref<10240x128xf32, #tpu.memory_space<vmem_shared>> -> memref<10240x128xf32, #tpu.memory_space<vmem_shared>>
    tpu.enqueue_indirect_dma source(%arg5 : memref<80x128xf32, #tpu.memory_space<vmem>>) target(%dma_start3A_61 : memref<10240x128xf32, #tpu.memory_space<vmem_shared>>) offsets(%dma_start3A_58 : memref<80xi32, #tpu.memory_space<vmem>>) semaphore(%arg9 : memref<!tpu.dma_semaphore, #tpu.memory_space<semaphore_mem>>) {add = true}
    %scan3A_62 = arith.constant 0 : i32
    %scan3A_63 = arith.constant 0 : i32
    %scan3A_64 = arith.constant 61 : i32
    %scan3A_65 = arith.addi %scan3A_63, %scan3A_64 : i32
    %scan3A_66 = arith.constant 1 : i32
    %scan3A_67 = scf.for %scan3A_99 = %scan3A_63 to %scan3A_65 step %scan3A_66 iter_args(%scan3A_100 = %scan3A_62) -> (i32)  : i32 {
      %dma_wait3A_101 = arith.constant 0 : i32
      %dma_wait3A_102 = arith.constant 0 : i32
      %dma_wait3A_103 = tpu.memref_slice %arg4[%dma_wait3A_101, %dma_wait3A_102] : memref<125x80xi32, #tpu.memory_space<vmem>> -> memref<1x80xi32, #tpu.memory_space<vmem>>
      %dma_wait3A_104 = tpu.memref_squeeze %dma_wait3A_103 : memref<1x80xi32, #tpu.memory_space<vmem>> -> memref<80xi32, #tpu.memory_space<vmem>>
      %dma_wait3A_105 = arith.constant 0 : i32
      %dma_wait3A_106 = arith.constant 0 : i32
      %dma_wait3A_107 = tpu.memref_slice %arg7[%dma_wait3A_105, %dma_wait3A_106] : memref<10240x128xf32, #tpu.memory_space<vmem_shared>> -> memref<10240x128xf32, #tpu.memory_space<vmem_shared>>
      tpu.wait_indirect_dma semaphore(%arg8 : memref<!tpu.dma_semaphore, #tpu.memory_space<semaphore_mem>>) src(%arg5 : memref<80x128xf32, #tpu.memory_space<vmem>>) dst(%dma_wait3A_107 : memref<10240x128xf32, #tpu.memory_space<vmem_shared>>)
      %mul3A_108 = arith.constant 2 : i32
      %mul3A_109 = arith.muli %mul3A_108, %scan3A_99 : i32
      %add3A_110 = arith.constant 2 : i32
      %add3A_111 = arith.addi %add3A_110, %mul3A_109 : i32
      %dma_start3A_112 = arith.constant 0 : i32
      %dma_start3A_113 = tpu.memref_slice %arg4[%add3A_111, %dma_start3A_112] : memref<125x80xi32, #tpu.memory_space<vmem>> -> memref<1x80xi32, #tpu.memory_space<vmem>>
      %dma_start3A_114 = tpu.memref_squeeze %dma_start3A_113 : memref<1x80xi32, #tpu.memory_space<vmem>> -> memref<80xi32, #tpu.memory_space<vmem>>
      %dma_start3A_115 = arith.constant 0 : i32
      %dma_start3A_116 = arith.constant 0 : i32
      %dma_start3A_117 = tpu.memref_slice %arg7[%dma_start3A_115, %dma_start3A_116] : memref<10240x128xf32, #tpu.memory_space<vmem_shared>> -> memref<10240x128xf32, #tpu.memory_space<vmem_shared>>
      tpu.enqueue_indirect_dma source(%arg5 : memref<80x128xf32, #tpu.memory_space<vmem>>) target(%dma_start3A_117 : memref<10240x128xf32, #tpu.memory_space<vmem_shared>>) offsets(%dma_start3A_114 : memref<80xi32, #tpu.memory_space<vmem>>) semaphore(%arg8 : memref<!tpu.dma_semaphore, #tpu.memory_space<semaphore_mem>>) {add = true}
      %dma_wait3A_118 = arith.constant 0 : i32
      %dma_wait3A_119 = arith.constant 0 : i32
      %dma_wait3A_120 = tpu.memref_slice %arg4[%dma_wait3A_118, %dma_wait3A_119] : memref<125x80xi32, #tpu.memory_space<vmem>> -> memref<1x80xi32, #tpu.memory_space<vmem>>
      %dma_wait3A_121 = tpu.memref_squeeze %dma_wait3A_120 : memref<1x80xi32, #tpu.memory_space<vmem>> -> memref<80xi32, #tpu.memory_space<vmem>>
      %dma_wait3A_122 = arith.constant 0 : i32
      %dma_wait3A_123 = arith.constant 0 : i32
      %dma_wait3A_124 = tpu.memref_slice %arg7[%dma_wait3A_122, %dma_wait3A_123] : memref<10240x128xf32, #tpu.memory_space<vmem_shared>> -> memref<10240x128xf32, #tpu.memory_space<vmem_shared>>
      tpu.wait_indirect_dma semaphore(%arg9 : memref<!tpu.dma_semaphore, #tpu.memory_space<semaphore_mem>>) src(%arg5 : memref<80x128xf32, #tpu.memory_space<vmem>>) dst(%dma_wait3A_124 : memref<10240x128xf32, #tpu.memory_space<vmem_shared>>)
      %mul3A_125 = arith.constant 2 : i32
      %mul3A_126 = arith.muli %mul3A_125, %scan3A_99 : i32
      %add3A_127 = arith.constant 3 : i32
      %add3A_128 = arith.addi %add3A_127, %mul3A_126 : i32
      %dma_start3A_129 = arith.constant 0 : i32
      %dma_start3A_130 = tpu.memref_slice %arg4[%add3A_128, %dma_start3A_129] : memref<125x80xi32, #tpu.memory_space<vmem>> -> memref<1x80xi32, #tpu.memory_space<vmem>>
      %dma_start3A_131 = tpu.memref_squeeze %dma_start3A_130 : memref<1x80xi32, #tpu.memory_space<vmem>> -> memref<80xi32, #tpu.memory_space<vmem>>
      %dma_start3A_132 = arith.constant 0 : i32
      %dma_start3A_133 = arith.constant 0 : i32
      %dma_start3A_134 = tpu.memref_slice %arg7[%dma_start3A_132, %dma_start3A_133] : memref<10240x128xf32, #tpu.memory_space<vmem_shared>> -> memref<10240x128xf32, #tpu.memory_space<vmem_shared>>
      tpu.enqueue_indirect_dma source(%arg5 : memref<80x128xf32, #tpu.memory_space<vmem>>) target(%dma_start3A_134 : memref<10240x128xf32, #tpu.memory_space<vmem_shared>>) offsets(%dma_start3A_131 : memref<80xi32, #tpu.memory_space<vmem>>) semaphore(%arg9 : memref<!tpu.dma_semaphore, #tpu.memory_space<semaphore_mem>>) {add = true}
      %scan3A_135 = arith.constant 0 : i32
      scf.yield %scan3A_135 : i32
    }
    %scan3A_68 = arith.constant 61 : i32
    %dma_wait3A = arith.constant 0 : i32
    %dma_wait3A_69 = arith.constant 0 : i32
    %dma_wait3A_70 = tpu.memref_slice %arg4[%dma_wait3A, %dma_wait3A_69] : memref<125x80xi32, #tpu.memory_space<vmem>> -> memref<1x80xi32, #tpu.memory_space<vmem>>
    %dma_wait3A_71 = tpu.memref_squeeze %dma_wait3A_70 : memref<1x80xi32, #tpu.memory_space<vmem>> -> memref<80xi32, #tpu.memory_space<vmem>>
    %dma_wait3A_72 = arith.constant 0 : i32
    %dma_wait3A_73 = arith.constant 0 : i32
    %dma_wait3A_74 = tpu.memref_slice %arg7[%dma_wait3A_72, %dma_wait3A_73] : memref<10240x128xf32, #tpu.memory_space<vmem_shared>> -> memref<10240x128xf32, #tpu.memory_space<vmem_shared>>
    tpu.wait_indirect_dma semaphore(%arg8 : memref<!tpu.dma_semaphore, #tpu.memory_space<semaphore_mem>>) src(%arg5 : memref<80x128xf32, #tpu.memory_space<vmem>>) dst(%dma_wait3A_74 : memref<10240x128xf32, #tpu.memory_space<vmem_shared>>)
    %dma_start3A_75 = arith.constant 124 : i32
    %dma_start3A_76 = arith.constant 0 : i32
    %dma_start3A_77 = tpu.memref_slice %arg4[%dma_start3A_75, %dma_start3A_76] : memref<125x80xi32, #tpu.memory_space<vmem>> -> memref<1x80xi32, #tpu.memory_space<vmem>>
    %dma_start3A_78 = tpu.memref_squeeze %dma_start3A_77 : memref<1x80xi32, #tpu.memory_space<vmem>> -> memref<80xi32, #tpu.memory_space<vmem>>
    %dma_start3A_79 = arith.constant 0 : i32
    %dma_start3A_80 = arith.constant 0 : i32
    %dma_start3A_81 = tpu.memref_slice %arg7[%dma_start3A_79, %dma_start3A_80] : memref<10240x128xf32, #tpu.memory_space<vmem_shared>> -> memref<10240x128xf32, #tpu.memory_space<vmem_shared>>
    tpu.enqueue_indirect_dma source(%arg5 : memref<80x128xf32, #tpu.memory_space<vmem>>) target(%dma_start3A_81 : memref<10240x128xf32, #tpu.memory_space<vmem_shared>>) offsets(%dma_start3A_78 : memref<80xi32, #tpu.memory_space<vmem>>) semaphore(%arg8 : memref<!tpu.dma_semaphore, #tpu.memory_space<semaphore_mem>>) {add = true}
    %dma_wait3A_82 = arith.constant 0 : i32
    %dma_wait3A_83 = arith.constant 0 : i32
    %dma_wait3A_84 = tpu.memref_slice %arg4[%dma_wait3A_82, %dma_wait3A_83] : memref<125x80xi32, #tpu.memory_space<vmem>> -> memref<1x80xi32, #tpu.memory_space<vmem>>
    %dma_wait3A_85 = tpu.memref_squeeze %dma_wait3A_84 : memref<1x80xi32, #tpu.memory_space<vmem>> -> memref<80xi32, #tpu.memory_space<vmem>>
    %dma_wait3A_86 = arith.constant 0 : i32
    %dma_wait3A_87 = arith.constant 0 : i32
    %dma_wait3A_88 = tpu.memref_slice %arg7[%dma_wait3A_86, %dma_wait3A_87] : memref<10240x128xf32, #tpu.memory_space<vmem_shared>> -> memref<10240x128xf32, #tpu.memory_space<vmem_shared>>
    tpu.wait_indirect_dma semaphore(%arg8 : memref<!tpu.dma_semaphore, #tpu.memory_space<semaphore_mem>>) src(%arg5 : memref<80x128xf32, #tpu.memory_space<vmem>>) dst(%dma_wait3A_88 : memref<10240x128xf32, #tpu.memory_space<vmem_shared>>)
    %dma_wait3A_89 = arith.constant 0 : i32
    %dma_wait3A_90 = arith.constant 0 : i32
    %dma_wait3A_91 = tpu.memref_slice %arg4[%dma_wait3A_89, %dma_wait3A_90] : memref<125x80xi32, #tpu.memory_space<vmem>> -> memref<1x80xi32, #tpu.memory_space<vmem>>
    %dma_wait3A_92 = tpu.memref_squeeze %dma_wait3A_91 : memref<1x80xi32, #tpu.memory_space<vmem>> -> memref<80xi32, #tpu.memory_space<vmem>>
    %dma_wait3A_93 = arith.constant 0 : i32
    %dma_wait3A_94 = arith.constant 0 : i32
    %dma_wait3A_95 = tpu.memref_slice %arg7[%dma_wait3A_93, %dma_wait3A_94] : memref<10240x128xf32, #tpu.memory_space<vmem_shared>> -> memref<10240x128xf32, #tpu.memory_space<vmem_shared>>
    tpu.wait_indirect_dma semaphore(%arg9 : memref<!tpu.dma_semaphore, #tpu.memory_space<semaphore_mem>>) src(%arg5 : memref<80x128xf32, #tpu.memory_space<vmem>>) dst(%dma_wait3A_95 : memref<10240x128xf32, #tpu.memory_space<vmem_shared>>)
    %barrier3A_96 = arith.constant 0 : index
    tpu.barrier barrier_id(%barrier3A_96)
    %mul3A_97 = arith.constant 640 : i32
    %mul3A_98 = arith.muli %arg1, %mul3A_97 : i32
    %multiple_of3A = tpu.assume_multiple %mul3A_98, 8 : i32
    "tpu.region"() ({
      %run_scoped3A = tpu.sem_alloc : memref<!tpu.dma_semaphore, #tpu.memory_space<semaphore_mem>>
      %dma_start3A_99 = arith.constant 0 : i32
      %dma_start3A_100 = tpu.memref_slice %arg3[%arg0, %multiple_of3A, %dma_start3A_99] : memref<2x10240x128xf32, #tpu.memory_space<hbm>> -> memref<1x640x128xf32, #tpu.memory_space<hbm>>
      %dma_start3A_101 = tpu.memref_squeeze %dma_start3A_100 : memref<1x640x128xf32, #tpu.memory_space<hbm>> -> memref<640x128xf32, #tpu.memory_space<hbm>>
      %dma_start3A_102 = arith.constant 0 : i32
      %dma_start3A_103 = tpu.memref_slice %arg7[%multiple_of3A, %dma_start3A_102] : memref<10240x128xf32, #tpu.memory_space<vmem_shared>> -> memref<640x128xf32, #tpu.memory_space<vmem_shared>>
      tpu.enqueue_dma source(%dma_start3A_103 : memref<640x128xf32, #tpu.memory_space<vmem_shared>>) target(%dma_start3A_101 : memref<640x128xf32, #tpu.memory_space<hbm>>) target_semaphore(%run_scoped3A : memref<!tpu.dma_semaphore, #tpu.memory_space<semaphore_mem>>)
      %dma_wait3A_104 = arith.constant 0 : i32
      %dma_wait3A_105 = tpu.memref_slice %arg3[%arg0, %multiple_of3A, %dma_wait3A_104] : memref<2x10240x128xf32, #tpu.memory_space<hbm>> -> memref<1x640x128xf32, #tpu.memory_space<hbm>>
      %dma_wait3A_106 = tpu.memref_squeeze %dma_wait3A_105 : memref<1x640x128xf32, #tpu.memory_space<hbm>> -> memref<640x128xf32, #tpu.memory_space<hbm>>
      %dma_wait3A_107 = arith.constant 0 : i32
      %dma_wait3A_108 = tpu.memref_slice %arg7[%multiple_of3A, %dma_wait3A_107] : memref<10240x128xf32, #tpu.memory_space<vmem_shared>> -> memref<640x128xf32, #tpu.memory_space<vmem_shared>>
      tpu.wait_dma2 semaphore(%run_scoped3A : memref<!tpu.dma_semaphore, #tpu.memory_space<semaphore_mem>>) src(%dma_wait3A_108 : memref<640x128xf32, #tpu.memory_space<vmem_shared>>) dst(%dma_wait3A_106 : memref<640x128xf32, #tpu.memory_space<hbm>>)
      tpu.yield
    }) : () -> ()
    return
  }
}

#map = affine_map<(d0, d1) -> (0, 0)>
#map1 = affine_map<(d0, d1) -> (0, 0, 0)>
module attributes {stable_mosaic.version = 14 : i64} {
  func.func @k(%arg0: i32, %arg1: i32, %arg2: memref<10000x128xf32, #tpu.memory_space<hbm>>, %arg3: memref<32x10000xi32, #tpu.memory_space<hbm>>, %arg4: memref<32x125x80xi32, #tpu.memory_space<hbm>>, %arg5: memref<2x10240x128xf32, #tpu.memory_space<hbm>>, %arg6: memref<10000xi32, #tpu.memory_space<vmem>>, %arg7: memref<80xi32, #tpu.memory_space<vmem>>, %arg8: memref<80xi32, #tpu.memory_space<vmem>>, %arg9: memref<80x128xf32, #tpu.memory_space<vmem>>, %arg10: memref<80x128xf32, #tpu.memory_space<vmem>>, %arg11: memref<10240x128xf32, #tpu.memory_space<vmem_shared>>, %arg12: memref<!tpu.dma_semaphore, #tpu.memory_space<semaphore_mem>>, %arg13: memref<!tpu.dma_semaphore, #tpu.memory_space<semaphore_mem>>, %arg14: memref<!tpu.dma_semaphore, #tpu.memory_space<semaphore_mem>>, %arg15: memref<!tpu.dma_semaphore, #tpu.memory_space<semaphore_mem>>, %arg16: memref<!tpu.dma_semaphore, #tpu.memory_space<semaphore_mem>>, %arg17: memref<!tpu.dma_semaphore, #tpu.memory_space<semaphore_mem>>) attributes {dimension_semantics = [#tpu.dimension_semantics<core_parallel>, #tpu.dimension_semantics<subcore_parallel>], iteration_bounds = array<i64: 2, 16>, scalar_prefetch = 0 : i64, scratch_operands = 12 : i64, tpu.core_type = #tpu.core_type<sc_vector_subcore>, window_params = [{transform_indices = #map}, {transform_indices = #map}, {transform_indices = #map1}, {transform_indices = #map1}]} {
    %mul3A = arith.constant 16 : i32
    %mul3A_0 = arith.muli %arg0, %mul3A : i32
    %add3A = arith.addi %mul3A_0, %arg1 : i32
    "tpu.region"() ({
      %run_scoped3A_94 = tpu.sem_alloc : memref<!tpu.dma_semaphore, #tpu.memory_space<semaphore_mem>>
      %dma_start3A_95 = arith.constant 0 : i32
      %dma_start3A_96 = tpu.memref_slice %arg3[%add3A, %dma_start3A_95] : memref<32x10000xi32, #tpu.memory_space<hbm>> -> memref<1x10000xi32, #tpu.memory_space<hbm>>
      %dma_start3A_97 = tpu.memref_squeeze %dma_start3A_96 : memref<1x10000xi32, #tpu.memory_space<hbm>> -> memref<10000xi32, #tpu.memory_space<hbm>>
      %dma_start3A_98 = arith.constant 0 : i32
      %dma_start3A_99 = tpu.memref_slice %arg3[%add3A, %dma_start3A_98] : memref<32x10000xi32, #tpu.memory_space<hbm>> -> memref<1x10000xi32, #tpu.memory_space<hbm>>
      %dma_start3A_100 = tpu.memref_squeeze %dma_start3A_99 : memref<1x10000xi32, #tpu.memory_space<hbm>> -> memref<10000xi32, #tpu.memory_space<hbm>>
      tpu.enqueue_dma source(%dma_start3A_100 : memref<10000xi32, #tpu.memory_space<hbm>>) target(%arg6 : memref<10000xi32, #tpu.memory_space<vmem>>) target_semaphore(%run_scoped3A_94 : memref<!tpu.dma_semaphore, #tpu.memory_space<semaphore_mem>>)
      %dma_wait3A_101 = arith.constant 0 : i32
      %dma_wait3A_102 = tpu.memref_slice %arg3[%add3A, %dma_wait3A_101] : memref<32x10000xi32, #tpu.memory_space<hbm>> -> memref<1x10000xi32, #tpu.memory_space<hbm>>
      %dma_wait3A_103 = tpu.memref_squeeze %dma_wait3A_102 : memref<1x10000xi32, #tpu.memory_space<hbm>> -> memref<10000xi32, #tpu.memory_space<hbm>>
      %dma_wait3A_104 = arith.constant 0 : i32
      %dma_wait3A_105 = tpu.memref_slice %arg3[%add3A, %dma_wait3A_104] : memref<32x10000xi32, #tpu.memory_space<hbm>> -> memref<1x10000xi32, #tpu.memory_space<hbm>>
      %dma_wait3A_106 = tpu.memref_squeeze %dma_wait3A_105 : memref<1x10000xi32, #tpu.memory_space<hbm>> -> memref<10000xi32, #tpu.memory_space<hbm>>
      tpu.wait_dma2 semaphore(%run_scoped3A_94 : memref<!tpu.dma_semaphore, #tpu.memory_space<semaphore_mem>>) src(%dma_wait3A_106 : memref<10000xi32, #tpu.memory_space<hbm>>) dst(%arg6 : memref<10000xi32, #tpu.memory_space<vmem>>)
      tpu.yield
    }) : () -> ()
    %broadcast_in_dim3A = arith.constant 0.000000e+00 : f32
    %broadcast_in_dim3A_1 = vector.broadcast %broadcast_in_dim3A : f32 to vector<16xf32>
    %scan3A = arith.constant 0 : i32
    %scan3A_2 = arith.constant 0 : i32
    %scan3A_3 = arith.constant 80 : i32
    %scan3A_4 = arith.addi %scan3A_2, %scan3A_3 : i32
    %scan3A_5 = arith.constant 1 : i32
    %scan3A_6 = scf.for %scan3A_94 = %scan3A_2 to %scan3A_4 step %scan3A_5 iter_args(%scan3A_95 = %scan3A) -> (i32)  : i32 {
      %swap3A = arith.index_cast %scan3A_94 : i32 to index
      %swap3A_96 = arith.constant 0 : index
      %swap3A_97 = tpu.vector_load %arg9[%swap3A, %swap3A_96] {strides = array<i32>} : memref<80x128xf32, #tpu.memory_space<vmem>>, vector<1x16xf32>,
      %swap3A_98 = vector.shape_cast %swap3A_97 : vector<1x16xf32> to vector<16xf32>
      %swap3A_99 = vector.shape_cast %broadcast_in_dim3A_1 : vector<16xf32> to vector<1x16xf32>
      tpu.vector_store %arg9[%swap3A, %swap3A_96], %swap3A_99 {strides = array<i32>} : memref<80x128xf32, #tpu.memory_space<vmem>>, vector<1x16xf32>,
      %swap3A_100 = arith.index_cast %scan3A_94 : i32 to index
      %swap3A_101 = arith.constant 16 : index
      %swap3A_102 = tpu.vector_load %arg9[%swap3A_100, %swap3A_101] {strides = array<i32>} : memref<80x128xf32, #tpu.memory_space<vmem>>, vector<1x16xf32>,
      %swap3A_103 = vector.shape_cast %swap3A_102 : vector<1x16xf32> to vector<16xf32>
      %swap3A_104 = vector.shape_cast %broadcast_in_dim3A_1 : vector<16xf32> to vector<1x16xf32>
      tpu.vector_store %arg9[%swap3A_100, %swap3A_101], %swap3A_104 {strides = array<i32>} : memref<80x128xf32, #tpu.memory_space<vmem>>, vector<1x16xf32>,
      %swap3A_105 = arith.index_cast %scan3A_94 : i32 to index
      %swap3A_106 = arith.constant 32 : index
      %swap3A_107 = tpu.vector_load %arg9[%swap3A_105, %swap3A_106] {strides = array<i32>} : memref<80x128xf32, #tpu.memory_space<vmem>>, vector<1x16xf32>,
      %swap3A_108 = vector.shape_cast %swap3A_107 : vector<1x16xf32> to vector<16xf32>
      %swap3A_109 = vector.shape_cast %broadcast_in_dim3A_1 : vector<16xf32> to vector<1x16xf32>
      tpu.vector_store %arg9[%swap3A_105, %swap3A_106], %swap3A_109 {strides = array<i32>} : memref<80x128xf32, #tpu.memory_space<vmem>>, vector<1x16xf32>,
      %swap3A_110 = arith.index_cast %scan3A_94 : i32 to index
      %swap3A_111 = arith.constant 48 : index
      %swap3A_112 = tpu.vector_load %arg9[%swap3A_110, %swap3A_111] {strides = array<i32>} : memref<80x128xf32, #tpu.memory_space<vmem>>, vector<1x16xf32>,
      %swap3A_113 = vector.shape_cast %swap3A_112 : vector<1x16xf32> to vector<16xf32>
      %swap3A_114 = vector.shape_cast %broadcast_in_dim3A_1 : vector<16xf32> to vector<1x16xf32>
      tpu.vector_store %arg9[%swap3A_110, %swap3A_111], %swap3A_114 {strides = array<i32>} : memref<80x128xf32, #tpu.memory_space<vmem>>, vector<1x16xf32>,
      %swap3A_115 = arith.index_cast %scan3A_94 : i32 to index
      %swap3A_116 = arith.constant 64 : index
      %swap3A_117 = tpu.vector_load %arg9[%swap3A_115, %swap3A_116] {strides = array<i32>} : memref<80x128xf32, #tpu.memory_space<vmem>>, vector<1x16xf32>,
      %swap3A_118 = vector.shape_cast %swap3A_117 : vector<1x16xf32> to vector<16xf32>
      %swap3A_119 = vector.shape_cast %broadcast_in_dim3A_1 : vector<16xf32> to vector<1x16xf32>
      tpu.vector_store %arg9[%swap3A_115, %swap3A_116], %swap3A_119 {strides = array<i32>} : memref<80x128xf32, #tpu.memory_space<vmem>>, vector<1x16xf32>,
      %swap3A_120 = arith.index_cast %scan3A_94 : i32 to index
      %swap3A_121 = arith.constant 80 : index
      %swap3A_122 = tpu.vector_load %arg9[%swap3A_120, %swap3A_121] {strides = array<i32>} : memref<80x128xf32, #tpu.memory_space<vmem>>, vector<1x16xf32>,
      %swap3A_123 = vector.shape_cast %swap3A_122 : vector<1x16xf32> to vector<16xf32>
      %swap3A_124 = vector.shape_cast %broadcast_in_dim3A_1 : vector<16xf32> to vector<1x16xf32>
      tpu.vector_store %arg9[%swap3A_120, %swap3A_121], %swap3A_124 {strides = array<i32>} : memref<80x128xf32, #tpu.memory_space<vmem>>, vector<1x16xf32>,
      %swap3A_125 = arith.index_cast %scan3A_94 : i32 to index
      %swap3A_126 = arith.constant 96 : index
      %swap3A_127 = tpu.vector_load %arg9[%swap3A_125, %swap3A_126] {strides = array<i32>} : memref<80x128xf32, #tpu.memory_space<vmem>>, vector<1x16xf32>,
      %swap3A_128 = vector.shape_cast %swap3A_127 : vector<1x16xf32> to vector<16xf32>
      %swap3A_129 = vector.shape_cast %broadcast_in_dim3A_1 : vector<16xf32> to vector<1x16xf32>
      tpu.vector_store %arg9[%swap3A_125, %swap3A_126], %swap3A_129 {strides = array<i32>} : memref<80x128xf32, #tpu.memory_space<vmem>>, vector<1x16xf32>,
      %swap3A_130 = arith.index_cast %scan3A_94 : i32 to index
      %swap3A_131 = arith.constant 112 : index
      %swap3A_132 = tpu.vector_load %arg9[%swap3A_130, %swap3A_131] {strides = array<i32>} : memref<80x128xf32, #tpu.memory_space<vmem>>, vector<1x16xf32>,
      %swap3A_133 = vector.shape_cast %swap3A_132 : vector<1x16xf32> to vector<16xf32>
      %swap3A_134 = vector.shape_cast %broadcast_in_dim3A_1 : vector<16xf32> to vector<1x16xf32>
      tpu.vector_store %arg9[%swap3A_130, %swap3A_131], %swap3A_134 {strides = array<i32>} : memref<80x128xf32, #tpu.memory_space<vmem>>, vector<1x16xf32>,
      %scan3A_135 = arith.constant 0 : i32
      scf.yield %scan3A_135 : i32
    }
    %scan3A_7 = arith.constant 80 : i32
    %broadcast_in_dim3A_8 = arith.constant 0.000000e+00 : f32
    %broadcast_in_dim3A_9 = vector.broadcast %broadcast_in_dim3A_8 : f32 to vector<16xf32>
    %scan3A_10 = arith.constant 0 : i32
    %scan3A_11 = arith.constant 0 : i32
    %scan3A_12 = arith.constant 80 : i32
    %scan3A_13 = arith.addi %scan3A_11, %scan3A_12 : i32
    %scan3A_14 = arith.constant 1 : i32
    %scan3A_15 = scf.for %scan3A_94 = %scan3A_11 to %scan3A_13 step %scan3A_14 iter_args(%scan3A_95 = %scan3A_10) -> (i32)  : i32 {
      %swap3A = arith.index_cast %scan3A_94 : i32 to index
      %swap3A_96 = arith.constant 0 : index
      %swap3A_97 = tpu.vector_load %arg10[%swap3A, %swap3A_96] {strides = array<i32>} : memref<80x128xf32, #tpu.memory_space<vmem>>, vector<1x16xf32>,
      %swap3A_98 = vector.shape_cast %swap3A_97 : vector<1x16xf32> to vector<16xf32>
      %swap3A_99 = vector.shape_cast %broadcast_in_dim3A_9 : vector<16xf32> to vector<1x16xf32>
      tpu.vector_store %arg10[%swap3A, %swap3A_96], %swap3A_99 {strides = array<i32>} : memref<80x128xf32, #tpu.memory_space<vmem>>, vector<1x16xf32>,
      %swap3A_100 = arith.index_cast %scan3A_94 : i32 to index
      %swap3A_101 = arith.constant 16 : index
      %swap3A_102 = tpu.vector_load %arg10[%swap3A_100, %swap3A_101] {strides = array<i32>} : memref<80x128xf32, #tpu.memory_space<vmem>>, vector<1x16xf32>,
      %swap3A_103 = vector.shape_cast %swap3A_102 : vector<1x16xf32> to vector<16xf32>
      %swap3A_104 = vector.shape_cast %broadcast_in_dim3A_9 : vector<16xf32> to vector<1x16xf32>
      tpu.vector_store %arg10[%swap3A_100, %swap3A_101], %swap3A_104 {strides = array<i32>} : memref<80x128xf32, #tpu.memory_space<vmem>>, vector<1x16xf32>,
      %swap3A_105 = arith.index_cast %scan3A_94 : i32 to index
      %swap3A_106 = arith.constant 32 : index
      %swap3A_107 = tpu.vector_load %arg10[%swap3A_105, %swap3A_106] {strides = array<i32>} : memref<80x128xf32, #tpu.memory_space<vmem>>, vector<1x16xf32>,
      %swap3A_108 = vector.shape_cast %swap3A_107 : vector<1x16xf32> to vector<16xf32>
      %swap3A_109 = vector.shape_cast %broadcast_in_dim3A_9 : vector<16xf32> to vector<1x16xf32>
      tpu.vector_store %arg10[%swap3A_105, %swap3A_106], %swap3A_109 {strides = array<i32>} : memref<80x128xf32, #tpu.memory_space<vmem>>, vector<1x16xf32>,
      %swap3A_110 = arith.index_cast %scan3A_94 : i32 to index
      %swap3A_111 = arith.constant 48 : index
      %swap3A_112 = tpu.vector_load %arg10[%swap3A_110, %swap3A_111] {strides = array<i32>} : memref<80x128xf32, #tpu.memory_space<vmem>>, vector<1x16xf32>,
      %swap3A_113 = vector.shape_cast %swap3A_112 : vector<1x16xf32> to vector<16xf32>
      %swap3A_114 = vector.shape_cast %broadcast_in_dim3A_9 : vector<16xf32> to vector<1x16xf32>
      tpu.vector_store %arg10[%swap3A_110, %swap3A_111], %swap3A_114 {strides = array<i32>} : memref<80x128xf32, #tpu.memory_space<vmem>>, vector<1x16xf32>,
      %swap3A_115 = arith.index_cast %scan3A_94 : i32 to index
      %swap3A_116 = arith.constant 64 : index
      %swap3A_117 = tpu.vector_load %arg10[%swap3A_115, %swap3A_116] {strides = array<i32>} : memref<80x128xf32, #tpu.memory_space<vmem>>, vector<1x16xf32>,
      %swap3A_118 = vector.shape_cast %swap3A_117 : vector<1x16xf32> to vector<16xf32>
      %swap3A_119 = vector.shape_cast %broadcast_in_dim3A_9 : vector<16xf32> to vector<1x16xf32>
      tpu.vector_store %arg10[%swap3A_115, %swap3A_116], %swap3A_119 {strides = array<i32>} : memref<80x128xf32, #tpu.memory_space<vmem>>, vector<1x16xf32>,
      %swap3A_120 = arith.index_cast %scan3A_94 : i32 to index
      %swap3A_121 = arith.constant 80 : index
      %swap3A_122 = tpu.vector_load %arg10[%swap3A_120, %swap3A_121] {strides = array<i32>} : memref<80x128xf32, #tpu.memory_space<vmem>>, vector<1x16xf32>,
      %swap3A_123 = vector.shape_cast %swap3A_122 : vector<1x16xf32> to vector<16xf32>
      %swap3A_124 = vector.shape_cast %broadcast_in_dim3A_9 : vector<16xf32> to vector<1x16xf32>
      tpu.vector_store %arg10[%swap3A_120, %swap3A_121], %swap3A_124 {strides = array<i32>} : memref<80x128xf32, #tpu.memory_space<vmem>>, vector<1x16xf32>,
      %swap3A_125 = arith.index_cast %scan3A_94 : i32 to index
      %swap3A_126 = arith.constant 96 : index
      %swap3A_127 = tpu.vector_load %arg10[%swap3A_125, %swap3A_126] {strides = array<i32>} : memref<80x128xf32, #tpu.memory_space<vmem>>, vector<1x16xf32>,
      %swap3A_128 = vector.shape_cast %swap3A_127 : vector<1x16xf32> to vector<16xf32>
      %swap3A_129 = vector.shape_cast %broadcast_in_dim3A_9 : vector<16xf32> to vector<1x16xf32>
      tpu.vector_store %arg10[%swap3A_125, %swap3A_126], %swap3A_129 {strides = array<i32>} : memref<80x128xf32, #tpu.memory_space<vmem>>, vector<1x16xf32>,
      %swap3A_130 = arith.index_cast %scan3A_94 : i32 to index
      %swap3A_131 = arith.constant 112 : index
      %swap3A_132 = tpu.vector_load %arg10[%swap3A_130, %swap3A_131] {strides = array<i32>} : memref<80x128xf32, #tpu.memory_space<vmem>>, vector<1x16xf32>,
      %swap3A_133 = vector.shape_cast %swap3A_132 : vector<1x16xf32> to vector<16xf32>
      %swap3A_134 = vector.shape_cast %broadcast_in_dim3A_9 : vector<16xf32> to vector<1x16xf32>
      tpu.vector_store %arg10[%swap3A_130, %swap3A_131], %swap3A_134 {strides = array<i32>} : memref<80x128xf32, #tpu.memory_space<vmem>>, vector<1x16xf32>,
      %scan3A_135 = arith.constant 0 : i32
      scf.yield %scan3A_135 : i32
    }
    %scan3A_16 = arith.constant 80 : i32
    %mul3A_17 = arith.constant 640 : i32
    %mul3A_18 = arith.muli %arg1, %mul3A_17 : i32
    %add3A_19 = arith.constant 0 : i32
    %add3A_20 = arith.addi %mul3A_18, %add3A_19 : i32
    "tpu.region"() ({
      %run_scoped3A_94 = tpu.sem_alloc : memref<!tpu.dma_semaphore, #tpu.memory_space<semaphore_mem>>
      %dma_start3A_95 = arith.constant 0 : i32
      %dma_start3A_96 = tpu.memref_slice %arg11[%add3A_20, %dma_start3A_95] : memref<10240x128xf32, #tpu.memory_space<vmem_shared>> -> memref<80x128xf32, #tpu.memory_space<vmem_shared>>
      %dma_start3A_97 = arith.constant 0 : i32
      %dma_start3A_98 = tpu.memref_slice %arg11[%add3A_20, %dma_start3A_97] : memref<10240x128xf32, #tpu.memory_space<vmem_shared>> -> memref<80x128xf32, #tpu.memory_space<vmem_shared>>
      tpu.enqueue_dma source(%arg9 : memref<80x128xf32, #tpu.memory_space<vmem>>) target(%dma_start3A_98 : memref<80x128xf32, #tpu.memory_space<vmem_shared>>) target_semaphore(%run_scoped3A_94 : memref<!tpu.dma_semaphore, #tpu.memory_space<semaphore_mem>>)
      %dma_wait3A_99 = arith.constant 0 : i32
      %dma_wait3A_100 = tpu.memref_slice %arg11[%add3A_20, %dma_wait3A_99] : memref<10240x128xf32, #tpu.memory_space<vmem_shared>> -> memref<80x128xf32, #tpu.memory_space<vmem_shared>>
      %dma_wait3A_101 = arith.constant 0 : i32
      %dma_wait3A_102 = tpu.memref_slice %arg11[%add3A_20, %dma_wait3A_101] : memref<10240x128xf32, #tpu.memory_space<vmem_shared>> -> memref<80x128xf32, #tpu.memory_space<vmem_shared>>
      tpu.wait_dma2 semaphore(%run_scoped3A_94 : memref<!tpu.dma_semaphore, #tpu.memory_space<semaphore_mem>>) src(%arg9 : memref<80x128xf32, #tpu.memory_space<vmem>>) dst(%dma_wait3A_102 : memref<80x128xf32, #tpu.memory_space<vmem_shared>>)
      tpu.yield
    }) : () -> ()
    %mul3A_21 = arith.constant 640 : i32
    %mul3A_22 = arith.muli %arg1, %mul3A_21 : i32
    %add3A_23 = arith.constant 80 : i32
    %add3A_24 = arith.addi %mul3A_22, %add3A_23 : i32
    "tpu.region"() ({
      %run_scoped3A_94 = tpu.sem_alloc : memref<!tpu.dma_semaphore, #tpu.memory_space<semaphore_mem>>
      %dma_start3A_95 = arith.constant 0 : i32
      %dma_start3A_96 = tpu.memref_slice %arg11[%add3A_24, %dma_start3A_95] : memref<10240x128xf32, #tpu.memory_space<vmem_shared>> -> memref<80x128xf32, #tpu.memory_space<vmem_shared>>
      %dma_start3A_97 = arith.constant 0 : i32
      %dma_start3A_98 = tpu.memref_slice %arg11[%add3A_24, %dma_start3A_97] : memref<10240x128xf32, #tpu.memory_space<vmem_shared>> -> memref<80x128xf32, #tpu.memory_space<vmem_shared>>
      tpu.enqueue_dma source(%arg9 : memref<80x128xf32, #tpu.memory_space<vmem>>) target(%dma_start3A_98 : memref<80x128xf32, #tpu.memory_space<vmem_shared>>) target_semaphore(%run_scoped3A_94 : memref<!tpu.dma_semaphore, #tpu.memory_space<semaphore_mem>>)
      %dma_wait3A_99 = arith.constant 0 : i32
      %dma_wait3A_100 = tpu.memref_slice %arg11[%add3A_24, %dma_wait3A_99] : memref<10240x128xf32, #tpu.memory_space<vmem_shared>> -> memref<80x128xf32, #tpu.memory_space<vmem_shared>>
      %dma_wait3A_101 = arith.constant 0 : i32
      %dma_wait3A_102 = tpu.memref_slice %arg11[%add3A_24, %dma_wait3A_101] : memref<10240x128xf32, #tpu.memory_space<vmem_shared>> -> memref<80x128xf32, #tpu.memory_space<vmem_shared>>
      tpu.wait_dma2 semaphore(%run_scoped3A_94 : memref<!tpu.dma_semaphore, #tpu.memory_space<semaphore_mem>>) src(%arg9 : memref<80x128xf32, #tpu.memory_space<vmem>>) dst(%dma_wait3A_102 : memref<80x128xf32, #tpu.memory_space<vmem_shared>>)
      tpu.yield
    }) : () -> ()
    %mul3A_25 = arith.constant 640 : i32
    %mul3A_26 = arith.muli %arg1, %mul3A_25 : i32
    %add3A_27 = arith.constant 160 : i32
    %add3A_28 = arith.addi %mul3A_26, %add3A_27 : i32
    "tpu.region"() ({
      %run_scoped3A_94 = tpu.sem_alloc : memref<!tpu.dma_semaphore, #tpu.memory_space<semaphore_mem>>
      %dma_start3A_95 = arith.constant 0 : i32
      %dma_start3A_96 = tpu.memref_slice %arg11[%add3A_28, %dma_start3A_95] : memref<10240x128xf32, #tpu.memory_space<vmem_shared>> -> memref<80x128xf32, #tpu.memory_space<vmem_shared>>
      %dma_start3A_97 = arith.constant 0 : i32
      %dma_start3A_98 = tpu.memref_slice %arg11[%add3A_28, %dma_start3A_97] : memref<10240x128xf32, #tpu.memory_space<vmem_shared>> -> memref<80x128xf32, #tpu.memory_space<vmem_shared>>
      tpu.enqueue_dma source(%arg9 : memref<80x128xf32, #tpu.memory_space<vmem>>) target(%dma_start3A_98 : memref<80x128xf32, #tpu.memory_space<vmem_shared>>) target_semaphore(%run_scoped3A_94 : memref<!tpu.dma_semaphore, #tpu.memory_space<semaphore_mem>>)
      %dma_wait3A_99 = arith.constant 0 : i32
      %dma_wait3A_100 = tpu.memref_slice %arg11[%add3A_28, %dma_wait3A_99] : memref<10240x128xf32, #tpu.memory_space<vmem_shared>> -> memref<80x128xf32, #tpu.memory_space<vmem_shared>>
      %dma_wait3A_101 = arith.constant 0 : i32
      %dma_wait3A_102 = tpu.memref_slice %arg11[%add3A_28, %dma_wait3A_101] : memref<10240x128xf32, #tpu.memory_space<vmem_shared>> -> memref<80x128xf32, #tpu.memory_space<vmem_shared>>
      tpu.wait_dma2 semaphore(%run_scoped3A_94 : memref<!tpu.dma_semaphore, #tpu.memory_space<semaphore_mem>>) src(%arg9 : memref<80x128xf32, #tpu.memory_space<vmem>>) dst(%dma_wait3A_102 : memref<80x128xf32, #tpu.memory_space<vmem_shared>>)
      tpu.yield
    }) : () -> ()
    %mul3A_29 = arith.constant 640 : i32
    %mul3A_30 = arith.muli %arg1, %mul3A_29 : i32
    %add3A_31 = arith.constant 240 : i32
    %add3A_32 = arith.addi %mul3A_30, %add3A_31 : i32
    "tpu.region"() ({
      %run_scoped3A_94 = tpu.sem_alloc : memref<!tpu.dma_semaphore, #tpu.memory_space<semaphore_mem>>
      %dma_start3A_95 = arith.constant 0 : i32
      %dma_start3A_96 = tpu.memref_slice %arg11[%add3A_32, %dma_start3A_95] : memref<10240x128xf32, #tpu.memory_space<vmem_shared>> -> memref<80x128xf32, #tpu.memory_space<vmem_shared>>
      %dma_start3A_97 = arith.constant 0 : i32
      %dma_start3A_98 = tpu.memref_slice %arg11[%add3A_32, %dma_start3A_97] : memref<10240x128xf32, #tpu.memory_space<vmem_shared>> -> memref<80x128xf32, #tpu.memory_space<vmem_shared>>
      tpu.enqueue_dma source(%arg9 : memref<80x128xf32, #tpu.memory_space<vmem>>) target(%dma_start3A_98 : memref<80x128xf32, #tpu.memory_space<vmem_shared>>) target_semaphore(%run_scoped3A_94 : memref<!tpu.dma_semaphore, #tpu.memory_space<semaphore_mem>>)
      %dma_wait3A_99 = arith.constant 0 : i32
      %dma_wait3A_100 = tpu.memref_slice %arg11[%add3A_32, %dma_wait3A_99] : memref<10240x128xf32, #tpu.memory_space<vmem_shared>> -> memref<80x128xf32, #tpu.memory_space<vmem_shared>>
      %dma_wait3A_101 = arith.constant 0 : i32
      %dma_wait3A_102 = tpu.memref_slice %arg11[%add3A_32, %dma_wait3A_101] : memref<10240x128xf32, #tpu.memory_space<vmem_shared>> -> memref<80x128xf32, #tpu.memory_space<vmem_shared>>
      tpu.wait_dma2 semaphore(%run_scoped3A_94 : memref<!tpu.dma_semaphore, #tpu.memory_space<semaphore_mem>>) src(%arg9 : memref<80x128xf32, #tpu.memory_space<vmem>>) dst(%dma_wait3A_102 : memref<80x128xf32, #tpu.memory_space<vmem_shared>>)
      tpu.yield
    }) : () -> ()
    %mul3A_33 = arith.constant 640 : i32
    %mul3A_34 = arith.muli %arg1, %mul3A_33 : i32
    %add3A_35 = arith.constant 320 : i32
    %add3A_36 = arith.addi %mul3A_34, %add3A_35 : i32
    "tpu.region"() ({
      %run_scoped3A_94 = tpu.sem_alloc : memref<!tpu.dma_semaphore, #tpu.memory_space<semaphore_mem>>
      %dma_start3A_95 = arith.constant 0 : i32
      %dma_start3A_96 = tpu.memref_slice %arg11[%add3A_36, %dma_start3A_95] : memref<10240x128xf32, #tpu.memory_space<vmem_shared>> -> memref<80x128xf32, #tpu.memory_space<vmem_shared>>
      %dma_start3A_97 = arith.constant 0 : i32
      %dma_start3A_98 = tpu.memref_slice %arg11[%add3A_36, %dma_start3A_97] : memref<10240x128xf32, #tpu.memory_space<vmem_shared>> -> memref<80x128xf32, #tpu.memory_space<vmem_shared>>
      tpu.enqueue_dma source(%arg9 : memref<80x128xf32, #tpu.memory_space<vmem>>) target(%dma_start3A_98 : memref<80x128xf32, #tpu.memory_space<vmem_shared>>) target_semaphore(%run_scoped3A_94 : memref<!tpu.dma_semaphore, #tpu.memory_space<semaphore_mem>>)
      %dma_wait3A_99 = arith.constant 0 : i32
      %dma_wait3A_100 = tpu.memref_slice %arg11[%add3A_36, %dma_wait3A_99] : memref<10240x128xf32, #tpu.memory_space<vmem_shared>> -> memref<80x128xf32, #tpu.memory_space<vmem_shared>>
      %dma_wait3A_101 = arith.constant 0 : i32
      %dma_wait3A_102 = tpu.memref_slice %arg11[%add3A_36, %dma_wait3A_101] : memref<10240x128xf32, #tpu.memory_space<vmem_shared>> -> memref<80x128xf32, #tpu.memory_space<vmem_shared>>
      tpu.wait_dma2 semaphore(%run_scoped3A_94 : memref<!tpu.dma_semaphore, #tpu.memory_space<semaphore_mem>>) src(%arg9 : memref<80x128xf32, #tpu.memory_space<vmem>>) dst(%dma_wait3A_102 : memref<80x128xf32, #tpu.memory_space<vmem_shared>>)
      tpu.yield
    }) : () -> ()
    %mul3A_37 = arith.constant 640 : i32
    %mul3A_38 = arith.muli %arg1, %mul3A_37 : i32
    %add3A_39 = arith.constant 400 : i32
    %add3A_40 = arith.addi %mul3A_38, %add3A_39 : i32
    "tpu.region"() ({
      %run_scoped3A_94 = tpu.sem_alloc : memref<!tpu.dma_semaphore, #tpu.memory_space<semaphore_mem>>
      %dma_start3A_95 = arith.constant 0 : i32
      %dma_start3A_96 = tpu.memref_slice %arg11[%add3A_40, %dma_start3A_95] : memref<10240x128xf32, #tpu.memory_space<vmem_shared>> -> memref<80x128xf32, #tpu.memory_space<vmem_shared>>
      %dma_start3A_97 = arith.constant 0 : i32
      %dma_start3A_98 = tpu.memref_slice %arg11[%add3A_40, %dma_start3A_97] : memref<10240x128xf32, #tpu.memory_space<vmem_shared>> -> memref<80x128xf32, #tpu.memory_space<vmem_shared>>
      tpu.enqueue_dma source(%arg9 : memref<80x128xf32, #tpu.memory_space<vmem>>) target(%dma_start3A_98 : memref<80x128xf32, #tpu.memory_space<vmem_shared>>) target_semaphore(%run_scoped3A_94 : memref<!tpu.dma_semaphore, #tpu.memory_space<semaphore_mem>>)
      %dma_wait3A_99 = arith.constant 0 : i32
      %dma_wait3A_100 = tpu.memref_slice %arg11[%add3A_40, %dma_wait3A_99] : memref<10240x128xf32, #tpu.memory_space<vmem_shared>> -> memref<80x128xf32, #tpu.memory_space<vmem_shared>>
      %dma_wait3A_101 = arith.constant 0 : i32
      %dma_wait3A_102 = tpu.memref_slice %arg11[%add3A_40, %dma_wait3A_101] : memref<10240x128xf32, #tpu.memory_space<vmem_shared>> -> memref<80x128xf32, #tpu.memory_space<vmem_shared>>
      tpu.wait_dma2 semaphore(%run_scoped3A_94 : memref<!tpu.dma_semaphore, #tpu.memory_space<semaphore_mem>>) src(%arg9 : memref<80x128xf32, #tpu.memory_space<vmem>>) dst(%dma_wait3A_102 : memref<80x128xf32, #tpu.memory_space<vmem_shared>>)
      tpu.yield
    }) : () -> ()
    %mul3A_41 = arith.constant 640 : i32
    %mul3A_42 = arith.muli %arg1, %mul3A_41 : i32
    %add3A_43 = arith.constant 480 : i32
    %add3A_44 = arith.addi %mul3A_42, %add3A_43 : i32
    "tpu.region"() ({
      %run_scoped3A_94 = tpu.sem_alloc : memref<!tpu.dma_semaphore, #tpu.memory_space<semaphore_mem>>
      %dma_start3A_95 = arith.constant 0 : i32
      %dma_start3A_96 = tpu.memref_slice %arg11[%add3A_44, %dma_start3A_95] : memref<10240x128xf32, #tpu.memory_space<vmem_shared>> -> memref<80x128xf32, #tpu.memory_space<vmem_shared>>
      %dma_start3A_97 = arith.constant 0 : i32
      %dma_start3A_98 = tpu.memref_slice %arg11[%add3A_44, %dma_start3A_97] : memref<10240x128xf32, #tpu.memory_space<vmem_shared>> -> memref<80x128xf32, #tpu.memory_space<vmem_shared>>
      tpu.enqueue_dma source(%arg9 : memref<80x128xf32, #tpu.memory_space<vmem>>) target(%dma_start3A_98 : memref<80x128xf32, #tpu.memory_space<vmem_shared>>) target_semaphore(%run_scoped3A_94 : memref<!tpu.dma_semaphore, #tpu.memory_space<semaphore_mem>>)
      %dma_wait3A_99 = arith.constant 0 : i32
      %dma_wait3A_100 = tpu.memref_slice %arg11[%add3A_44, %dma_wait3A_99] : memref<10240x128xf32, #tpu.memory_space<vmem_shared>> -> memref<80x128xf32, #tpu.memory_space<vmem_shared>>
      %dma_wait3A_101 = arith.constant 0 : i32
      %dma_wait3A_102 = tpu.memref_slice %arg11[%add3A_44, %dma_wait3A_101] : memref<10240x128xf32, #tpu.memory_space<vmem_shared>> -> memref<80x128xf32, #tpu.memory_space<vmem_shared>>
      tpu.wait_dma2 semaphore(%run_scoped3A_94 : memref<!tpu.dma_semaphore, #tpu.memory_space<semaphore_mem>>) src(%arg9 : memref<80x128xf32, #tpu.memory_space<vmem>>) dst(%dma_wait3A_102 : memref<80x128xf32, #tpu.memory_space<vmem_shared>>)
      tpu.yield
    }) : () -> ()
    %mul3A_45 = arith.constant 640 : i32
    %mul3A_46 = arith.muli %arg1, %mul3A_45 : i32
    %add3A_47 = arith.constant 560 : i32
    %add3A_48 = arith.addi %mul3A_46, %add3A_47 : i32
    "tpu.region"() ({
      %run_scoped3A_94 = tpu.sem_alloc : memref<!tpu.dma_semaphore, #tpu.memory_space<semaphore_mem>>
      %dma_start3A_95 = arith.constant 0 : i32
      %dma_start3A_96 = tpu.memref_slice %arg11[%add3A_48, %dma_start3A_95] : memref<10240x128xf32, #tpu.memory_space<vmem_shared>> -> memref<80x128xf32, #tpu.memory_space<vmem_shared>>
      %dma_start3A_97 = arith.constant 0 : i32
      %dma_start3A_98 = tpu.memref_slice %arg11[%add3A_48, %dma_start3A_97] : memref<10240x128xf32, #tpu.memory_space<vmem_shared>> -> memref<80x128xf32, #tpu.memory_space<vmem_shared>>
      tpu.enqueue_dma source(%arg9 : memref<80x128xf32, #tpu.memory_space<vmem>>) target(%dma_start3A_98 : memref<80x128xf32, #tpu.memory_space<vmem_shared>>) target_semaphore(%run_scoped3A_94 : memref<!tpu.dma_semaphore, #tpu.memory_space<semaphore_mem>>)
      %dma_wait3A_99 = arith.constant 0 : i32
      %dma_wait3A_100 = tpu.memref_slice %arg11[%add3A_48, %dma_wait3A_99] : memref<10240x128xf32, #tpu.memory_space<vmem_shared>> -> memref<80x128xf32, #tpu.memory_space<vmem_shared>>
      %dma_wait3A_101 = arith.constant 0 : i32
      %dma_wait3A_102 = tpu.memref_slice %arg11[%add3A_48, %dma_wait3A_101] : memref<10240x128xf32, #tpu.memory_space<vmem_shared>> -> memref<80x128xf32, #tpu.memory_space<vmem_shared>>
      tpu.wait_dma2 semaphore(%run_scoped3A_94 : memref<!tpu.dma_semaphore, #tpu.memory_space<semaphore_mem>>) src(%arg9 : memref<80x128xf32, #tpu.memory_space<vmem>>) dst(%dma_wait3A_102 : memref<80x128xf32, #tpu.memory_space<vmem_shared>>)
      tpu.yield
    }) : () -> ()
    %barrier3A = arith.constant 0 : index
    tpu.barrier barrier_id(%barrier3A)
    %run_scoped3A = arith.constant 0 : i32
    "tpu.region"() ({
      %run_scoped3A_94 = tpu.sem_alloc : memref<!tpu.dma_semaphore, #tpu.memory_space<semaphore_mem>>
      %dma_start3A_95 = arith.constant 0 : i32
      %dma_start3A_96 = tpu.memref_slice %arg4[%add3A, %run_scoped3A, %dma_start3A_95] : memref<32x125x80xi32, #tpu.memory_space<hbm>> -> memref<1x1x80xi32, #tpu.memory_space<hbm>>
      %dma_start3A_97 = tpu.memref_squeeze %dma_start3A_96 : memref<1x1x80xi32, #tpu.memory_space<hbm>> -> memref<80xi32, #tpu.memory_space<hbm>>
      %dma_start3A_98 = arith.constant 0 : i32
      %dma_start3A_99 = tpu.memref_slice %arg4[%add3A, %run_scoped3A, %dma_start3A_98] : memref<32x125x80xi32, #tpu.memory_space<hbm>> -> memref<1x1x80xi32, #tpu.memory_space<hbm>>
      %dma_start3A_100 = tpu.memref_squeeze %dma_start3A_99 : memref<1x1x80xi32, #tpu.memory_space<hbm>> -> memref<80xi32, #tpu.memory_space<hbm>>
      tpu.enqueue_dma source(%dma_start3A_100 : memref<80xi32, #tpu.memory_space<hbm>>) target(%arg8 : memref<80xi32, #tpu.memory_space<vmem>>) target_semaphore(%run_scoped3A_94 : memref<!tpu.dma_semaphore, #tpu.memory_space<semaphore_mem>>)
      %dma_wait3A_101 = arith.constant 0 : i32
      %dma_wait3A_102 = tpu.memref_slice %arg4[%add3A, %run_scoped3A, %dma_wait3A_101] : memref<32x125x80xi32, #tpu.memory_space<hbm>> -> memref<1x1x80xi32, #tpu.memory_space<hbm>>
      %dma_wait3A_103 = tpu.memref_squeeze %dma_wait3A_102 : memref<1x1x80xi32, #tpu.memory_space<hbm>> -> memref<80xi32, #tpu.memory_space<hbm>>
      %dma_wait3A_104 = arith.constant 0 : i32
      %dma_wait3A_105 = tpu.memref_slice %arg4[%add3A, %run_scoped3A, %dma_wait3A_104] : memref<32x125x80xi32, #tpu.memory_space<hbm>> -> memref<1x1x80xi32, #tpu.memory_space<hbm>>
      %dma_wait3A_106 = tpu.memref_squeeze %dma_wait3A_105 : memref<1x1x80xi32, #tpu.memory_space<hbm>> -> memref<80xi32, #tpu.memory_space<hbm>>
      tpu.wait_dma2 semaphore(%run_scoped3A_94 : memref<!tpu.dma_semaphore, #tpu.memory_space<semaphore_mem>>) src(%dma_wait3A_106 : memref<80xi32, #tpu.memory_space<hbm>>) dst(%arg8 : memref<80xi32, #tpu.memory_space<vmem>>)
      tpu.yield
    }) : () -> ()
    %dma_start3A = arith.constant 0 : i32
    %dma_start3A_49 = arith.constant 0 : i32
    %dma_start3A_50 = tpu.memref_slice %arg11[%dma_start3A, %dma_start3A_49] : memref<10240x128xf32, #tpu.memory_space<vmem_shared>> -> memref<10240x128xf32, #tpu.memory_space<vmem_shared>>
    tpu.enqueue_indirect_dma source(%arg10 : memref<80x128xf32, #tpu.memory_space<vmem>>) target(%dma_start3A_50 : memref<10240x128xf32, #tpu.memory_space<vmem_shared>>) offsets(%arg8 : memref<80xi32, #tpu.memory_space<vmem>>) semaphore(%arg15 : memref<!tpu.dma_semaphore, #tpu.memory_space<semaphore_mem>>) {add = true}
    %dma_start3A_51 = arith.constant 0 : i32
    %dma_start3A_52 = arith.constant 0 : i32
    %dma_start3A_53 = tpu.memref_slice %arg4[%add3A, %dma_start3A_51, %dma_start3A_52] : memref<32x125x80xi32, #tpu.memory_space<hbm>> -> memref<1x1x80xi32, #tpu.memory_space<hbm>>
    %dma_start3A_54 = tpu.memref_squeeze %dma_start3A_53 : memref<1x1x80xi32, #tpu.memory_space<hbm>> -> memref<80xi32, #tpu.memory_space<hbm>>
    %dma_start3A_55 = arith.constant 0 : i32
    %dma_start3A_56 = tpu.memref_slice %arg4[%add3A, %dma_start3A_51, %dma_start3A_55] : memref<32x125x80xi32, #tpu.memory_space<hbm>> -> memref<1x1x80xi32, #tpu.memory_space<hbm>>
    %dma_start3A_57 = tpu.memref_squeeze %dma_start3A_56 : memref<1x1x80xi32, #tpu.memory_space<hbm>> -> memref<80xi32, #tpu.memory_space<hbm>>
    tpu.enqueue_dma source(%dma_start3A_57 : memref<80xi32, #tpu.memory_space<hbm>>) target(%arg7 : memref<80xi32, #tpu.memory_space<vmem>>) target_semaphore(%arg16 : memref<!tpu.dma_semaphore, #tpu.memory_space<semaphore_mem>>)
    %scan3A_58 = arith.constant 0 : i32
    %scan3A_59 = arith.constant 0 : i32
    %scan3A_60 = arith.constant 62 : i32
    %scan3A_61 = arith.addi %scan3A_59, %scan3A_60 : i32
    %scan3A_62 = arith.constant 1 : i32
    %scan3A_63 = scf.for %scan3A_94 = %scan3A_59 to %scan3A_61 step %scan3A_62 iter_args(%scan3A_95 = %scan3A_58) -> (i32)  : i32 {
      %mul3A_96 = arith.constant 2 : i32
      %mul3A_97 = arith.muli %mul3A_96, %scan3A_94 : i32
      %mul3A_98 = arith.constant 80 : i32
      %mul3A_99 = arith.muli %mul3A_97, %mul3A_98 : i32
      %multiple_of3A_100 = tpu.assume_multiple %mul3A_99, 8 : i32
      %dma_start3A_101 = tpu.memref_slice %arg6[%multiple_of3A_100] : memref<10000xi32, #tpu.memory_space<vmem>> -> memref<80xi32, #tpu.memory_space<vmem>>
      %dma_start3A_102 = arith.constant 0 : i32
      %dma_start3A_103 = arith.constant 0 : i32
      %dma_start3A_104 = tpu.memref_slice %arg2[%dma_start3A_102, %dma_start3A_103] : memref<10000x128xf32, #tpu.memory_space<hbm>> -> memref<10000x128xf32, #tpu.memory_space<hbm>>
      tpu.enqueue_indirect_dma source(%dma_start3A_104 : memref<10000x128xf32, #tpu.memory_space<hbm>>) target(%arg9 : memref<80x128xf32, #tpu.memory_space<vmem>>) offsets(%dma_start3A_101 : memref<80xi32, #tpu.memory_space<vmem>>) semaphore(%arg12 : memref<!tpu.dma_semaphore, #tpu.memory_space<semaphore_mem>>)
      %dma_wait3A_105 = arith.constant 0 : i32
      %dma_wait3A_106 = arith.constant 0 : i32
      %dma_wait3A_107 = tpu.memref_slice %arg11[%dma_wait3A_105, %dma_wait3A_106] : memref<10240x128xf32, #tpu.memory_space<vmem_shared>> -> memref<10240x128xf32, #tpu.memory_space<vmem_shared>>
      tpu.wait_indirect_dma semaphore(%arg15 : memref<!tpu.dma_semaphore, #tpu.memory_space<semaphore_mem>>) src(%arg10 : memref<80x128xf32, #tpu.memory_space<vmem>>) dst(%dma_wait3A_107 : memref<10240x128xf32, #tpu.memory_space<vmem_shared>>)
      %add3A_108 = arith.constant 1 : i32
      %add3A_109 = arith.addi %mul3A_97, %add3A_108 : i32
      %dma_start3A_110 = arith.constant 0 : i32
      %dma_start3A_111 = tpu.memref_slice %arg4[%add3A, %add3A_109, %dma_start3A_110] : memref<32x125x80xi32, #tpu.memory_space<hbm>> -> memref<1x1x80xi32, #tpu.memory_space<hbm>>
      %dma_start3A_112 = tpu.memref_squeeze %dma_start3A_111 : memref<1x1x80xi32, #tpu.memory_space<hbm>> -> memref<80xi32, #tpu.memory_space<hbm>>
      %dma_start3A_113 = arith.constant 0 : i32
      %dma_start3A_114 = tpu.memref_slice %arg4[%add3A, %add3A_109, %dma_start3A_113] : memref<32x125x80xi32, #tpu.memory_space<hbm>> -> memref<1x1x80xi32, #tpu.memory_space<hbm>>
      %dma_start3A_115 = tpu.memref_squeeze %dma_start3A_114 : memref<1x1x80xi32, #tpu.memory_space<hbm>> -> memref<80xi32, #tpu.memory_space<hbm>>
      tpu.enqueue_dma source(%dma_start3A_115 : memref<80xi32, #tpu.memory_space<hbm>>) target(%arg8 : memref<80xi32, #tpu.memory_space<vmem>>) target_semaphore(%arg17 : memref<!tpu.dma_semaphore, #tpu.memory_space<semaphore_mem>>)
      %dma_wait3A_116 = arith.constant 0 : i32
      %dma_wait3A_117 = tpu.memref_slice %arg6[%dma_wait3A_116] : memref<10000xi32, #tpu.memory_space<vmem>> -> memref<80xi32, #tpu.memory_space<vmem>>
      %dma_wait3A_118 = arith.constant 0 : i32
      %dma_wait3A_119 = arith.constant 0 : i32
      %dma_wait3A_120 = tpu.memref_slice %arg2[%dma_wait3A_118, %dma_wait3A_119] : memref<10000x128xf32, #tpu.memory_space<hbm>> -> memref<10000x128xf32, #tpu.memory_space<hbm>>
      tpu.wait_indirect_dma semaphore(%arg12 : memref<!tpu.dma_semaphore, #tpu.memory_space<semaphore_mem>>) src(%dma_wait3A_120 : memref<10000x128xf32, #tpu.memory_space<hbm>>) dst(%arg9 : memref<80x128xf32, #tpu.memory_space<vmem>>)
      %dma_wait3A_121 = arith.constant 0 : i32
      %dma_wait3A_122 = arith.constant 0 : i32
      %dma_wait3A_123 = tpu.memref_slice %arg4[%add3A, %dma_wait3A_121, %dma_wait3A_122] : memref<32x125x80xi32, #tpu.memory_space<hbm>> -> memref<1x1x80xi32, #tpu.memory_space<hbm>>
      %dma_wait3A_124 = tpu.memref_squeeze %dma_wait3A_123 : memref<1x1x80xi32, #tpu.memory_space<hbm>> -> memref<80xi32, #tpu.memory_space<hbm>>
      %dma_wait3A_125 = arith.constant 0 : i32
      %dma_wait3A_126 = tpu.memref_slice %arg4[%add3A, %dma_wait3A_121, %dma_wait3A_125] : memref<32x125x80xi32, #tpu.memory_space<hbm>> -> memref<1x1x80xi32, #tpu.memory_space<hbm>>
      %dma_wait3A_127 = tpu.memref_squeeze %dma_wait3A_126 : memref<1x1x80xi32, #tpu.memory_space<hbm>> -> memref<80xi32, #tpu.memory_space<hbm>>
      tpu.wait_dma2 semaphore(%arg16 : memref<!tpu.dma_semaphore, #tpu.memory_space<semaphore_mem>>) src(%dma_wait3A_127 : memref<80xi32, #tpu.memory_space<hbm>>) dst(%arg7 : memref<80xi32, #tpu.memory_space<vmem>>)
      %dma_start3A_128 = arith.constant 0 : i32
      %dma_start3A_129 = arith.constant 0 : i32
      %dma_start3A_130 = tpu.memref_slice %arg11[%dma_start3A_128, %dma_start3A_129] : memref<10240x128xf32, #tpu.memory_space<vmem_shared>> -> memref<10240x128xf32, #tpu.memory_space<vmem_shared>>
      tpu.enqueue_indirect_dma source(%arg9 : memref<80x128xf32, #tpu.memory_space<vmem>>) target(%dma_start3A_130 : memref<10240x128xf32, #tpu.memory_space<vmem_shared>>) offsets(%arg7 : memref<80xi32, #tpu.memory_space<vmem>>) semaphore(%arg14 : memref<!tpu.dma_semaphore, #tpu.memory_space<semaphore_mem>>) {add = true}
      %add3A_131 = arith.constant 1 : i32
      %add3A_132 = arith.addi %mul3A_97, %add3A_131 : i32
      %mul3A_133 = arith.constant 80 : i32
      %mul3A_134 = arith.muli %add3A_132, %mul3A_133 : i32
      %multiple_of3A_135 = tpu.assume_multiple %mul3A_134, 8 : i32
      %dma_start3A_136 = tpu.memref_slice %arg6[%multiple_of3A_135] : memref<10000xi32, #tpu.memory_space<vmem>> -> memref<80xi32, #tpu.memory_space<vmem>>
      %dma_start3A_137 = arith.constant 0 : i32
      %dma_start3A_138 = arith.constant 0 : i32
      %dma_start3A_139 = tpu.memref_slice %arg2[%dma_start3A_137, %dma_start3A_138] : memref<10000x128xf32, #tpu.memory_space<hbm>> -> memref<10000x128xf32, #tpu.memory_space<hbm>>
      tpu.enqueue_indirect_dma source(%dma_start3A_139 : memref<10000x128xf32, #tpu.memory_space<hbm>>) target(%arg10 : memref<80x128xf32, #tpu.memory_space<vmem>>) offsets(%dma_start3A_136 : memref<80xi32, #tpu.memory_space<vmem>>) semaphore(%arg13 : memref<!tpu.dma_semaphore, #tpu.memory_space<semaphore_mem>>)
      %dma_wait3A_140 = arith.constant 0 : i32
      %dma_wait3A_141 = tpu.memref_slice %arg6[%dma_wait3A_140] : memref<10000xi32, #tpu.memory_space<vmem>> -> memref<80xi32, #tpu.memory_space<vmem>>
      %dma_wait3A_142 = arith.constant 0 : i32
      %dma_wait3A_143 = arith.constant 0 : i32
      %dma_wait3A_144 = tpu.memref_slice %arg2[%dma_wait3A_142, %dma_wait3A_143] : memref<10000x128xf32, #tpu.memory_space<hbm>> -> memref<10000x128xf32, #tpu.memory_space<hbm>>
      tpu.wait_indirect_dma semaphore(%arg13 : memref<!tpu.dma_semaphore, #tpu.memory_space<semaphore_mem>>) src(%dma_wait3A_144 : memref<10000x128xf32, #tpu.memory_space<hbm>>) dst(%arg10 : memref<80x128xf32, #tpu.memory_space<vmem>>)
      %dma_wait3A_145 = arith.constant 0 : i32
      %dma_wait3A_146 = arith.constant 0 : i32
      %dma_wait3A_147 = tpu.memref_slice %arg11[%dma_wait3A_145, %dma_wait3A_146] : memref<10240x128xf32, #tpu.memory_space<vmem_shared>> -> memref<10240x128xf32, #tpu.memory_space<vmem_shared>>
      tpu.wait_indirect_dma semaphore(%arg14 : memref<!tpu.dma_semaphore, #tpu.memory_space<semaphore_mem>>) src(%arg9 : memref<80x128xf32, #tpu.memory_space<vmem>>) dst(%dma_wait3A_147 : memref<10240x128xf32, #tpu.memory_space<vmem_shared>>)
      %add3A_148 = arith.constant 2 : i32
      %add3A_149 = arith.addi %mul3A_97, %add3A_148 : i32
      %min3A = arith.constant 124 : i32
      %min3A_150 = arith.minsi %add3A_149, %min3A : i32
      %dma_start3A_151 = arith.constant 0 : i32
      %dma_start3A_152 = tpu.memref_slice %arg4[%add3A, %min3A_150, %dma_start3A_151] : memref<32x125x80xi32, #tpu.memory_space<hbm>> -> memref<1x1x80xi32, #tpu.memory_space<hbm>>
      %dma_start3A_153 = tpu.memref_squeeze %dma_start3A_152 : memref<1x1x80xi32, #tpu.memory_space<hbm>> -> memref<80xi32, #tpu.memory_space<hbm>>
      %dma_start3A_154 = arith.constant 0 : i32
      %dma_start3A_155 = tpu.memref_slice %arg4[%add3A, %min3A_150, %dma_start3A_154] : memref<32x125x80xi32, #tpu.memory_space<hbm>> -> memref<1x1x80xi32, #tpu.memory_space<hbm>>
      %dma_start3A_156 = tpu.memref_squeeze %dma_start3A_155 : memref<1x1x80xi32, #tpu.memory_space<hbm>> -> memref<80xi32, #tpu.memory_space<hbm>>
      tpu.enqueue_dma source(%dma_start3A_156 : memref<80xi32, #tpu.memory_space<hbm>>) target(%arg7 : memref<80xi32, #tpu.memory_space<vmem>>) target_semaphore(%arg16 : memref<!tpu.dma_semaphore, #tpu.memory_space<semaphore_mem>>)
      %dma_wait3A_157 = arith.constant 0 : i32
      %dma_wait3A_158 = arith.constant 0 : i32
      %dma_wait3A_159 = tpu.memref_slice %arg4[%add3A, %dma_wait3A_157, %dma_wait3A_158] : memref<32x125x80xi32, #tpu.memory_space<hbm>> -> memref<1x1x80xi32, #tpu.memory_space<hbm>>
      %dma_wait3A_160 = tpu.memref_squeeze %dma_wait3A_159 : memref<1x1x80xi32, #tpu.memory_space<hbm>> -> memref<80xi32, #tpu.memory_space<hbm>>
      %dma_wait3A_161 = arith.constant 0 : i32
      %dma_wait3A_162 = tpu.memref_slice %arg4[%add3A, %dma_wait3A_157, %dma_wait3A_161] : memref<32x125x80xi32, #tpu.memory_space<hbm>> -> memref<1x1x80xi32, #tpu.memory_space<hbm>>
      %dma_wait3A_163 = tpu.memref_squeeze %dma_wait3A_162 : memref<1x1x80xi32, #tpu.memory_space<hbm>> -> memref<80xi32, #tpu.memory_space<hbm>>
      tpu.wait_dma2 semaphore(%arg17 : memref<!tpu.dma_semaphore, #tpu.memory_space<semaphore_mem>>) src(%dma_wait3A_163 : memref<80xi32, #tpu.memory_space<hbm>>) dst(%arg8 : memref<80xi32, #tpu.memory_space<vmem>>)
      %dma_start3A_164 = arith.constant 0 : i32
      %dma_start3A_165 = arith.constant 0 : i32
      %dma_start3A_166 = tpu.memref_slice %arg11[%dma_start3A_164, %dma_start3A_165] : memref<10240x128xf32, #tpu.memory_space<vmem_shared>> -> memref<10240x128xf32, #tpu.memory_space<vmem_shared>>
      tpu.enqueue_indirect_dma source(%arg10 : memref<80x128xf32, #tpu.memory_space<vmem>>) target(%dma_start3A_166 : memref<10240x128xf32, #tpu.memory_space<vmem_shared>>) offsets(%arg8 : memref<80xi32, #tpu.memory_space<vmem>>) semaphore(%arg15 : memref<!tpu.dma_semaphore, #tpu.memory_space<semaphore_mem>>) {add = true}
      %scan3A_167 = arith.constant 0 : i32
      scf.yield %scan3A_167 : i32
    }
    %scan3A_64 = arith.constant 62 : i32
    %multiple_of3A = arith.constant 9920 : i32
    %multiple_of3A_65 = tpu.assume_multiple %multiple_of3A, 8 : i32
    %dma_start3A_66 = tpu.memref_slice %arg6[%multiple_of3A_65] : memref<10000xi32, #tpu.memory_space<vmem>> -> memref<80xi32, #tpu.memory_space<vmem>>
    %dma_start3A_67 = arith.constant 0 : i32
    %dma_start3A_68 = arith.constant 0 : i32
    %dma_start3A_69 = tpu.memref_slice %arg2[%dma_start3A_67, %dma_start3A_68] : memref<10000x128xf32, #tpu.memory_space<hbm>> -> memref<10000x128xf32, #tpu.memory_space<hbm>>
    tpu.enqueue_indirect_dma source(%dma_start3A_69 : memref<10000x128xf32, #tpu.memory_space<hbm>>) target(%arg9 : memref<80x128xf32, #tpu.memory_space<vmem>>) offsets(%dma_start3A_66 : memref<80xi32, #tpu.memory_space<vmem>>) semaphore(%arg12 : memref<!tpu.dma_semaphore, #tpu.memory_space<semaphore_mem>>)
    %dma_wait3A = arith.constant 0 : i32
    %dma_wait3A_70 = arith.constant 0 : i32
    %dma_wait3A_71 = tpu.memref_slice %arg11[%dma_wait3A, %dma_wait3A_70] : memref<10240x128xf32, #tpu.memory_space<vmem_shared>> -> memref<10240x128xf32, #tpu.memory_space<vmem_shared>>
    tpu.wait_indirect_dma semaphore(%arg15 : memref<!tpu.dma_semaphore, #tpu.memory_space<semaphore_mem>>) src(%arg10 : memref<80x128xf32, #tpu.memory_space<vmem>>) dst(%dma_wait3A_71 : memref<10240x128xf32, #tpu.memory_space<vmem_shared>>)
    %dma_wait3A_72 = arith.constant 0 : i32
    %dma_wait3A_73 = tpu.memref_slice %arg6[%dma_wait3A_72] : memref<10000xi32, #tpu.memory_space<vmem>> -> memref<80xi32, #tpu.memory_space<vmem>>
    %dma_wait3A_74 = arith.constant 0 : i32
    %dma_wait3A_75 = arith.constant 0 : i32
    %dma_wait3A_76 = tpu.memref_slice %arg2[%dma_wait3A_74, %dma_wait3A_75] : memref<10000x128xf32, #tpu.memory_space<hbm>> -> memref<10000x128xf32, #tpu.memory_space<hbm>>
    tpu.wait_indirect_dma semaphore(%arg12 : memref<!tpu.dma_semaphore, #tpu.memory_space<semaphore_mem>>) src(%dma_wait3A_76 : memref<10000x128xf32, #tpu.memory_space<hbm>>) dst(%arg9 : memref<80x128xf32, #tpu.memory_space<vmem>>)
    %dma_wait3A_77 = arith.constant 0 : i32
    %dma_wait3A_78 = arith.constant 0 : i32
    %dma_wait3A_79 = tpu.memref_slice %arg4[%add3A, %dma_wait3A_77, %dma_wait3A_78] : memref<32x125x80xi32, #tpu.memory_space<hbm>> -> memref<1x1x80xi32, #tpu.memory_space<hbm>>
    %dma_wait3A_80 = tpu.memref_squeeze %dma_wait3A_79 : memref<1x1x80xi32, #tpu.memory_space<hbm>> -> memref<80xi32, #tpu.memory_space<hbm>>
    %dma_wait3A_81 = arith.constant 0 : i32
    %dma_wait3A_82 = tpu.memref_slice %arg4[%add3A, %dma_wait3A_77, %dma_wait3A_81] : memref<32x125x80xi32, #tpu.memory_space<hbm>> -> memref<1x1x80xi32, #tpu.memory_space<hbm>>
    %dma_wait3A_83 = tpu.memref_squeeze %dma_wait3A_82 : memref<1x1x80xi32, #tpu.memory_space<hbm>> -> memref<80xi32, #tpu.memory_space<hbm>>
    tpu.wait_dma2 semaphore(%arg16 : memref<!tpu.dma_semaphore, #tpu.memory_space<semaphore_mem>>) src(%dma_wait3A_83 : memref<80xi32, #tpu.memory_space<hbm>>) dst(%arg7 : memref<80xi32, #tpu.memory_space<vmem>>)
    %dma_start3A_84 = arith.constant 0 : i32
    %dma_start3A_85 = arith.constant 0 : i32
    %dma_start3A_86 = tpu.memref_slice %arg11[%dma_start3A_84, %dma_start3A_85] : memref<10240x128xf32, #tpu.memory_space<vmem_shared>> -> memref<10240x128xf32, #tpu.memory_space<vmem_shared>>
    tpu.enqueue_indirect_dma source(%arg9 : memref<80x128xf32, #tpu.memory_space<vmem>>) target(%dma_start3A_86 : memref<10240x128xf32, #tpu.memory_space<vmem_shared>>) offsets(%arg7 : memref<80xi32, #tpu.memory_space<vmem>>) semaphore(%arg14 : memref<!tpu.dma_semaphore, #tpu.memory_space<semaphore_mem>>) {add = true}
    %dma_wait3A_87 = arith.constant 0 : i32
    %dma_wait3A_88 = arith.constant 0 : i32
    %dma_wait3A_89 = tpu.memref_slice %arg11[%dma_wait3A_87, %dma_wait3A_88] : memref<10240x128xf32, #tpu.memory_space<vmem_shared>> -> memref<10240x128xf32, #tpu.memory_space<vmem_shared>>
    tpu.wait_indirect_dma semaphore(%arg14 : memref<!tpu.dma_semaphore, #tpu.memory_space<semaphore_mem>>) src(%arg9 : memref<80x128xf32, #tpu.memory_space<vmem>>) dst(%dma_wait3A_89 : memref<10240x128xf32, #tpu.memory_space<vmem_shared>>)
    %barrier3A_90 = arith.constant 0 : index
    tpu.barrier barrier_id(%barrier3A_90)
    %mul3A_91 = arith.constant 640 : i32
    %mul3A_92 = arith.muli %arg1, %mul3A_91 : i32
    %multiple_of3A_93 = tpu.assume_multiple %mul3A_92, 8 : i32
    "tpu.region"() ({
      %run_scoped3A_94 = tpu.sem_alloc : memref<!tpu.dma_semaphore, #tpu.memory_space<semaphore_mem>>
      %dma_start3A_95 = arith.constant 0 : i32
      %dma_start3A_96 = tpu.memref_slice %arg5[%arg0, %multiple_of3A_93, %dma_start3A_95] : memref<2x10240x128xf32, #tpu.memory_space<hbm>> -> memref<1x640x128xf32, #tpu.memory_space<hbm>>
      %dma_start3A_97 = tpu.memref_squeeze %dma_start3A_96 : memref<1x640x128xf32, #tpu.memory_space<hbm>> -> memref<640x128xf32, #tpu.memory_space<hbm>>
      %dma_start3A_98 = arith.constant 0 : i32
      %dma_start3A_99 = tpu.memref_slice %arg11[%multiple_of3A_93, %dma_start3A_98] : memref<10240x128xf32, #tpu.memory_space<vmem_shared>> -> memref<640x128xf32, #tpu.memory_space<vmem_shared>>
      tpu.enqueue_dma source(%dma_start3A_99 : memref<640x128xf32, #tpu.memory_space<vmem_shared>>) target(%dma_start3A_97 : memref<640x128xf32, #tpu.memory_space<hbm>>) target_semaphore(%run_scoped3A_94 : memref<!tpu.dma_semaphore, #tpu.memory_space<semaphore_mem>>)
      %dma_wait3A_100 = arith.constant 0 : i32
      %dma_wait3A_101 = tpu.memref_slice %arg5[%arg0, %multiple_of3A_93, %dma_wait3A_100] : memref<2x10240x128xf32, #tpu.memory_space<hbm>> -> memref<1x640x128xf32, #tpu.memory_space<hbm>>
      %dma_wait3A_102 = tpu.memref_squeeze %dma_wait3A_101 : memref<1x640x128xf32, #tpu.memory_space<hbm>> -> memref<640x128xf32, #tpu.memory_space<hbm>>
      %dma_wait3A_103 = arith.constant 0 : i32
      %dma_wait3A_104 = tpu.memref_slice %arg11[%multiple_of3A_93, %dma_wait3A_103] : memref<10240x128xf32, #tpu.memory_space<vmem_shared>> -> memref<640x128xf32, #tpu.memory_space<vmem_shared>>
      tpu.wait_dma2 semaphore(%run_scoped3A_94 : memref<!tpu.dma_semaphore, #tpu.memory_space<semaphore_mem>>) src(%dma_wait3A_104 : memref<640x128xf32, #tpu.memory_space<vmem_shared>>) dst(%dma_wait3A_102 : memref<640x128xf32, #tpu.memory_space<hbm>>)
      tpu.yield
    }) : () -> ()
    return
  }
}

#map = affine_map<(d0, d1) -> (0, 0)>
#map1 = affine_map<(d0, d1) -> (0, 0, 0)>
module attributes {stable_mosaic.version = 14 : i64} {
  func.func @k(%arg0: i32, %arg1: i32, %arg2: memref<10000x128xf32, #tpu.memory_space<hbm>>, %arg3: memref<32x10000xi32, #tpu.memory_space<hbm>>, %arg4: memref<32x125x80xi32, #tpu.memory_space<hbm>>, %arg5: memref<2x10240x128xf32, #tpu.memory_space<hbm>>, %arg6: memref<10000xi32, #tpu.memory_space<vmem>>, %arg7: memref<80xi32, #tpu.memory_space<vmem>>, %arg8: memref<80xi32, #tpu.memory_space<vmem>>, %arg9: memref<80x128xf32, #tpu.memory_space<vmem>>, %arg10: memref<80x128xf32, #tpu.memory_space<vmem>>, %arg11: memref<10240x128xf32, #tpu.memory_space<vmem_shared>>, %arg12: memref<!tpu.dma_semaphore, #tpu.memory_space<semaphore_mem>>, %arg13: memref<!tpu.dma_semaphore, #tpu.memory_space<semaphore_mem>>, %arg14: memref<!tpu.dma_semaphore, #tpu.memory_space<semaphore_mem>>, %arg15: memref<!tpu.dma_semaphore, #tpu.memory_space<semaphore_mem>>, %arg16: memref<!tpu.dma_semaphore, #tpu.memory_space<semaphore_mem>>, %arg17: memref<!tpu.dma_semaphore, #tpu.memory_space<semaphore_mem>>) attributes {dimension_semantics = [#tpu.dimension_semantics<core_parallel>, #tpu.dimension_semantics<subcore_parallel>], iteration_bounds = array<i64: 2, 16>, scalar_prefetch = 0 : i64, scratch_operands = 12 : i64, tpu.core_type = #tpu.core_type<sc_vector_subcore>, window_params = [{transform_indices = #map}, {transform_indices = #map}, {transform_indices = #map1}, {transform_indices = #map1}]} {
    %mul3A = arith.constant 16 : i32
    %mul3A_0 = arith.muli %arg0, %mul3A : i32
    %add3A = arith.addi %mul3A_0, %arg1 : i32
    "tpu.region"() ({
      %run_scoped3A_94 = tpu.sem_alloc : memref<!tpu.dma_semaphore, #tpu.memory_space<semaphore_mem>>
      %dma_start3A_95 = arith.constant 0 : i32
      %dma_start3A_96 = tpu.memref_slice %arg3[%add3A, %dma_start3A_95] : memref<32x10000xi32, #tpu.memory_space<hbm>> -> memref<1x10000xi32, #tpu.memory_space<hbm>>
      %dma_start3A_97 = tpu.memref_squeeze %dma_start3A_96 : memref<1x10000xi32, #tpu.memory_space<hbm>> -> memref<10000xi32, #tpu.memory_space<hbm>>
      %dma_start3A_98 = arith.constant 0 : i32
      %dma_start3A_99 = tpu.memref_slice %arg3[%add3A, %dma_start3A_98] : memref<32x10000xi32, #tpu.memory_space<hbm>> -> memref<1x10000xi32, #tpu.memory_space<hbm>>
      %dma_start3A_100 = tpu.memref_squeeze %dma_start3A_99 : memref<1x10000xi32, #tpu.memory_space<hbm>> -> memref<10000xi32, #tpu.memory_space<hbm>>
      tpu.enqueue_dma source(%dma_start3A_100 : memref<10000xi32, #tpu.memory_space<hbm>>) target(%arg6 : memref<10000xi32, #tpu.memory_space<vmem>>) target_semaphore(%run_scoped3A_94 : memref<!tpu.dma_semaphore, #tpu.memory_space<semaphore_mem>>)
      %dma_wait3A_101 = arith.constant 0 : i32
      %dma_wait3A_102 = tpu.memref_slice %arg3[%add3A, %dma_wait3A_101] : memref<32x10000xi32, #tpu.memory_space<hbm>> -> memref<1x10000xi32, #tpu.memory_space<hbm>>
      %dma_wait3A_103 = tpu.memref_squeeze %dma_wait3A_102 : memref<1x10000xi32, #tpu.memory_space<hbm>> -> memref<10000xi32, #tpu.memory_space<hbm>>
      %dma_wait3A_104 = arith.constant 0 : i32
      %dma_wait3A_105 = tpu.memref_slice %arg3[%add3A, %dma_wait3A_104] : memref<32x10000xi32, #tpu.memory_space<hbm>> -> memref<1x10000xi32, #tpu.memory_space<hbm>>
      %dma_wait3A_106 = tpu.memref_squeeze %dma_wait3A_105 : memref<1x10000xi32, #tpu.memory_space<hbm>> -> memref<10000xi32, #tpu.memory_space<hbm>>
      tpu.wait_dma2 semaphore(%run_scoped3A_94 : memref<!tpu.dma_semaphore, #tpu.memory_space<semaphore_mem>>) src(%dma_wait3A_106 : memref<10000xi32, #tpu.memory_space<hbm>>) dst(%arg6 : memref<10000xi32, #tpu.memory_space<vmem>>)
      tpu.yield
    }) : () -> ()
    %broadcast_in_dim3A = arith.constant 0.000000e+00 : f32
    %broadcast_in_dim3A_1 = vector.broadcast %broadcast_in_dim3A : f32 to vector<16xf32>
    %scan3A = arith.constant 0 : i32
    %scan3A_2 = arith.constant 0 : i32
    %scan3A_3 = arith.constant 80 : i32
    %scan3A_4 = arith.addi %scan3A_2, %scan3A_3 : i32
    %scan3A_5 = arith.constant 1 : i32
    %scan3A_6 = scf.for %scan3A_94 = %scan3A_2 to %scan3A_4 step %scan3A_5 iter_args(%scan3A_95 = %scan3A) -> (i32)  : i32 {
      %swap3A = arith.index_cast %scan3A_94 : i32 to index
      %swap3A_96 = arith.constant 0 : index
      %swap3A_97 = tpu.vector_load %arg9[%swap3A, %swap3A_96] {strides = array<i32>} : memref<80x128xf32, #tpu.memory_space<vmem>>, vector<1x16xf32>,
      %swap3A_98 = vector.shape_cast %swap3A_97 : vector<1x16xf32> to vector<16xf32>
      %swap3A_99 = vector.shape_cast %broadcast_in_dim3A_1 : vector<16xf32> to vector<1x16xf32>
      tpu.vector_store %arg9[%swap3A, %swap3A_96], %swap3A_99 {strides = array<i32>} : memref<80x128xf32, #tpu.memory_space<vmem>>, vector<1x16xf32>,
      %swap3A_100 = arith.index_cast %scan3A_94 : i32 to index
      %swap3A_101 = arith.constant 16 : index
      %swap3A_102 = tpu.vector_load %arg9[%swap3A_100, %swap3A_101] {strides = array<i32>} : memref<80x128xf32, #tpu.memory_space<vmem>>, vector<1x16xf32>,
      %swap3A_103 = vector.shape_cast %swap3A_102 : vector<1x16xf32> to vector<16xf32>
      %swap3A_104 = vector.shape_cast %broadcast_in_dim3A_1 : vector<16xf32> to vector<1x16xf32>
      tpu.vector_store %arg9[%swap3A_100, %swap3A_101], %swap3A_104 {strides = array<i32>} : memref<80x128xf32, #tpu.memory_space<vmem>>, vector<1x16xf32>,
      %swap3A_105 = arith.index_cast %scan3A_94 : i32 to index
      %swap3A_106 = arith.constant 32 : index
      %swap3A_107 = tpu.vector_load %arg9[%swap3A_105, %swap3A_106] {strides = array<i32>} : memref<80x128xf32, #tpu.memory_space<vmem>>, vector<1x16xf32>,
      %swap3A_108 = vector.shape_cast %swap3A_107 : vector<1x16xf32> to vector<16xf32>
      %swap3A_109 = vector.shape_cast %broadcast_in_dim3A_1 : vector<16xf32> to vector<1x16xf32>
      tpu.vector_store %arg9[%swap3A_105, %swap3A_106], %swap3A_109 {strides = array<i32>} : memref<80x128xf32, #tpu.memory_space<vmem>>, vector<1x16xf32>,
      %swap3A_110 = arith.index_cast %scan3A_94 : i32 to index
      %swap3A_111 = arith.constant 48 : index
      %swap3A_112 = tpu.vector_load %arg9[%swap3A_110, %swap3A_111] {strides = array<i32>} : memref<80x128xf32, #tpu.memory_space<vmem>>, vector<1x16xf32>,
      %swap3A_113 = vector.shape_cast %swap3A_112 : vector<1x16xf32> to vector<16xf32>
      %swap3A_114 = vector.shape_cast %broadcast_in_dim3A_1 : vector<16xf32> to vector<1x16xf32>
      tpu.vector_store %arg9[%swap3A_110, %swap3A_111], %swap3A_114 {strides = array<i32>} : memref<80x128xf32, #tpu.memory_space<vmem>>, vector<1x16xf32>,
      %swap3A_115 = arith.index_cast %scan3A_94 : i32 to index
      %swap3A_116 = arith.constant 64 : index
      %swap3A_117 = tpu.vector_load %arg9[%swap3A_115, %swap3A_116] {strides = array<i32>} : memref<80x128xf32, #tpu.memory_space<vmem>>, vector<1x16xf32>,
      %swap3A_118 = vector.shape_cast %swap3A_117 : vector<1x16xf32> to vector<16xf32>
      %swap3A_119 = vector.shape_cast %broadcast_in_dim3A_1 : vector<16xf32> to vector<1x16xf32>
      tpu.vector_store %arg9[%swap3A_115, %swap3A_116], %swap3A_119 {strides = array<i32>} : memref<80x128xf32, #tpu.memory_space<vmem>>, vector<1x16xf32>,
      %swap3A_120 = arith.index_cast %scan3A_94 : i32 to index
      %swap3A_121 = arith.constant 80 : index
      %swap3A_122 = tpu.vector_load %arg9[%swap3A_120, %swap3A_121] {strides = array<i32>} : memref<80x128xf32, #tpu.memory_space<vmem>>, vector<1x16xf32>,
      %swap3A_123 = vector.shape_cast %swap3A_122 : vector<1x16xf32> to vector<16xf32>
      %swap3A_124 = vector.shape_cast %broadcast_in_dim3A_1 : vector<16xf32> to vector<1x16xf32>
      tpu.vector_store %arg9[%swap3A_120, %swap3A_121], %swap3A_124 {strides = array<i32>} : memref<80x128xf32, #tpu.memory_space<vmem>>, vector<1x16xf32>,
      %swap3A_125 = arith.index_cast %scan3A_94 : i32 to index
      %swap3A_126 = arith.constant 96 : index
      %swap3A_127 = tpu.vector_load %arg9[%swap3A_125, %swap3A_126] {strides = array<i32>} : memref<80x128xf32, #tpu.memory_space<vmem>>, vector<1x16xf32>,
      %swap3A_128 = vector.shape_cast %swap3A_127 : vector<1x16xf32> to vector<16xf32>
      %swap3A_129 = vector.shape_cast %broadcast_in_dim3A_1 : vector<16xf32> to vector<1x16xf32>
      tpu.vector_store %arg9[%swap3A_125, %swap3A_126], %swap3A_129 {strides = array<i32>} : memref<80x128xf32, #tpu.memory_space<vmem>>, vector<1x16xf32>,
      %swap3A_130 = arith.index_cast %scan3A_94 : i32 to index
      %swap3A_131 = arith.constant 112 : index
      %swap3A_132 = tpu.vector_load %arg9[%swap3A_130, %swap3A_131] {strides = array<i32>} : memref<80x128xf32, #tpu.memory_space<vmem>>, vector<1x16xf32>,
      %swap3A_133 = vector.shape_cast %swap3A_132 : vector<1x16xf32> to vector<16xf32>
      %swap3A_134 = vector.shape_cast %broadcast_in_dim3A_1 : vector<16xf32> to vector<1x16xf32>
      tpu.vector_store %arg9[%swap3A_130, %swap3A_131], %swap3A_134 {strides = array<i32>} : memref<80x128xf32, #tpu.memory_space<vmem>>, vector<1x16xf32>,
      %scan3A_135 = arith.constant 0 : i32
      scf.yield %scan3A_135 : i32
    }
    %scan3A_7 = arith.constant 80 : i32
    %broadcast_in_dim3A_8 = arith.constant 0.000000e+00 : f32
    %broadcast_in_dim3A_9 = vector.broadcast %broadcast_in_dim3A_8 : f32 to vector<16xf32>
    %scan3A_10 = arith.constant 0 : i32
    %scan3A_11 = arith.constant 0 : i32
    %scan3A_12 = arith.constant 80 : i32
    %scan3A_13 = arith.addi %scan3A_11, %scan3A_12 : i32
    %scan3A_14 = arith.constant 1 : i32
    %scan3A_15 = scf.for %scan3A_94 = %scan3A_11 to %scan3A_13 step %scan3A_14 iter_args(%scan3A_95 = %scan3A_10) -> (i32)  : i32 {
      %swap3A = arith.index_cast %scan3A_94 : i32 to index
      %swap3A_96 = arith.constant 0 : index
      %swap3A_97 = tpu.vector_load %arg10[%swap3A, %swap3A_96] {strides = array<i32>} : memref<80x128xf32, #tpu.memory_space<vmem>>, vector<1x16xf32>,
      %swap3A_98 = vector.shape_cast %swap3A_97 : vector<1x16xf32> to vector<16xf32>
      %swap3A_99 = vector.shape_cast %broadcast_in_dim3A_9 : vector<16xf32> to vector<1x16xf32>
      tpu.vector_store %arg10[%swap3A, %swap3A_96], %swap3A_99 {strides = array<i32>} : memref<80x128xf32, #tpu.memory_space<vmem>>, vector<1x16xf32>,
      %swap3A_100 = arith.index_cast %scan3A_94 : i32 to index
      %swap3A_101 = arith.constant 16 : index
      %swap3A_102 = tpu.vector_load %arg10[%swap3A_100, %swap3A_101] {strides = array<i32>} : memref<80x128xf32, #tpu.memory_space<vmem>>, vector<1x16xf32>,
      %swap3A_103 = vector.shape_cast %swap3A_102 : vector<1x16xf32> to vector<16xf32>
      %swap3A_104 = vector.shape_cast %broadcast_in_dim3A_9 : vector<16xf32> to vector<1x16xf32>
      tpu.vector_store %arg10[%swap3A_100, %swap3A_101], %swap3A_104 {strides = array<i32>} : memref<80x128xf32, #tpu.memory_space<vmem>>, vector<1x16xf32>,
      %swap3A_105 = arith.index_cast %scan3A_94 : i32 to index
      %swap3A_106 = arith.constant 32 : index
      %swap3A_107 = tpu.vector_load %arg10[%swap3A_105, %swap3A_106] {strides = array<i32>} : memref<80x128xf32, #tpu.memory_space<vmem>>, vector<1x16xf32>,
      %swap3A_108 = vector.shape_cast %swap3A_107 : vector<1x16xf32> to vector<16xf32>
      %swap3A_109 = vector.shape_cast %broadcast_in_dim3A_9 : vector<16xf32> to vector<1x16xf32>
      tpu.vector_store %arg10[%swap3A_105, %swap3A_106], %swap3A_109 {strides = array<i32>} : memref<80x128xf32, #tpu.memory_space<vmem>>, vector<1x16xf32>,
      %swap3A_110 = arith.index_cast %scan3A_94 : i32 to index
      %swap3A_111 = arith.constant 48 : index
      %swap3A_112 = tpu.vector_load %arg10[%swap3A_110, %swap3A_111] {strides = array<i32>} : memref<80x128xf32, #tpu.memory_space<vmem>>, vector<1x16xf32>,
      %swap3A_113 = vector.shape_cast %swap3A_112 : vector<1x16xf32> to vector<16xf32>
      %swap3A_114 = vector.shape_cast %broadcast_in_dim3A_9 : vector<16xf32> to vector<1x16xf32>
      tpu.vector_store %arg10[%swap3A_110, %swap3A_111], %swap3A_114 {strides = array<i32>} : memref<80x128xf32, #tpu.memory_space<vmem>>, vector<1x16xf32>,
      %swap3A_115 = arith.index_cast %scan3A_94 : i32 to index
      %swap3A_116 = arith.constant 64 : index
      %swap3A_117 = tpu.vector_load %arg10[%swap3A_115, %swap3A_116] {strides = array<i32>} : memref<80x128xf32, #tpu.memory_space<vmem>>, vector<1x16xf32>,
      %swap3A_118 = vector.shape_cast %swap3A_117 : vector<1x16xf32> to vector<16xf32>
      %swap3A_119 = vector.shape_cast %broadcast_in_dim3A_9 : vector<16xf32> to vector<1x16xf32>
      tpu.vector_store %arg10[%swap3A_115, %swap3A_116], %swap3A_119 {strides = array<i32>} : memref<80x128xf32, #tpu.memory_space<vmem>>, vector<1x16xf32>,
      %swap3A_120 = arith.index_cast %scan3A_94 : i32 to index
      %swap3A_121 = arith.constant 80 : index
      %swap3A_122 = tpu.vector_load %arg10[%swap3A_120, %swap3A_121] {strides = array<i32>} : memref<80x128xf32, #tpu.memory_space<vmem>>, vector<1x16xf32>,
      %swap3A_123 = vector.shape_cast %swap3A_122 : vector<1x16xf32> to vector<16xf32>
      %swap3A_124 = vector.shape_cast %broadcast_in_dim3A_9 : vector<16xf32> to vector<1x16xf32>
      tpu.vector_store %arg10[%swap3A_120, %swap3A_121], %swap3A_124 {strides = array<i32>} : memref<80x128xf32, #tpu.memory_space<vmem>>, vector<1x16xf32>,
      %swap3A_125 = arith.index_cast %scan3A_94 : i32 to index
      %swap3A_126 = arith.constant 96 : index
      %swap3A_127 = tpu.vector_load %arg10[%swap3A_125, %swap3A_126] {strides = array<i32>} : memref<80x128xf32, #tpu.memory_space<vmem>>, vector<1x16xf32>,
      %swap3A_128 = vector.shape_cast %swap3A_127 : vector<1x16xf32> to vector<16xf32>
      %swap3A_129 = vector.shape_cast %broadcast_in_dim3A_9 : vector<16xf32> to vector<1x16xf32>
      tpu.vector_store %arg10[%swap3A_125, %swap3A_126], %swap3A_129 {strides = array<i32>} : memref<80x128xf32, #tpu.memory_space<vmem>>, vector<1x16xf32>,
      %swap3A_130 = arith.index_cast %scan3A_94 : i32 to index
      %swap3A_131 = arith.constant 112 : index
      %swap3A_132 = tpu.vector_load %arg10[%swap3A_130, %swap3A_131] {strides = array<i32>} : memref<80x128xf32, #tpu.memory_space<vmem>>, vector<1x16xf32>,
      %swap3A_133 = vector.shape_cast %swap3A_132 : vector<1x16xf32> to vector<16xf32>
      %swap3A_134 = vector.shape_cast %broadcast_in_dim3A_9 : vector<16xf32> to vector<1x16xf32>
      tpu.vector_store %arg10[%swap3A_130, %swap3A_131], %swap3A_134 {strides = array<i32>} : memref<80x128xf32, #tpu.memory_space<vmem>>, vector<1x16xf32>,
      %scan3A_135 = arith.constant 0 : i32
      scf.yield %scan3A_135 : i32
    }
    %scan3A_16 = arith.constant 80 : i32
    %mul3A_17 = arith.constant 640 : i32
    %mul3A_18 = arith.muli %arg1, %mul3A_17 : i32
    %add3A_19 = arith.constant 0 : i32
    %add3A_20 = arith.addi %mul3A_18, %add3A_19 : i32
    "tpu.region"() ({
      %run_scoped3A_94 = tpu.sem_alloc : memref<!tpu.dma_semaphore, #tpu.memory_space<semaphore_mem>>
      %dma_start3A_95 = arith.constant 0 : i32
      %dma_start3A_96 = tpu.memref_slice %arg11[%add3A_20, %dma_start3A_95] : memref<10240x128xf32, #tpu.memory_space<vmem_shared>> -> memref<80x128xf32, #tpu.memory_space<vmem_shared>>
      %dma_start3A_97 = arith.constant 0 : i32
      %dma_start3A_98 = tpu.memref_slice %arg11[%add3A_20, %dma_start3A_97] : memref<10240x128xf32, #tpu.memory_space<vmem_shared>> -> memref<80x128xf32, #tpu.memory_space<vmem_shared>>
      tpu.enqueue_dma source(%arg9 : memref<80x128xf32, #tpu.memory_space<vmem>>) target(%dma_start3A_98 : memref<80x128xf32, #tpu.memory_space<vmem_shared>>) target_semaphore(%run_scoped3A_94 : memref<!tpu.dma_semaphore, #tpu.memory_space<semaphore_mem>>)
      %dma_wait3A_99 = arith.constant 0 : i32
      %dma_wait3A_100 = tpu.memref_slice %arg11[%add3A_20, %dma_wait3A_99] : memref<10240x128xf32, #tpu.memory_space<vmem_shared>> -> memref<80x128xf32, #tpu.memory_space<vmem_shared>>
      %dma_wait3A_101 = arith.constant 0 : i32
      %dma_wait3A_102 = tpu.memref_slice %arg11[%add3A_20, %dma_wait3A_101] : memref<10240x128xf32, #tpu.memory_space<vmem_shared>> -> memref<80x128xf32, #tpu.memory_space<vmem_shared>>
      tpu.wait_dma2 semaphore(%run_scoped3A_94 : memref<!tpu.dma_semaphore, #tpu.memory_space<semaphore_mem>>) src(%arg9 : memref<80x128xf32, #tpu.memory_space<vmem>>) dst(%dma_wait3A_102 : memref<80x128xf32, #tpu.memory_space<vmem_shared>>)
      tpu.yield
    }) : () -> ()
    %mul3A_21 = arith.constant 640 : i32
    %mul3A_22 = arith.muli %arg1, %mul3A_21 : i32
    %add3A_23 = arith.constant 80 : i32
    %add3A_24 = arith.addi %mul3A_22, %add3A_23 : i32
    "tpu.region"() ({
      %run_scoped3A_94 = tpu.sem_alloc : memref<!tpu.dma_semaphore, #tpu.memory_space<semaphore_mem>>
      %dma_start3A_95 = arith.constant 0 : i32
      %dma_start3A_96 = tpu.memref_slice %arg11[%add3A_24, %dma_start3A_95] : memref<10240x128xf32, #tpu.memory_space<vmem_shared>> -> memref<80x128xf32, #tpu.memory_space<vmem_shared>>
      %dma_start3A_97 = arith.constant 0 : i32
      %dma_start3A_98 = tpu.memref_slice %arg11[%add3A_24, %dma_start3A_97] : memref<10240x128xf32, #tpu.memory_space<vmem_shared>> -> memref<80x128xf32, #tpu.memory_space<vmem_shared>>
      tpu.enqueue_dma source(%arg9 : memref<80x128xf32, #tpu.memory_space<vmem>>) target(%dma_start3A_98 : memref<80x128xf32, #tpu.memory_space<vmem_shared>>) target_semaphore(%run_scoped3A_94 : memref<!tpu.dma_semaphore, #tpu.memory_space<semaphore_mem>>)
      %dma_wait3A_99 = arith.constant 0 : i32
      %dma_wait3A_100 = tpu.memref_slice %arg11[%add3A_24, %dma_wait3A_99] : memref<10240x128xf32, #tpu.memory_space<vmem_shared>> -> memref<80x128xf32, #tpu.memory_space<vmem_shared>>
      %dma_wait3A_101 = arith.constant 0 : i32
      %dma_wait3A_102 = tpu.memref_slice %arg11[%add3A_24, %dma_wait3A_101] : memref<10240x128xf32, #tpu.memory_space<vmem_shared>> -> memref<80x128xf32, #tpu.memory_space<vmem_shared>>
      tpu.wait_dma2 semaphore(%run_scoped3A_94 : memref<!tpu.dma_semaphore, #tpu.memory_space<semaphore_mem>>) src(%arg9 : memref<80x128xf32, #tpu.memory_space<vmem>>) dst(%dma_wait3A_102 : memref<80x128xf32, #tpu.memory_space<vmem_shared>>)
      tpu.yield
    }) : () -> ()
    %mul3A_25 = arith.constant 640 : i32
    %mul3A_26 = arith.muli %arg1, %mul3A_25 : i32
    %add3A_27 = arith.constant 160 : i32
    %add3A_28 = arith.addi %mul3A_26, %add3A_27 : i32
    "tpu.region"() ({
      %run_scoped3A_94 = tpu.sem_alloc : memref<!tpu.dma_semaphore, #tpu.memory_space<semaphore_mem>>
      %dma_start3A_95 = arith.constant 0 : i32
      %dma_start3A_96 = tpu.memref_slice %arg11[%add3A_28, %dma_start3A_95] : memref<10240x128xf32, #tpu.memory_space<vmem_shared>> -> memref<80x128xf32, #tpu.memory_space<vmem_shared>>
      %dma_start3A_97 = arith.constant 0 : i32
      %dma_start3A_98 = tpu.memref_slice %arg11[%add3A_28, %dma_start3A_97] : memref<10240x128xf32, #tpu.memory_space<vmem_shared>> -> memref<80x128xf32, #tpu.memory_space<vmem_shared>>
      tpu.enqueue_dma source(%arg9 : memref<80x128xf32, #tpu.memory_space<vmem>>) target(%dma_start3A_98 : memref<80x128xf32, #tpu.memory_space<vmem_shared>>) target_semaphore(%run_scoped3A_94 : memref<!tpu.dma_semaphore, #tpu.memory_space<semaphore_mem>>)
      %dma_wait3A_99 = arith.constant 0 : i32
      %dma_wait3A_100 = tpu.memref_slice %arg11[%add3A_28, %dma_wait3A_99] : memref<10240x128xf32, #tpu.memory_space<vmem_shared>> -> memref<80x128xf32, #tpu.memory_space<vmem_shared>>
      %dma_wait3A_101 = arith.constant 0 : i32
      %dma_wait3A_102 = tpu.memref_slice %arg11[%add3A_28, %dma_wait3A_101] : memref<10240x128xf32, #tpu.memory_space<vmem_shared>> -> memref<80x128xf32, #tpu.memory_space<vmem_shared>>
      tpu.wait_dma2 semaphore(%run_scoped3A_94 : memref<!tpu.dma_semaphore, #tpu.memory_space<semaphore_mem>>) src(%arg9 : memref<80x128xf32, #tpu.memory_space<vmem>>) dst(%dma_wait3A_102 : memref<80x128xf32, #tpu.memory_space<vmem_shared>>)
      tpu.yield
    }) : () -> ()
    %mul3A_29 = arith.constant 640 : i32
    %mul3A_30 = arith.muli %arg1, %mul3A_29 : i32
    %add3A_31 = arith.constant 240 : i32
    %add3A_32 = arith.addi %mul3A_30, %add3A_31 : i32
    "tpu.region"() ({
      %run_scoped3A_94 = tpu.sem_alloc : memref<!tpu.dma_semaphore, #tpu.memory_space<semaphore_mem>>
      %dma_start3A_95 = arith.constant 0 : i32
      %dma_start3A_96 = tpu.memref_slice %arg11[%add3A_32, %dma_start3A_95] : memref<10240x128xf32, #tpu.memory_space<vmem_shared>> -> memref<80x128xf32, #tpu.memory_space<vmem_shared>>
      %dma_start3A_97 = arith.constant 0 : i32
      %dma_start3A_98 = tpu.memref_slice %arg11[%add3A_32, %dma_start3A_97] : memref<10240x128xf32, #tpu.memory_space<vmem_shared>> -> memref<80x128xf32, #tpu.memory_space<vmem_shared>>
      tpu.enqueue_dma source(%arg9 : memref<80x128xf32, #tpu.memory_space<vmem>>) target(%dma_start3A_98 : memref<80x128xf32, #tpu.memory_space<vmem_shared>>) target_semaphore(%run_scoped3A_94 : memref<!tpu.dma_semaphore, #tpu.memory_space<semaphore_mem>>)
      %dma_wait3A_99 = arith.constant 0 : i32
      %dma_wait3A_100 = tpu.memref_slice %arg11[%add3A_32, %dma_wait3A_99] : memref<10240x128xf32, #tpu.memory_space<vmem_shared>> -> memref<80x128xf32, #tpu.memory_space<vmem_shared>>
      %dma_wait3A_101 = arith.constant 0 : i32
      %dma_wait3A_102 = tpu.memref_slice %arg11[%add3A_32, %dma_wait3A_101] : memref<10240x128xf32, #tpu.memory_space<vmem_shared>> -> memref<80x128xf32, #tpu.memory_space<vmem_shared>>
      tpu.wait_dma2 semaphore(%run_scoped3A_94 : memref<!tpu.dma_semaphore, #tpu.memory_space<semaphore_mem>>) src(%arg9 : memref<80x128xf32, #tpu.memory_space<vmem>>) dst(%dma_wait3A_102 : memref<80x128xf32, #tpu.memory_space<vmem_shared>>)
      tpu.yield
    }) : () -> ()
    %mul3A_33 = arith.constant 640 : i32
    %mul3A_34 = arith.muli %arg1, %mul3A_33 : i32
    %add3A_35 = arith.constant 320 : i32
    %add3A_36 = arith.addi %mul3A_34, %add3A_35 : i32
    "tpu.region"() ({
      %run_scoped3A_94 = tpu.sem_alloc : memref<!tpu.dma_semaphore, #tpu.memory_space<semaphore_mem>>
      %dma_start3A_95 = arith.constant 0 : i32
      %dma_start3A_96 = tpu.memref_slice %arg11[%add3A_36, %dma_start3A_95] : memref<10240x128xf32, #tpu.memory_space<vmem_shared>> -> memref<80x128xf32, #tpu.memory_space<vmem_shared>>
      %dma_start3A_97 = arith.constant 0 : i32
      %dma_start3A_98 = tpu.memref_slice %arg11[%add3A_36, %dma_start3A_97] : memref<10240x128xf32, #tpu.memory_space<vmem_shared>> -> memref<80x128xf32, #tpu.memory_space<vmem_shared>>
      tpu.enqueue_dma source(%arg9 : memref<80x128xf32, #tpu.memory_space<vmem>>) target(%dma_start3A_98 : memref<80x128xf32, #tpu.memory_space<vmem_shared>>) target_semaphore(%run_scoped3A_94 : memref<!tpu.dma_semaphore, #tpu.memory_space<semaphore_mem>>)
      %dma_wait3A_99 = arith.constant 0 : i32
      %dma_wait3A_100 = tpu.memref_slice %arg11[%add3A_36, %dma_wait3A_99] : memref<10240x128xf32, #tpu.memory_space<vmem_shared>> -> memref<80x128xf32, #tpu.memory_space<vmem_shared>>
      %dma_wait3A_101 = arith.constant 0 : i32
      %dma_wait3A_102 = tpu.memref_slice %arg11[%add3A_36, %dma_wait3A_101] : memref<10240x128xf32, #tpu.memory_space<vmem_shared>> -> memref<80x128xf32, #tpu.memory_space<vmem_shared>>
      tpu.wait_dma2 semaphore(%run_scoped3A_94 : memref<!tpu.dma_semaphore, #tpu.memory_space<semaphore_mem>>) src(%arg9 : memref<80x128xf32, #tpu.memory_space<vmem>>) dst(%dma_wait3A_102 : memref<80x128xf32, #tpu.memory_space<vmem_shared>>)
      tpu.yield
    }) : () -> ()
    %mul3A_37 = arith.constant 640 : i32
    %mul3A_38 = arith.muli %arg1, %mul3A_37 : i32
    %add3A_39 = arith.constant 400 : i32
    %add3A_40 = arith.addi %mul3A_38, %add3A_39 : i32
    "tpu.region"() ({
      %run_scoped3A_94 = tpu.sem_alloc : memref<!tpu.dma_semaphore, #tpu.memory_space<semaphore_mem>>
      %dma_start3A_95 = arith.constant 0 : i32
      %dma_start3A_96 = tpu.memref_slice %arg11[%add3A_40, %dma_start3A_95] : memref<10240x128xf32, #tpu.memory_space<vmem_shared>> -> memref<80x128xf32, #tpu.memory_space<vmem_shared>>
      %dma_start3A_97 = arith.constant 0 : i32
      %dma_start3A_98 = tpu.memref_slice %arg11[%add3A_40, %dma_start3A_97] : memref<10240x128xf32, #tpu.memory_space<vmem_shared>> -> memref<80x128xf32, #tpu.memory_space<vmem_shared>>
      tpu.enqueue_dma source(%arg9 : memref<80x128xf32, #tpu.memory_space<vmem>>) target(%dma_start3A_98 : memref<80x128xf32, #tpu.memory_space<vmem_shared>>) target_semaphore(%run_scoped3A_94 : memref<!tpu.dma_semaphore, #tpu.memory_space<semaphore_mem>>)
      %dma_wait3A_99 = arith.constant 0 : i32
      %dma_wait3A_100 = tpu.memref_slice %arg11[%add3A_40, %dma_wait3A_99] : memref<10240x128xf32, #tpu.memory_space<vmem_shared>> -> memref<80x128xf32, #tpu.memory_space<vmem_shared>>
      %dma_wait3A_101 = arith.constant 0 : i32
      %dma_wait3A_102 = tpu.memref_slice %arg11[%add3A_40, %dma_wait3A_101] : memref<10240x128xf32, #tpu.memory_space<vmem_shared>> -> memref<80x128xf32, #tpu.memory_space<vmem_shared>>
      tpu.wait_dma2 semaphore(%run_scoped3A_94 : memref<!tpu.dma_semaphore, #tpu.memory_space<semaphore_mem>>) src(%arg9 : memref<80x128xf32, #tpu.memory_space<vmem>>) dst(%dma_wait3A_102 : memref<80x128xf32, #tpu.memory_space<vmem_shared>>)
      tpu.yield
    }) : () -> ()
    %mul3A_41 = arith.constant 640 : i32
    %mul3A_42 = arith.muli %arg1, %mul3A_41 : i32
    %add3A_43 = arith.constant 480 : i32
    %add3A_44 = arith.addi %mul3A_42, %add3A_43 : i32
    "tpu.region"() ({
      %run_scoped3A_94 = tpu.sem_alloc : memref<!tpu.dma_semaphore, #tpu.memory_space<semaphore_mem>>
      %dma_start3A_95 = arith.constant 0 : i32
      %dma_start3A_96 = tpu.memref_slice %arg11[%add3A_44, %dma_start3A_95] : memref<10240x128xf32, #tpu.memory_space<vmem_shared>> -> memref<80x128xf32, #tpu.memory_space<vmem_shared>>
      %dma_start3A_97 = arith.constant 0 : i32
      %dma_start3A_98 = tpu.memref_slice %arg11[%add3A_44, %dma_start3A_97] : memref<10240x128xf32, #tpu.memory_space<vmem_shared>> -> memref<80x128xf32, #tpu.memory_space<vmem_shared>>
      tpu.enqueue_dma source(%arg9 : memref<80x128xf32, #tpu.memory_space<vmem>>) target(%dma_start3A_98 : memref<80x128xf32, #tpu.memory_space<vmem_shared>>) target_semaphore(%run_scoped3A_94 : memref<!tpu.dma_semaphore, #tpu.memory_space<semaphore_mem>>)
      %dma_wait3A_99 = arith.constant 0 : i32
      %dma_wait3A_100 = tpu.memref_slice %arg11[%add3A_44, %dma_wait3A_99] : memref<10240x128xf32, #tpu.memory_space<vmem_shared>> -> memref<80x128xf32, #tpu.memory_space<vmem_shared>>
      %dma_wait3A_101 = arith.constant 0 : i32
      %dma_wait3A_102 = tpu.memref_slice %arg11[%add3A_44, %dma_wait3A_101] : memref<10240x128xf32, #tpu.memory_space<vmem_shared>> -> memref<80x128xf32, #tpu.memory_space<vmem_shared>>
      tpu.wait_dma2 semaphore(%run_scoped3A_94 : memref<!tpu.dma_semaphore, #tpu.memory_space<semaphore_mem>>) src(%arg9 : memref<80x128xf32, #tpu.memory_space<vmem>>) dst(%dma_wait3A_102 : memref<80x128xf32, #tpu.memory_space<vmem_shared>>)
      tpu.yield
    }) : () -> ()
    %mul3A_45 = arith.constant 640 : i32
    %mul3A_46 = arith.muli %arg1, %mul3A_45 : i32
    %add3A_47 = arith.constant 560 : i32
    %add3A_48 = arith.addi %mul3A_46, %add3A_47 : i32
    "tpu.region"() ({
      %run_scoped3A_94 = tpu.sem_alloc : memref<!tpu.dma_semaphore, #tpu.memory_space<semaphore_mem>>
      %dma_start3A_95 = arith.constant 0 : i32
      %dma_start3A_96 = tpu.memref_slice %arg11[%add3A_48, %dma_start3A_95] : memref<10240x128xf32, #tpu.memory_space<vmem_shared>> -> memref<80x128xf32, #tpu.memory_space<vmem_shared>>
      %dma_start3A_97 = arith.constant 0 : i32
      %dma_start3A_98 = tpu.memref_slice %arg11[%add3A_48, %dma_start3A_97] : memref<10240x128xf32, #tpu.memory_space<vmem_shared>> -> memref<80x128xf32, #tpu.memory_space<vmem_shared>>
      tpu.enqueue_dma source(%arg9 : memref<80x128xf32, #tpu.memory_space<vmem>>) target(%dma_start3A_98 : memref<80x128xf32, #tpu.memory_space<vmem_shared>>) target_semaphore(%run_scoped3A_94 : memref<!tpu.dma_semaphore, #tpu.memory_space<semaphore_mem>>)
      %dma_wait3A_99 = arith.constant 0 : i32
      %dma_wait3A_100 = tpu.memref_slice %arg11[%add3A_48, %dma_wait3A_99] : memref<10240x128xf32, #tpu.memory_space<vmem_shared>> -> memref<80x128xf32, #tpu.memory_space<vmem_shared>>
      %dma_wait3A_101 = arith.constant 0 : i32
      %dma_wait3A_102 = tpu.memref_slice %arg11[%add3A_48, %dma_wait3A_101] : memref<10240x128xf32, #tpu.memory_space<vmem_shared>> -> memref<80x128xf32, #tpu.memory_space<vmem_shared>>
      tpu.wait_dma2 semaphore(%run_scoped3A_94 : memref<!tpu.dma_semaphore, #tpu.memory_space<semaphore_mem>>) src(%arg9 : memref<80x128xf32, #tpu.memory_space<vmem>>) dst(%dma_wait3A_102 : memref<80x128xf32, #tpu.memory_space<vmem_shared>>)
      tpu.yield
    }) : () -> ()
    %barrier3A = arith.constant 0 : index
    tpu.barrier barrier_id(%barrier3A)
    %run_scoped3A = arith.constant 0 : i32
    "tpu.region"() ({
      %run_scoped3A_94 = tpu.sem_alloc : memref<!tpu.dma_semaphore, #tpu.memory_space<semaphore_mem>>
      %dma_start3A_95 = arith.constant 0 : i32
      %dma_start3A_96 = tpu.memref_slice %arg4[%add3A, %run_scoped3A, %dma_start3A_95] : memref<32x125x80xi32, #tpu.memory_space<hbm>> -> memref<1x1x80xi32, #tpu.memory_space<hbm>>
      %dma_start3A_97 = tpu.memref_squeeze %dma_start3A_96 : memref<1x1x80xi32, #tpu.memory_space<hbm>> -> memref<80xi32, #tpu.memory_space<hbm>>
      %dma_start3A_98 = arith.constant 0 : i32
      %dma_start3A_99 = tpu.memref_slice %arg4[%add3A, %run_scoped3A, %dma_start3A_98] : memref<32x125x80xi32, #tpu.memory_space<hbm>> -> memref<1x1x80xi32, #tpu.memory_space<hbm>>
      %dma_start3A_100 = tpu.memref_squeeze %dma_start3A_99 : memref<1x1x80xi32, #tpu.memory_space<hbm>> -> memref<80xi32, #tpu.memory_space<hbm>>
      tpu.enqueue_dma source(%dma_start3A_100 : memref<80xi32, #tpu.memory_space<hbm>>) target(%arg8 : memref<80xi32, #tpu.memory_space<vmem>>) target_semaphore(%run_scoped3A_94 : memref<!tpu.dma_semaphore, #tpu.memory_space<semaphore_mem>>)
      %dma_wait3A_101 = arith.constant 0 : i32
      %dma_wait3A_102 = tpu.memref_slice %arg4[%add3A, %run_scoped3A, %dma_wait3A_101] : memref<32x125x80xi32, #tpu.memory_space<hbm>> -> memref<1x1x80xi32, #tpu.memory_space<hbm>>
      %dma_wait3A_103 = tpu.memref_squeeze %dma_wait3A_102 : memref<1x1x80xi32, #tpu.memory_space<hbm>> -> memref<80xi32, #tpu.memory_space<hbm>>
      %dma_wait3A_104 = arith.constant 0 : i32
      %dma_wait3A_105 = tpu.memref_slice %arg4[%add3A, %run_scoped3A, %dma_wait3A_104] : memref<32x125x80xi32, #tpu.memory_space<hbm>> -> memref<1x1x80xi32, #tpu.memory_space<hbm>>
      %dma_wait3A_106 = tpu.memref_squeeze %dma_wait3A_105 : memref<1x1x80xi32, #tpu.memory_space<hbm>> -> memref<80xi32, #tpu.memory_space<hbm>>
      tpu.wait_dma2 semaphore(%run_scoped3A_94 : memref<!tpu.dma_semaphore, #tpu.memory_space<semaphore_mem>>) src(%dma_wait3A_106 : memref<80xi32, #tpu.memory_space<hbm>>) dst(%arg8 : memref<80xi32, #tpu.memory_space<vmem>>)
      tpu.yield
    }) : () -> ()
    %dma_start3A = arith.constant 0 : i32
    %dma_start3A_49 = arith.constant 0 : i32
    %dma_start3A_50 = tpu.memref_slice %arg11[%dma_start3A, %dma_start3A_49] : memref<10240x128xf32, #tpu.memory_space<vmem_shared>> -> memref<10240x128xf32, #tpu.memory_space<vmem_shared>>
    tpu.enqueue_indirect_dma source(%arg10 : memref<80x128xf32, #tpu.memory_space<vmem>>) target(%dma_start3A_50 : memref<10240x128xf32, #tpu.memory_space<vmem_shared>>) offsets(%arg8 : memref<80xi32, #tpu.memory_space<vmem>>) semaphore(%arg15 : memref<!tpu.dma_semaphore, #tpu.memory_space<semaphore_mem>>) {add = true}
    %dma_start3A_51 = arith.constant 0 : i32
    %dma_start3A_52 = arith.constant 0 : i32
    %dma_start3A_53 = tpu.memref_slice %arg4[%add3A, %dma_start3A_51, %dma_start3A_52] : memref<32x125x80xi32, #tpu.memory_space<hbm>> -> memref<1x1x80xi32, #tpu.memory_space<hbm>>
    %dma_start3A_54 = tpu.memref_squeeze %dma_start3A_53 : memref<1x1x80xi32, #tpu.memory_space<hbm>> -> memref<80xi32, #tpu.memory_space<hbm>>
    %dma_start3A_55 = arith.constant 0 : i32
    %dma_start3A_56 = tpu.memref_slice %arg4[%add3A, %dma_start3A_51, %dma_start3A_55] : memref<32x125x80xi32, #tpu.memory_space<hbm>> -> memref<1x1x80xi32, #tpu.memory_space<hbm>>
    %dma_start3A_57 = tpu.memref_squeeze %dma_start3A_56 : memref<1x1x80xi32, #tpu.memory_space<hbm>> -> memref<80xi32, #tpu.memory_space<hbm>>
    tpu.enqueue_dma source(%dma_start3A_57 : memref<80xi32, #tpu.memory_space<hbm>>) target(%arg7 : memref<80xi32, #tpu.memory_space<vmem>>) target_semaphore(%arg16 : memref<!tpu.dma_semaphore, #tpu.memory_space<semaphore_mem>>)
    %scan3A_58 = arith.constant 0 : i32
    %scan3A_59 = arith.constant 0 : i32
    %scan3A_60 = arith.constant 62 : i32
    %scan3A_61 = arith.addi %scan3A_59, %scan3A_60 : i32
    %scan3A_62 = arith.constant 1 : i32
    %scan3A_63 = scf.for %scan3A_94 = %scan3A_59 to %scan3A_61 step %scan3A_62 iter_args(%scan3A_95 = %scan3A_58) -> (i32)  : i32 {
      %mul3A_96 = arith.constant 2 : i32
      %mul3A_97 = arith.muli %mul3A_96, %scan3A_94 : i32
      %mul3A_98 = arith.constant 80 : i32
      %mul3A_99 = arith.muli %mul3A_97, %mul3A_98 : i32
      %multiple_of3A_100 = tpu.assume_multiple %mul3A_99, 8 : i32
      %dma_start3A_101 = tpu.memref_slice %arg6[%multiple_of3A_100] : memref<10000xi32, #tpu.memory_space<vmem>> -> memref<80xi32, #tpu.memory_space<vmem>>
      %dma_start3A_102 = arith.constant 0 : i32
      %dma_start3A_103 = arith.constant 0 : i32
      %dma_start3A_104 = tpu.memref_slice %arg2[%dma_start3A_102, %dma_start3A_103] : memref<10000x128xf32, #tpu.memory_space<hbm>> -> memref<10000x128xf32, #tpu.memory_space<hbm>>
      tpu.enqueue_indirect_dma source(%dma_start3A_104 : memref<10000x128xf32, #tpu.memory_space<hbm>>) target(%arg9 : memref<80x128xf32, #tpu.memory_space<vmem>>) offsets(%dma_start3A_101 : memref<80xi32, #tpu.memory_space<vmem>>) semaphore(%arg12 : memref<!tpu.dma_semaphore, #tpu.memory_space<semaphore_mem>>)
      %dma_wait3A_105 = arith.constant 0 : i32
      %dma_wait3A_106 = arith.constant 0 : i32
      %dma_wait3A_107 = tpu.memref_slice %arg11[%dma_wait3A_105, %dma_wait3A_106] : memref<10240x128xf32, #tpu.memory_space<vmem_shared>> -> memref<10240x128xf32, #tpu.memory_space<vmem_shared>>
      tpu.wait_indirect_dma semaphore(%arg15 : memref<!tpu.dma_semaphore, #tpu.memory_space<semaphore_mem>>) src(%arg10 : memref<80x128xf32, #tpu.memory_space<vmem>>) dst(%dma_wait3A_107 : memref<10240x128xf32, #tpu.memory_space<vmem_shared>>)
      %add3A_108 = arith.constant 1 : i32
      %add3A_109 = arith.addi %mul3A_97, %add3A_108 : i32
      %dma_start3A_110 = arith.constant 0 : i32
      %dma_start3A_111 = tpu.memref_slice %arg4[%add3A, %add3A_109, %dma_start3A_110] : memref<32x125x80xi32, #tpu.memory_space<hbm>> -> memref<1x1x80xi32, #tpu.memory_space<hbm>>
      %dma_start3A_112 = tpu.memref_squeeze %dma_start3A_111 : memref<1x1x80xi32, #tpu.memory_space<hbm>> -> memref<80xi32, #tpu.memory_space<hbm>>
      %dma_start3A_113 = arith.constant 0 : i32
      %dma_start3A_114 = tpu.memref_slice %arg4[%add3A, %add3A_109, %dma_start3A_113] : memref<32x125x80xi32, #tpu.memory_space<hbm>> -> memref<1x1x80xi32, #tpu.memory_space<hbm>>
      %dma_start3A_115 = tpu.memref_squeeze %dma_start3A_114 : memref<1x1x80xi32, #tpu.memory_space<hbm>> -> memref<80xi32, #tpu.memory_space<hbm>>
      tpu.enqueue_dma source(%dma_start3A_115 : memref<80xi32, #tpu.memory_space<hbm>>) target(%arg8 : memref<80xi32, #tpu.memory_space<vmem>>) target_semaphore(%arg17 : memref<!tpu.dma_semaphore, #tpu.memory_space<semaphore_mem>>)
      %dma_wait3A_116 = arith.constant 0 : i32
      %dma_wait3A_117 = tpu.memref_slice %arg6[%dma_wait3A_116] : memref<10000xi32, #tpu.memory_space<vmem>> -> memref<80xi32, #tpu.memory_space<vmem>>
      %dma_wait3A_118 = arith.constant 0 : i32
      %dma_wait3A_119 = arith.constant 0 : i32
      %dma_wait3A_120 = tpu.memref_slice %arg2[%dma_wait3A_118, %dma_wait3A_119] : memref<10000x128xf32, #tpu.memory_space<hbm>> -> memref<10000x128xf32, #tpu.memory_space<hbm>>
      tpu.wait_indirect_dma semaphore(%arg12 : memref<!tpu.dma_semaphore, #tpu.memory_space<semaphore_mem>>) src(%dma_wait3A_120 : memref<10000x128xf32, #tpu.memory_space<hbm>>) dst(%arg9 : memref<80x128xf32, #tpu.memory_space<vmem>>)
      %dma_wait3A_121 = arith.constant 0 : i32
      %dma_wait3A_122 = arith.constant 0 : i32
      %dma_wait3A_123 = tpu.memref_slice %arg4[%add3A, %dma_wait3A_121, %dma_wait3A_122] : memref<32x125x80xi32, #tpu.memory_space<hbm>> -> memref<1x1x80xi32, #tpu.memory_space<hbm>>
      %dma_wait3A_124 = tpu.memref_squeeze %dma_wait3A_123 : memref<1x1x80xi32, #tpu.memory_space<hbm>> -> memref<80xi32, #tpu.memory_space<hbm>>
      %dma_wait3A_125 = arith.constant 0 : i32
      %dma_wait3A_126 = tpu.memref_slice %arg4[%add3A, %dma_wait3A_121, %dma_wait3A_125] : memref<32x125x80xi32, #tpu.memory_space<hbm>> -> memref<1x1x80xi32, #tpu.memory_space<hbm>>
      %dma_wait3A_127 = tpu.memref_squeeze %dma_wait3A_126 : memref<1x1x80xi32, #tpu.memory_space<hbm>> -> memref<80xi32, #tpu.memory_space<hbm>>
      tpu.wait_dma2 semaphore(%arg16 : memref<!tpu.dma_semaphore, #tpu.memory_space<semaphore_mem>>) src(%dma_wait3A_127 : memref<80xi32, #tpu.memory_space<hbm>>) dst(%arg7 : memref<80xi32, #tpu.memory_space<vmem>>)
      %dma_start3A_128 = arith.constant 0 : i32
      %dma_start3A_129 = arith.constant 0 : i32
      %dma_start3A_130 = tpu.memref_slice %arg11[%dma_start3A_128, %dma_start3A_129] : memref<10240x128xf32, #tpu.memory_space<vmem_shared>> -> memref<10240x128xf32, #tpu.memory_space<vmem_shared>>
      tpu.enqueue_indirect_dma source(%arg9 : memref<80x128xf32, #tpu.memory_space<vmem>>) target(%dma_start3A_130 : memref<10240x128xf32, #tpu.memory_space<vmem_shared>>) offsets(%arg7 : memref<80xi32, #tpu.memory_space<vmem>>) semaphore(%arg14 : memref<!tpu.dma_semaphore, #tpu.memory_space<semaphore_mem>>) {add = true}
      %add3A_131 = arith.constant 1 : i32
      %add3A_132 = arith.addi %mul3A_97, %add3A_131 : i32
      %mul3A_133 = arith.constant 80 : i32
      %mul3A_134 = arith.muli %add3A_132, %mul3A_133 : i32
      %multiple_of3A_135 = tpu.assume_multiple %mul3A_134, 8 : i32
      %dma_start3A_136 = tpu.memref_slice %arg6[%multiple_of3A_135] : memref<10000xi32, #tpu.memory_space<vmem>> -> memref<80xi32, #tpu.memory_space<vmem>>
      %dma_start3A_137 = arith.constant 0 : i32
      %dma_start3A_138 = arith.constant 0 : i32
      %dma_start3A_139 = tpu.memref_slice %arg2[%dma_start3A_137, %dma_start3A_138] : memref<10000x128xf32, #tpu.memory_space<hbm>> -> memref<10000x128xf32, #tpu.memory_space<hbm>>
      tpu.enqueue_indirect_dma source(%dma_start3A_139 : memref<10000x128xf32, #tpu.memory_space<hbm>>) target(%arg10 : memref<80x128xf32, #tpu.memory_space<vmem>>) offsets(%dma_start3A_136 : memref<80xi32, #tpu.memory_space<vmem>>) semaphore(%arg13 : memref<!tpu.dma_semaphore, #tpu.memory_space<semaphore_mem>>)
      %dma_wait3A_140 = arith.constant 0 : i32
      %dma_wait3A_141 = tpu.memref_slice %arg6[%dma_wait3A_140] : memref<10000xi32, #tpu.memory_space<vmem>> -> memref<80xi32, #tpu.memory_space<vmem>>
      %dma_wait3A_142 = arith.constant 0 : i32
      %dma_wait3A_143 = arith.constant 0 : i32
      %dma_wait3A_144 = tpu.memref_slice %arg2[%dma_wait3A_142, %dma_wait3A_143] : memref<10000x128xf32, #tpu.memory_space<hbm>> -> memref<10000x128xf32, #tpu.memory_space<hbm>>
      tpu.wait_indirect_dma semaphore(%arg13 : memref<!tpu.dma_semaphore, #tpu.memory_space<semaphore_mem>>) src(%dma_wait3A_144 : memref<10000x128xf32, #tpu.memory_space<hbm>>) dst(%arg10 : memref<80x128xf32, #tpu.memory_space<vmem>>)
      %dma_wait3A_145 = arith.constant 0 : i32
      %dma_wait3A_146 = arith.constant 0 : i32
      %dma_wait3A_147 = tpu.memref_slice %arg11[%dma_wait3A_145, %dma_wait3A_146] : memref<10240x128xf32, #tpu.memory_space<vmem_shared>> -> memref<10240x128xf32, #tpu.memory_space<vmem_shared>>
      tpu.wait_indirect_dma semaphore(%arg14 : memref<!tpu.dma_semaphore, #tpu.memory_space<semaphore_mem>>) src(%arg9 : memref<80x128xf32, #tpu.memory_space<vmem>>) dst(%dma_wait3A_147 : memref<10240x128xf32, #tpu.memory_space<vmem_shared>>)
      %add3A_148 = arith.constant 2 : i32
      %add3A_149 = arith.addi %mul3A_97, %add3A_148 : i32
      %min3A = arith.constant 124 : i32
      %min3A_150 = arith.minsi %add3A_149, %min3A : i32
      %dma_start3A_151 = arith.constant 0 : i32
      %dma_start3A_152 = tpu.memref_slice %arg4[%add3A, %min3A_150, %dma_start3A_151] : memref<32x125x80xi32, #tpu.memory_space<hbm>> -> memref<1x1x80xi32, #tpu.memory_space<hbm>>
      %dma_start3A_153 = tpu.memref_squeeze %dma_start3A_152 : memref<1x1x80xi32, #tpu.memory_space<hbm>> -> memref<80xi32, #tpu.memory_space<hbm>>
      %dma_start3A_154 = arith.constant 0 : i32
      %dma_start3A_155 = tpu.memref_slice %arg4[%add3A, %min3A_150, %dma_start3A_154] : memref<32x125x80xi32, #tpu.memory_space<hbm>> -> memref<1x1x80xi32, #tpu.memory_space<hbm>>
      %dma_start3A_156 = tpu.memref_squeeze %dma_start3A_155 : memref<1x1x80xi32, #tpu.memory_space<hbm>> -> memref<80xi32, #tpu.memory_space<hbm>>
      tpu.enqueue_dma source(%dma_start3A_156 : memref<80xi32, #tpu.memory_space<hbm>>) target(%arg7 : memref<80xi32, #tpu.memory_space<vmem>>) target_semaphore(%arg16 : memref<!tpu.dma_semaphore, #tpu.memory_space<semaphore_mem>>)
      %dma_wait3A_157 = arith.constant 0 : i32
      %dma_wait3A_158 = arith.constant 0 : i32
      %dma_wait3A_159 = tpu.memref_slice %arg4[%add3A, %dma_wait3A_157, %dma_wait3A_158] : memref<32x125x80xi32, #tpu.memory_space<hbm>> -> memref<1x1x80xi32, #tpu.memory_space<hbm>>
      %dma_wait3A_160 = tpu.memref_squeeze %dma_wait3A_159 : memref<1x1x80xi32, #tpu.memory_space<hbm>> -> memref<80xi32, #tpu.memory_space<hbm>>
      %dma_wait3A_161 = arith.constant 0 : i32
      %dma_wait3A_162 = tpu.memref_slice %arg4[%add3A, %dma_wait3A_157, %dma_wait3A_161] : memref<32x125x80xi32, #tpu.memory_space<hbm>> -> memref<1x1x80xi32, #tpu.memory_space<hbm>>
      %dma_wait3A_163 = tpu.memref_squeeze %dma_wait3A_162 : memref<1x1x80xi32, #tpu.memory_space<hbm>> -> memref<80xi32, #tpu.memory_space<hbm>>
      tpu.wait_dma2 semaphore(%arg17 : memref<!tpu.dma_semaphore, #tpu.memory_space<semaphore_mem>>) src(%dma_wait3A_163 : memref<80xi32, #tpu.memory_space<hbm>>) dst(%arg8 : memref<80xi32, #tpu.memory_space<vmem>>)
      %dma_start3A_164 = arith.constant 0 : i32
      %dma_start3A_165 = arith.constant 0 : i32
      %dma_start3A_166 = tpu.memref_slice %arg11[%dma_start3A_164, %dma_start3A_165] : memref<10240x128xf32, #tpu.memory_space<vmem_shared>> -> memref<10240x128xf32, #tpu.memory_space<vmem_shared>>
      tpu.enqueue_indirect_dma source(%arg10 : memref<80x128xf32, #tpu.memory_space<vmem>>) target(%dma_start3A_166 : memref<10240x128xf32, #tpu.memory_space<vmem_shared>>) offsets(%arg8 : memref<80xi32, #tpu.memory_space<vmem>>) semaphore(%arg15 : memref<!tpu.dma_semaphore, #tpu.memory_space<semaphore_mem>>) {add = true}
      %scan3A_167 = arith.constant 0 : i32
      scf.yield %scan3A_167 : i32
    }
    %scan3A_64 = arith.constant 62 : i32
    %multiple_of3A = arith.constant 9920 : i32
    %multiple_of3A_65 = tpu.assume_multiple %multiple_of3A, 8 : i32
    %dma_start3A_66 = tpu.memref_slice %arg6[%multiple_of3A_65] : memref<10000xi32, #tpu.memory_space<vmem>> -> memref<80xi32, #tpu.memory_space<vmem>>
    %dma_start3A_67 = arith.constant 0 : i32
    %dma_start3A_68 = arith.constant 0 : i32
    %dma_start3A_69 = tpu.memref_slice %arg2[%dma_start3A_67, %dma_start3A_68] : memref<10000x128xf32, #tpu.memory_space<hbm>> -> memref<10000x128xf32, #tpu.memory_space<hbm>>
    tpu.enqueue_indirect_dma source(%dma_start3A_69 : memref<10000x128xf32, #tpu.memory_space<hbm>>) target(%arg9 : memref<80x128xf32, #tpu.memory_space<vmem>>) offsets(%dma_start3A_66 : memref<80xi32, #tpu.memory_space<vmem>>) semaphore(%arg12 : memref<!tpu.dma_semaphore, #tpu.memory_space<semaphore_mem>>)
    %dma_wait3A = arith.constant 0 : i32
    %dma_wait3A_70 = arith.constant 0 : i32
    %dma_wait3A_71 = tpu.memref_slice %arg11[%dma_wait3A, %dma_wait3A_70] : memref<10240x128xf32, #tpu.memory_space<vmem_shared>> -> memref<10240x128xf32, #tpu.memory_space<vmem_shared>>
    tpu.wait_indirect_dma semaphore(%arg15 : memref<!tpu.dma_semaphore, #tpu.memory_space<semaphore_mem>>) src(%arg10 : memref<80x128xf32, #tpu.memory_space<vmem>>) dst(%dma_wait3A_71 : memref<10240x128xf32, #tpu.memory_space<vmem_shared>>)
    %dma_wait3A_72 = arith.constant 0 : i32
    %dma_wait3A_73 = tpu.memref_slice %arg6[%dma_wait3A_72] : memref<10000xi32, #tpu.memory_space<vmem>> -> memref<80xi32, #tpu.memory_space<vmem>>
    %dma_wait3A_74 = arith.constant 0 : i32
    %dma_wait3A_75 = arith.constant 0 : i32
    %dma_wait3A_76 = tpu.memref_slice %arg2[%dma_wait3A_74, %dma_wait3A_75] : memref<10000x128xf32, #tpu.memory_space<hbm>> -> memref<10000x128xf32, #tpu.memory_space<hbm>>
    tpu.wait_indirect_dma semaphore(%arg12 : memref<!tpu.dma_semaphore, #tpu.memory_space<semaphore_mem>>) src(%dma_wait3A_76 : memref<10000x128xf32, #tpu.memory_space<hbm>>) dst(%arg9 : memref<80x128xf32, #tpu.memory_space<vmem>>)
    %dma_wait3A_77 = arith.constant 0 : i32
    %dma_wait3A_78 = arith.constant 0 : i32
    %dma_wait3A_79 = tpu.memref_slice %arg4[%add3A, %dma_wait3A_77, %dma_wait3A_78] : memref<32x125x80xi32, #tpu.memory_space<hbm>> -> memref<1x1x80xi32, #tpu.memory_space<hbm>>
    %dma_wait3A_80 = tpu.memref_squeeze %dma_wait3A_79 : memref<1x1x80xi32, #tpu.memory_space<hbm>> -> memref<80xi32, #tpu.memory_space<hbm>>
    %dma_wait3A_81 = arith.constant 0 : i32
    %dma_wait3A_82 = tpu.memref_slice %arg4[%add3A, %dma_wait3A_77, %dma_wait3A_81] : memref<32x125x80xi32, #tpu.memory_space<hbm>> -> memref<1x1x80xi32, #tpu.memory_space<hbm>>
    %dma_wait3A_83 = tpu.memref_squeeze %dma_wait3A_82 : memref<1x1x80xi32, #tpu.memory_space<hbm>> -> memref<80xi32, #tpu.memory_space<hbm>>
    tpu.wait_dma2 semaphore(%arg16 : memref<!tpu.dma_semaphore, #tpu.memory_space<semaphore_mem>>) src(%dma_wait3A_83 : memref<80xi32, #tpu.memory_space<hbm>>) dst(%arg7 : memref<80xi32, #tpu.memory_space<vmem>>)
    %dma_start3A_84 = arith.constant 0 : i32
    %dma_start3A_85 = arith.constant 0 : i32
    %dma_start3A_86 = tpu.memref_slice %arg11[%dma_start3A_84, %dma_start3A_85] : memref<10240x128xf32, #tpu.memory_space<vmem_shared>> -> memref<10240x128xf32, #tpu.memory_space<vmem_shared>>
    tpu.enqueue_indirect_dma source(%arg9 : memref<80x128xf32, #tpu.memory_space<vmem>>) target(%dma_start3A_86 : memref<10240x128xf32, #tpu.memory_space<vmem_shared>>) offsets(%arg7 : memref<80xi32, #tpu.memory_space<vmem>>) semaphore(%arg14 : memref<!tpu.dma_semaphore, #tpu.memory_space<semaphore_mem>>) {add = true}
    %dma_wait3A_87 = arith.constant 0 : i32
    %dma_wait3A_88 = arith.constant 0 : i32
    %dma_wait3A_89 = tpu.memref_slice %arg11[%dma_wait3A_87, %dma_wait3A_88] : memref<10240x128xf32, #tpu.memory_space<vmem_shared>> -> memref<10240x128xf32, #tpu.memory_space<vmem_shared>>
    tpu.wait_indirect_dma semaphore(%arg14 : memref<!tpu.dma_semaphore, #tpu.memory_space<semaphore_mem>>) src(%arg9 : memref<80x128xf32, #tpu.memory_space<vmem>>) dst(%dma_wait3A_89 : memref<10240x128xf32, #tpu.memory_space<vmem_shared>>)
    %barrier3A_90 = arith.constant 0 : index
    tpu.barrier barrier_id(%barrier3A_90)
    %mul3A_91 = arith.constant 640 : i32
    %mul3A_92 = arith.muli %arg1, %mul3A_91 : i32
    %multiple_of3A_93 = tpu.assume_multiple %mul3A_92, 8 : i32
    "tpu.region"() ({
      %run_scoped3A_94 = tpu.sem_alloc : memref<!tpu.dma_semaphore, #tpu.memory_space<semaphore_mem>>
      %dma_start3A_95 = arith.constant 0 : i32
      %dma_start3A_96 = tpu.memref_slice %arg5[%arg0, %multiple_of3A_93, %dma_start3A_95] : memref<2x10240x128xf32, #tpu.memory_space<hbm>> -> memref<1x640x128xf32, #tpu.memory_space<hbm>>
      %dma_start3A_97 = tpu.memref_squeeze %dma_start3A_96 : memref<1x640x128xf32, #tpu.memory_space<hbm>> -> memref<640x128xf32, #tpu.memory_space<hbm>>
      %dma_start3A_98 = arith.constant 0 : i32
      %dma_start3A_99 = tpu.memref_slice %arg11[%multiple_of3A_93, %dma_start3A_98] : memref<10240x128xf32, #tpu.memory_space<vmem_shared>> -> memref<640x128xf32, #tpu.memory_space<vmem_shared>>
      tpu.enqueue_dma source(%dma_start3A_99 : memref<640x128xf32, #tpu.memory_space<vmem_shared>>) target(%dma_start3A_97 : memref<640x128xf32, #tpu.memory_space<hbm>>) target_semaphore(%run_scoped3A_94 : memref<!tpu.dma_semaphore, #tpu.memory_space<semaphore_mem>>)
      %dma_wait3A_100 = arith.constant 0 : i32
      %dma_wait3A_101 = tpu.memref_slice %arg5[%arg0, %multiple_of3A_93, %dma_wait3A_100] : memref<2x10240x128xf32, #tpu.memory_space<hbm>> -> memref<1x640x128xf32, #tpu.memory_space<hbm>>
      %dma_wait3A_102 = tpu.memref_squeeze %dma_wait3A_101 : memref<1x640x128xf32, #tpu.memory_space<hbm>> -> memref<640x128xf32, #tpu.memory_space<hbm>>
      %dma_wait3A_103 = arith.constant 0 : i32
      %dma_wait3A_104 = tpu.memref_slice %arg11[%multiple_of3A_93, %dma_wait3A_103] : memref<10240x128xf32, #tpu.memory_space<vmem_shared>> -> memref<640x128xf32, #tpu.memory_space<vmem_shared>>
      tpu.wait_dma2 semaphore(%run_scoped3A_94 : memref<!tpu.dma_semaphore, #tpu.memory_space<semaphore_mem>>) src(%dma_wait3A_104 : memref<640x128xf32, #tpu.memory_space<vmem_shared>>) dst(%dma_wait3A_102 : memref<640x128xf32, #tpu.memory_space<hbm>>)
      tpu.yield
    }) : () -> ()
    return
  }
}

module attributes {stable_mosaic.version = 14 : i64} {
  func.func @body(%arg0: i32, %arg1: memref<2x1024x128xf32, #tpu.memory_space<vmem>>, %arg2: memref<2x1024x1xf32, #tpu.memory_space<vmem>>, %arg3: memref<1024x128xf32, #tpu.memory_space<vmem>>, %arg4: memref<128x128xf32, #tpu.memory_space<vmem>>, %arg5: memref<128x128xf32, #tpu.memory_space<vmem>>, %arg6: memref<1x128xf32, #tpu.memory_space<vmem>>, %arg7: memref<1024x128xf32, #tpu.memory_space<vmem>>) attributes {dimension_semantics = [#tpu.dimension_semantics<arbitrary>], iteration_bounds = array<i64: 10>, scalar_prefetch = 0 : i64, scratch_operands = 0 : i64, tpu.core_type = #tpu.core_type<tc>, window_params = [{transform_indices = @transform_0, window_bounds = array<i64: 2, 1024, 128>}, {transform_indices = @transform_1, window_bounds = array<i64: 2, 1024, 1>}, {transform_indices = @transform_2, window_bounds = array<i64: 1024, 128>}, {pipeline_mode = #tpu.pipeline_mode<synchronous>, transform_indices = @transform_3, window_bounds = array<i64: 128, 128>}, {pipeline_mode = #tpu.pipeline_mode<synchronous>, transform_indices = @transform_4, window_bounds = array<i64: 128, 128>}, {pipeline_mode = #tpu.pipeline_mode<synchronous>, transform_indices = @transform_5, window_bounds = array<i64: 1, 128>}, {transform_indices = @transform_6, window_bounds = array<i64: 1024, 128>}]} {
    %get3A = arith.constant 0 : index
    %get3A_0 = arith.constant 0 : index
    %get3A_1 = arith.constant 0 : index
    %get3A_2 = vector.load %arg2[%get3A, %get3A_0, %get3A_1] : memref<2x1024x1xf32, #tpu.memory_space<vmem>>, vector<2x1024x1xf32>
    %reduce_sum3A = arith.constant dense<0.000000e+00> : vector<1024x1xf32>
    %reduce_sum3A_3 = vector.multi_reduction <add>, %get3A_2, %reduce_sum3A [0] : vector<2x1024x1xf32> to vector<1024x1xf32>
    %max3A = arith.constant 1.000000e+00 : f32
    %max3A_4 = vector.broadcast %max3A : f32 to vector<1024x1xf32>
    %max3A_5 = arith.maximumf %reduce_sum3A_3, %max3A_4 : vector<1024x1xf32>
    %div3A = arith.constant 1.000000e+00 : f32
    %div3A_6 = vector.broadcast %div3A : f32 to vector<1024x1xf32>
    %div3A_7 = arith.divf %div3A_6, %max3A_5 : vector<1024x1xf32>
    %get3A_8 = arith.constant 0 : index
    %get3A_9 = arith.constant 0 : index
    %get3A_10 = arith.constant 0 : index
    %get3A_11 = vector.load %arg1[%get3A_8, %get3A_9, %get3A_10] : memref<2x1024x128xf32, #tpu.memory_space<vmem>>, vector<2x1024x128xf32>
    %reduce_sum3A_12 = arith.constant dense<0.000000e+00> : vector<1024x128xf32>
    %reduce_sum3A_13 = vector.multi_reduction <add>, %get3A_11, %reduce_sum3A_12 [0] : vector<2x1024x128xf32> to vector<1024x128xf32>
    %mul3A = vector.broadcast %div3A_7 : vector<1024x1xf32> to vector<1024x128xf32>
    %mul3A_14 = arith.mulf %reduce_sum3A_13, %mul3A : vector<1024x128xf32>
    %get3A_15 = arith.constant 0 : index
    %get3A_16 = arith.constant 0 : index
    %get3A_17 = vector.load %arg4[%get3A_15, %get3A_16] : memref<128x128xf32, #tpu.memory_space<vmem>>, vector<128x128xf32>
    %dot_general3A = arith.constant dense<0.000000e+00> : vector<1024x128xf32>
    %dot_general3A_18 = tpu.matmul %mul3A_14, %get3A_17, %dot_general3A {dimension_numbers = #tpu.dot_dimension_numbers<[1], [0], [0], [1], [0, 0, 1, 1], [], []>, transpose_lhs_hint = false} : vector<1024x128xf32>, vector<128x128xf32>, vector<1024x128xf32> -> vector<1024x128xf32>
    %get3A_19 = arith.constant 0 : index
    %get3A_20 = arith.constant 0 : index
    %get3A_21 = vector.load %arg3[%get3A_19, %get3A_20] : memref<1024x128xf32, #tpu.memory_space<vmem>>, vector<1024x128xf32>
    %get3A_22 = arith.constant 0 : index
    %get3A_23 = arith.constant 0 : index
    %get3A_24 = vector.load %arg5[%get3A_22, %get3A_23] : memref<128x128xf32, #tpu.memory_space<vmem>>, vector<128x128xf32>
    %dot_general3A_25 = arith.constant dense<0.000000e+00> : vector<1024x128xf32>
    %dot_general3A_26 = tpu.matmul %get3A_21, %get3A_24, %dot_general3A_25 {dimension_numbers = #tpu.dot_dimension_numbers<[1], [0], [0], [1], [0, 0, 1, 1], [], []>, transpose_lhs_hint = false} : vector<1024x128xf32>, vector<128x128xf32>, vector<1024x128xf32> -> vector<1024x128xf32>
    %add3A = arith.addf %dot_general3A_18, %dot_general3A_26 : vector<1024x128xf32>
    %get3A_27 = arith.constant 0 : index
    %get3A_28 = arith.constant 0 : index
    %get3A_29 = vector.load %arg6[%get3A_27, %get3A_28] : memref<1x128xf32, #tpu.memory_space<vmem>>, vector<1x128xf32>
    %add3A_30 = vector.broadcast %get3A_29 : vector<1x128xf32> to vector<1024x128xf32>
    %add3A_31 = arith.addf %add3A, %add3A_30 : vector<1024x128xf32>
    %max3A_32 = arith.constant 0.000000e+00 : f32
    %max3A_33 = vector.broadcast %max3A_32 : f32 to vector<1024x128xf32>
    %max3A_34 = arith.maximumf %add3A_31, %max3A_33 : vector<1024x128xf32>
    %swap3A = arith.constant 0 : index
    %swap3A_35 = arith.constant 0 : index
    %swap3A_36 = vector.load %arg7[%swap3A, %swap3A_35] : memref<1024x128xf32, #tpu.memory_space<vmem>>, vector<1024x128xf32>
    tpu.vector_store %arg7[%swap3A, %swap3A_35], %max3A_34 {strides = array<i32>} : memref<1024x128xf32, #tpu.memory_space<vmem>>, vector<1024x128xf32>,
    return
  }
  func.func @transform_0(%arg0: i32) -> (i32, i32, i32) {
    %c0_i32 = arith.constant 0 : i32
    %c0_i32_0 = arith.constant 0 : i32
    %c0_i32_1 = arith.constant 0 : i32
    return %c0_i32, %arg0, %c0_i32_0 : i32, i32, i32
  }
  func.func @transform_1(%arg0: i32) -> (i32, i32, i32) {
    %c0_i32 = arith.constant 0 : i32
    %c0_i32_0 = arith.constant 0 : i32
    %c0_i32_1 = arith.constant 0 : i32
    return %c0_i32, %arg0, %c0_i32_0 : i32, i32, i32
  }
  func.func @transform_2(%arg0: i32) -> (i32, i32) {
    %c0_i32 = arith.constant 0 : i32
    %c0_i32_0 = arith.constant 0 : i32
    return %arg0, %c0_i32 : i32, i32
  }
  func.func @transform_3(%arg0: i32) -> (i32, i32) {
    %c0_i32 = arith.constant 0 : i32
    %c0_i32_0 = arith.constant 0 : i32
    %c0_i32_1 = arith.constant 0 : i32
    return %c0_i32, %c0_i32_0 : i32, i32
  }
  func.func @transform_4(%arg0: i32) -> (i32, i32) {
    %c0_i32 = arith.constant 0 : i32
    %c0_i32_0 = arith.constant 0 : i32
    %c0_i32_1 = arith.constant 0 : i32
    return %c0_i32, %c0_i32_0 : i32, i32
  }
  func.func @transform_5(%arg0: i32) -> (i32, i32) {
    %c0_i32 = arith.constant 0 : i32
    %c0_i32_0 = arith.constant 0 : i32
    %c0_i32_1 = arith.constant 0 : i32
    return %c0_i32, %c0_i32_0 : i32, i32
  }
  func.func @transform_6(%arg0: i32) -> (i32, i32) {
    %c0_i32 = arith.constant 0 : i32
    %c0_i32_0 = arith.constant 0 : i32
    return %arg0, %c0_i32 : i32, i32
  }
}

module attributes {stable_mosaic.version = 14 : i64} {
  func.func @body(%arg0: i32, %arg1: memref<2x1024x128xf32, #tpu.memory_space<vmem>>, %arg2: memref<2x1024x1xf32, #tpu.memory_space<vmem>>, %arg3: memref<1024x128xf32, #tpu.memory_space<vmem>>, %arg4: memref<128x128xf32, #tpu.memory_space<vmem>>, %arg5: memref<128x128xf32, #tpu.memory_space<vmem>>, %arg6: memref<1x128xf32, #tpu.memory_space<vmem>>, %arg7: memref<1024x128xf32, #tpu.memory_space<vmem>>) attributes {dimension_semantics = [#tpu.dimension_semantics<arbitrary>], iteration_bounds = array<i64: 10>, scalar_prefetch = 0 : i64, scratch_operands = 0 : i64, tpu.core_type = #tpu.core_type<tc>, window_params = [{transform_indices = @transform_0, window_bounds = array<i64: 2, 1024, 128>}, {transform_indices = @transform_1, window_bounds = array<i64: 2, 1024, 1>}, {transform_indices = @transform_2, window_bounds = array<i64: 1024, 128>}, {pipeline_mode = #tpu.pipeline_mode<synchronous>, transform_indices = @transform_3, window_bounds = array<i64: 128, 128>}, {pipeline_mode = #tpu.pipeline_mode<synchronous>, transform_indices = @transform_4, window_bounds = array<i64: 128, 128>}, {pipeline_mode = #tpu.pipeline_mode<synchronous>, transform_indices = @transform_5, window_bounds = array<i64: 1, 128>}, {transform_indices = @transform_6, window_bounds = array<i64: 1024, 128>}]} {
    %get3A = arith.constant 0 : index
    %get3A_0 = arith.constant 0 : index
    %get3A_1 = arith.constant 0 : index
    %get3A_2 = vector.load %arg2[%get3A, %get3A_0, %get3A_1] : memref<2x1024x1xf32, #tpu.memory_space<vmem>>, vector<2x1024x1xf32>
    %reduce_sum3A = arith.constant dense<0.000000e+00> : vector<1024x1xf32>
    %reduce_sum3A_3 = vector.multi_reduction <add>, %get3A_2, %reduce_sum3A [0] : vector<2x1024x1xf32> to vector<1024x1xf32>
    %max3A = arith.constant 1.000000e+00 : f32
    %max3A_4 = vector.broadcast %max3A : f32 to vector<1024x1xf32>
    %max3A_5 = arith.maximumf %reduce_sum3A_3, %max3A_4 : vector<1024x1xf32>
    %div3A = arith.constant 1.000000e+00 : f32
    %div3A_6 = vector.broadcast %div3A : f32 to vector<1024x1xf32>
    %div3A_7 = arith.divf %div3A_6, %max3A_5 : vector<1024x1xf32>
    %get3A_8 = arith.constant 0 : index
    %get3A_9 = arith.constant 0 : index
    %get3A_10 = arith.constant 0 : index
    %get3A_11 = vector.load %arg1[%get3A_8, %get3A_9, %get3A_10] : memref<2x1024x128xf32, #tpu.memory_space<vmem>>, vector<2x1024x128xf32>
    %reduce_sum3A_12 = arith.constant dense<0.000000e+00> : vector<1024x128xf32>
    %reduce_sum3A_13 = vector.multi_reduction <add>, %get3A_11, %reduce_sum3A_12 [0] : vector<2x1024x128xf32> to vector<1024x128xf32>
    %mul3A = vector.broadcast %div3A_7 : vector<1024x1xf32> to vector<1024x128xf32>
    %mul3A_14 = arith.mulf %reduce_sum3A_13, %mul3A : vector<1024x128xf32>
    %get3A_15 = arith.constant 0 : index
    %get3A_16 = arith.constant 0 : index
    %get3A_17 = vector.load %arg4[%get3A_15, %get3A_16] : memref<128x128xf32, #tpu.memory_space<vmem>>, vector<128x128xf32>
    %dot_general3A = arith.constant dense<0.000000e+00> : vector<1024x128xf32>
    %dot_general3A_18 = tpu.matmul %mul3A_14, %get3A_17, %dot_general3A {dimension_numbers = #tpu.dot_dimension_numbers<[1], [0], [0], [1], [0, 0, 1, 1], [], []>, transpose_lhs_hint = false} : vector<1024x128xf32>, vector<128x128xf32>, vector<1024x128xf32> -> vector<1024x128xf32>
    %get3A_19 = arith.constant 0 : index
    %get3A_20 = arith.constant 0 : index
    %get3A_21 = vector.load %arg3[%get3A_19, %get3A_20] : memref<1024x128xf32, #tpu.memory_space<vmem>>, vector<1024x128xf32>
    %get3A_22 = arith.constant 0 : index
    %get3A_23 = arith.constant 0 : index
    %get3A_24 = vector.load %arg5[%get3A_22, %get3A_23] : memref<128x128xf32, #tpu.memory_space<vmem>>, vector<128x128xf32>
    %dot_general3A_25 = arith.constant dense<0.000000e+00> : vector<1024x128xf32>
    %dot_general3A_26 = tpu.matmul %get3A_21, %get3A_24, %dot_general3A_25 {dimension_numbers = #tpu.dot_dimension_numbers<[1], [0], [0], [1], [0, 0, 1, 1], [], []>, transpose_lhs_hint = false} : vector<1024x128xf32>, vector<128x128xf32>, vector<1024x128xf32> -> vector<1024x128xf32>
    %add3A = arith.addf %dot_general3A_18, %dot_general3A_26 : vector<1024x128xf32>
    %get3A_27 = arith.constant 0 : index
    %get3A_28 = arith.constant 0 : index
    %get3A_29 = vector.load %arg6[%get3A_27, %get3A_28] : memref<1x128xf32, #tpu.memory_space<vmem>>, vector<1x128xf32>
    %add3A_30 = vector.broadcast %get3A_29 : vector<1x128xf32> to vector<1024x128xf32>
    %add3A_31 = arith.addf %add3A, %add3A_30 : vector<1024x128xf32>
    %swap3A = arith.constant 0 : index
    %swap3A_32 = arith.constant 0 : index
    %swap3A_33 = vector.load %arg7[%swap3A, %swap3A_32] : memref<1024x128xf32, #tpu.memory_space<vmem>>, vector<1024x128xf32>
    tpu.vector_store %arg7[%swap3A, %swap3A_32], %add3A_31 {strides = array<i32>} : memref<1024x128xf32, #tpu.memory_space<vmem>>, vector<1024x128xf32>,
    return
  }
  func.func @transform_0(%arg0: i32) -> (i32, i32, i32) {
    %c0_i32 = arith.constant 0 : i32
    %c0_i32_0 = arith.constant 0 : i32
    %c0_i32_1 = arith.constant 0 : i32
    return %c0_i32, %arg0, %c0_i32_0 : i32, i32, i32
  }
  func.func @transform_1(%arg0: i32) -> (i32, i32, i32) {
    %c0_i32 = arith.constant 0 : i32
    %c0_i32_0 = arith.constant 0 : i32
    %c0_i32_1 = arith.constant 0 : i32
    return %c0_i32, %arg0, %c0_i32_0 : i32, i32, i32
  }
  func.func @transform_2(%arg0: i32) -> (i32, i32) {
    %c0_i32 = arith.constant 0 : i32
    %c0_i32_0 = arith.constant 0 : i32
    return %arg0, %c0_i32 : i32, i32
  }
  func.func @transform_3(%arg0: i32) -> (i32, i32) {
    %c0_i32 = arith.constant 0 : i32
    %c0_i32_0 = arith.constant 0 : i32
    %c0_i32_1 = arith.constant 0 : i32
    return %c0_i32, %c0_i32_0 : i32, i32
  }
  func.func @transform_4(%arg0: i32) -> (i32, i32) {
    %c0_i32 = arith.constant 0 : i32
    %c0_i32_0 = arith.constant 0 : i32
    %c0_i32_1 = arith.constant 0 : i32
    return %c0_i32, %c0_i32_0 : i32, i32
  }
  func.func @transform_5(%arg0: i32) -> (i32, i32) {
    %c0_i32 = arith.constant 0 : i32
    %c0_i32_0 = arith.constant 0 : i32
    %c0_i32_1 = arith.constant 0 : i32
    return %c0_i32, %c0_i32_0 : i32, i32
  }
  func.func @transform_6(%arg0: i32) -> (i32, i32) {
    %c0_i32 = arith.constant 0 : i32
    %c0_i32_0 = arith.constant 0 : i32
    return %arg0, %c0_i32 : i32, i32
  }
}

</mosaic_0001>

<sc_bundles>
// kernel: kernel.10.cloned.1.call-start
scs
__scs_entry_jumppad:
0x0: {  	(pc) =	sbr.rel $0x88, $3  }
0x1: {  	(tag) =	ssettag $0x0;
	lr =	simm.s32 $0x1  }
0x2: {  	[smem:$0x3F99] =	sst lr;
	_ =	strace $0xD0000000  }
0x3: {  	_ = 	snop  }
0x4: {  	_ = 	snop  }
0x5: {  	_ = 	snop  }
0x6: {  	_ = 	snop  }
0x7: {  	_ = 	snop  }
__scs_overlays_trampoline_lowered:
0x8: {  	[smem:$0x3FA8] =	sst s0  }
0x9: {  	[smem:$0x3FA9] =	sst s1  }
0xa: {  	[smem:$0x3FAA] =	sst s2  }
0xb: {  	[smem:$0x3FAB] =	sst s3  }
0xc: {  	[smem:$0x3FAC] =	sst s4  }
0xd: {  	[smem:$0x3FAD] =	sst s5  }
0xe: {  	[smem:$0x3FAE] =	sst s6  }
0xf: {  	[smem:$0x3FAF] =	sst s7  }
0x10: {  	[smem:$0x3FB0] =	sst s8  }
0x11: {  	[smem:$0x3FB1] =	sst s9;
	s0 =	simm.s32 @!p0 $0x0  }
0x12: {  	s1 =	sld [smem:$0x3F97];
	s0 =	simm.s32 @p0 $0x1  }
0x13: {  	[smem:$0x3FB2] =	sst s0;
	s0 =	simm.s32 @!p1 $0x0  }
0x14: {  	s2 =	sld [smem:$0x3F96];
	s0 =	simm.s32 @p1 $0x1  }
0x15: {  	[smem:$0x3FB3] =	sst s0;
	s0 =	simm.s32 @!p2 $0x0  }
0x16: {  	s3 =	sld [smem:$0x3FDB];
	s0 =	simm.s32 @p2 $0x1  }
0x17: {  	s4 =	simm.s32 $0x1BF5;
	[smem:$0x3FB5] =	sst s0  }
0x18: {  	s0 =	sld [smem:$0x3F98];
	_ =	swait.ge [sflag:s4], $0x0  }
0x19: {  	s7 =	sld [smem:$0x3F99]  }
0x1a: {  	s8 =	sadd.s32 $0xFFFFE003, lr  }
0x1b: {  	s9 =	sadd.s32 $0xFFFFFEF7, lr;
	s5 =	simm.s32 $0xFFFFFFFF;
	p2 =	slt.u32 s8, $0xFFFFF086  }
0x1c: {  	p1 =	slt.u32 s9, $0xF7A;
	s5 =	simm.s32 @!p2 $0x0  }
0x1d: {  	s5 =	simm.s32 @p1 $0x1;
	p0 =	seq.s32 s7, s2  }
0x1e: {  	s7 =	smul.u32 @!p0 $0xF7A, s2;
	p2 =	seq.s32 @!p0 s5, $0x0  }
0x1f: {  	s9 =	smul.u32 $0xF7A, s1;
	s8 =	simm.s32 @!p0 $0x1BF5;
	p2 =	por !p2, p0  }
0x20: {  	[sflag:s8] =	ssyncset.s32 @!p0 $0xFFFFF086;
	s6 =	sadd.s32 @!p0 s3, s7;
	s7 =	simm.s32 @!p0 $0x108  }
0x21: {  	s3 =	sadd.s32 s3, s9;
	s6 =	sadd.s32 @!p0 $0x88, s6;
	s7 =	simm.s32 @p2 $0x1082  }
0x22: {  	[simem:s7], [sflag:s8] =	dma.local @!p0 [hbm:s6], $0xF7A  }
0x23: {  	s9 =	sor.u32 $0xD0000000, s2;
	s6 =	simm.s32 $0x108;
	_ =	swait.ge @!p0 [sflag:s8], $0x0  }
0x24: {  	s3 =	sadd.s32 $0x88, s3;
	s6 =	simm.s32 @!p1 $0x1082;
	[sflag:s4] =	ssyncset.s32 $0xFFFFF086  }
0x25: {  	[simem:s6], [sflag:s4] =	dma.local [hbm:s3], $0xF7A  }
0x26: {  	[smem:$0x3F99] =	sst s1;
	(tag) =	ssettag s2;
	_ =	strace s9  }
0x27: {  	s1 =	sld [smem:$0x3FA9]  }
0x28: {  	s2 =	sld [smem:$0x3FAA]  }
0x29: {  	s4 =	sld [smem:$0x3FAC]  }
0x2a: {  	p0 =	seq.s32 s5, $0x0;
	s5 =	sld [smem:$0x3FAD]  }
0x2b: {  	s6 =	sld [smem:$0x3FAE]  }
0x2c: {  	s7 =	sld [smem:$0x3FAF]  }
0x2d: {  	s3 =	simm.s32 $0x108;
	s8 =	sld [smem:$0x3FB0]  }
0x2e: {  	s3 =	simm.s32 @!p0 $0x1082;
	s9 =	sld [smem:$0x3FB1]  }
0x2f: {  	lr =	sadd.s32 s0, s3;
	s0 =	sld [smem:$0x3FA8]  }
0x30: {  	s3 =	sld [smem:$0x3FAB]  }
0x31: {  	[smem:$0x3FB4] =	sst s10  }
0x32: {  	s10 =	sld [smem:$0x3FB2];
	_ =	sdelay $0x3  }
0x33: {  	p0 =	seq.s32 s10, $0x1;
	s10 =	sld [smem:$0x3FB4];
	_ =	sdelay $0x3  }
0x34: {  	[smem:$0x3FB4] =	sst s10  }
0x35: {  	s10 =	sld [smem:$0x3FB3];
	_ =	sdelay $0x3  }
0x36: {  	p1 =	seq.s32 s10, $0x1;
	s10 =	sld [smem:$0x3FB4];
	_ =	sdelay $0x3  }
0x37: {  	[smem:$0x3FB4] =	sst s10  }
0x38: {  	s10 =	sld [smem:$0x3FB5]  }
0x39: {  	_ = 	snop;
	(pc) =	sbr.ind lr, $3  }
0x3a: {  	_ = 	snop  }
0x3b: {  	_ = 	snop  }
0x3c: {  	p2 =	seq.s32 s10, $0x1;
	s10 =	sld [smem:$0x3FB4]  }
0x3d: {  	_ =	shalt  }
0x3e: {  	_ =	shalt  }
0x3f: {  	_ =	shalt  }
0x40: {  	_ =	shalt  }
0x41: {  	_ =	shalt  }
0x42: {  	_ =	shalt  }
0x43: {  	_ =	shalt  }
0x44: {  	_ =	shalt  }
0x45: {  	_ =	shalt  }
0x46: {  	_ =	shalt  }
0x47: {  	_ =	shalt  }
0x48: {  	_ =	shalt  }
0x49: {  	_ =	shalt  }
0x4a: {  	_ =	shalt  }
0x4b: {  	_ =	shalt  }
0x4c: {  	_ =	shalt  }
0x4d: {  	_ =	shalt  }
0x4e: {  	_ =	shalt  }
0x4f: {  	_ =	shalt  }
0x50: {  	_ =	shalt  }
0x51: {  	_ =	shalt  }
0x52: {  	_ =	shalt  }
0x53: {  	_ =	shalt  }
0x54: {  	_ =	shalt  }
0x55: {  	_ =	shalt  }
0x56: {  	_ =	shalt  }
0x57: {  	_ =	shalt  }
0x58: {  	_ =	shalt  }
0x59: {  	_ =	shalt  }
0x5a: {  	_ =	shalt  }
0x5b: {  	_ =	shalt  }
0x5c: {  	_ =	shalt  }
0x5d: {  	_ =	shalt  }
0x5e: {  	_ =	shalt  }
0x5f: {  	_ =	shalt  }
0x60: {  	_ =	shalt  }
0x61: {  	_ =	shalt  }
0x62: {  	_ =	shalt  }
0x63: {  	_ =	shalt  }
0x64: {  	_ =	shalt  }
0x65: {  	_ =	shalt  }
0x66: {  	_ =	shalt  }
0x67: {  	_ =	shalt  }
0x68: {  	_ =	shalt  }
0x69: {  	_ =	shalt  }
0x6a: {  	_ =	shalt  }
0x6b: {  	_ =	shalt  }
0x6c: {  	_ =	shalt  }
0x6d: {  	_ =	shalt  }
0x6e: {  	_ =	shalt  }
0x6f: {  	_ =	shalt  }
0x70: {  	_ =	shalt  }
0x71: {  	_ =	shalt  }
0x72: {  	_ =	shalt  }
0x73: {  	_ =	shalt  }
0x74: {  	_ =	shalt  }
0x75: {  	_ =	shalt  }
0x76: {  	_ =	shalt  }
0x77: {  	_ =	shalt  }
0x78: {  	_ =	shalt  }
0x79: {  	_ =	shalt  }
0x7a: {  	_ =	shalt  }
0x7b: {  	_ =	shalt  }
0x7c: {  	_ =	shalt  }
0x7d: {  	_ =	shalt  }
0x7e: {  	_ =	shalt  }
0x7f: {  	_ =	shalt  }
0x80: {  	_ =	shalt  }
0x81: {  	_ =	shalt  }
0x82: {  	_ =	shalt  }
0x83: {  	_ =	shalt  }
0x84: {  	_ =	shalt  }
0x85: {  	_ =	shalt  }
0x86: {  	_ =	shalt  }
0x87: {  	_ =	shalt  }
.Lfunc_end0:
.L_simem_size_0:
called_computation.1_lowered:
.L_overlay_start_0:
0x88: {  	s2 =	sld [smem:$0x3FD9]  }
0x89: {  	s3 =	sld [smem:$0x3FFE];
	_ =	sdelay $0x1  }
0x8a: {  	s1 =	srdreg.scid  }
0x8b: {  	s0 =	sand.u32 $0x1, s1  }
0x8c: {  	s17 =	sshll.u32 s0, $0xA;
	s2 =	sadd.s32 s3, s2  }
0x8d: {  	s2 =	sadd.s32 s2, s17  }
0x8e: {  	[smem:$0x3FC0] =	sst s2  }
0x8f: {  	_ = 	snop  }
0x90: {  	s2 =	sld [smem:$0x3FC9];
	(tm) =	ssettm $0x1  }
0x91: {  	s18 =	sld [smem:$0x3FFB];
	_ =	sdelay $0x3  }
0x92: {  	_ =	strace s18  }
0x93: {  	s3 =	sld [smem:$0x3FFC];
	_ =	sdelay $0x3  }
0x94: {  	_ =	strace s3  }
0x95: {  	s3 =	sld [smem:$0x3FFD];
	_ =	sdelay $0x3  }
0x96: {  	_ =	strace s3  }
0x97: {  	_ =	strace $0x8FFFFFFF  }
0x98: {  	s19 =	sld [smem:$0x3FDB];
	_ =	sdelay $0x1  }
0x99: {  	s4 =	simm.s32 $_scs_section_size  }
0x9a: {  	s5 =	simm.s32 $_size__tile_overlayer_lowered;
	s6 =	simm.s32 $_tile_overlayer_lowered  }
0x9b: {  	s22 =	simm.s32 $0x1BFF;
	s21 =	sshll.u32 s6, $0x1;
	s3 =	sadd.s32 s4, s19  }
0x9c: {  	s7 =	simm.s32 $0x0;
	s20 =	sshll.u32 s5, $0x1;
	s5 =	sadd.s32 s21, s3  }
0x9d: {  	[timem:s7], [sflag:s22] =	dma.local [hbm:s5], s20  }
0x9e: {  	_ =	swait.ge [sflag:s22], s20  }
0x9f: {  	s4 =	ssub.s32 $0x0, s20;
	[sflag:s22] =	ssyncset.done $0x0  }
0xa0: {  	[sflag:s22] =	ssyncadd.s32 s4;
	_ =	sdelay $0x1  }
0xa1: {  	s23 =	simm.s32 $0x1B8B  }
0xa2: {  	_ =	swait.ge [sflag:s23], $0x1  }
0xa3: {  	[sflag:s23] =	ssyncset.done $0x0  }
0xa4: {  	s25 =	simm.s32 $0x1B8E;
	s24 =	sld [smem:$0x3FFE];
	[sflag:s23] =	ssyncadd.s32 $0xFFFFFFFF  }
0xa5: {  	s26 =	simm.s32 $execute0_lowered;
	[smem:$0x3FD2] =	sst s25  }
0xa6: {  	s5 =	sshll.u32 s26, $0x1;
	_ =	strace $0x80000046;
	[dreg:$0x1] =	wrdreg $0xFFFFFFFF  }
0xa7: {  	s28 =	simm.s32 $_size_execute0_lowered;
	s3 =	sadd.s32 s3, s5;
	[dreg:$0x0] =	wrdreg $0x0  }
0xa8: {  	s5 =	sshll.u32 s28, $0x1;
	[dreg:$0x2] =	wrdreg s3  }
0xa9: {  	[dreg:$0x3] =	wrdreg s5  }
0xaa: {  	[dreg:$0x4] =	wrdreg $0xC0  }
0xab: {  	_ =	task [dreg:s7], $0x5FFFF  }
0xac: {  	[dreg:$0x1] =	wrdreg $0xFFFFFFFF  }
0xad: {  	[dreg:$0x0] =	wrdreg $0x60  }
0xae: {  	[dreg:$0x2] =	wrdreg s2  }
0xaf: {  	[dreg:$0x3] =	wrdreg s24  }
0xb0: {  	[dreg:$0x4] =	wrdreg $0x78800  }
0xb1: {  	[dreg:$0x5] =	wrdreg $0xA  }
0xb2: {  	_ =	task.clear_ibuf [dreg:s7], $0x6FFFF;
	_ =	strace $0x90000046  }
0xb3: {  	s29 =	simm.s32 $0xA;
	_ =	strace $0x80000048  }
0xb4: {  	_ =	swait.ge [sflag:s29], $0x1  }
0xb5: {  	[sflag:s29] =	ssyncadd.s32 $0xFFFFFFFF  }
0xb6: {  	_ =	strace $0x90000048  }
0xb7: {  	_ =	sfence  }
0xb8: {  	s30 =	sld [smem:$0x0];
	_ =	sdelay $0x2  }
0xb9: {  	s31 =	sshll.u32 s1, $0xD;
	s1 =	sshrl.u32 s1, $0x2  }
0xba: {  	s3 =	sand.u32 $0x4000, s31;
	s1 =	sadd.s32 s1, s30  }
0xbb: {  	s0 =	sor.u32 s3, s0;
	s1 =	sshll.u32 s1, $0x11  }
0xbc: {  	s0 =	sor.u32 s1, s0  }
0xbd: {  	s0 =	sadd.s32 $0x8F2B, s0  }
0xbe: {  	[sflag:s0] =	ssyncadd.remote.s32 $0x1  }
0xbf: {  	_ =	sfence.sel $0xFFFF  }
0xc0: {  	[dreg:$0x0] =	wrdreg $0xFFFFFFFF;
	(pc) =	sbr.abs _section_cstart, $3  }
0xc1: {  	[dreg:$0x1] =	wrdreg $0xFFFFFFFF  }
0xc2: {  	_ =	task.clear_ibuf [dreg:s7], $0x2FFFF;
	_ =	strace $0x9FFFFFFF  }
0xc3: {  	(tm) =	ssettm $0x7FFFFFFF  }
tec
execute0_lowered:
.L_overlay_start_1:
0x0: {  	(tag) =	ssettag $0x1  }
0x1: {  	s1 =	rddreg [dreg:$0x0]  }
0x2: {  	s0 =	srdreg.scid;
	s6 =	rddreg [dreg:$0x1]  }
0x3: {  	s9 =	stileid.u32;
	s3 =	rddreg [dreg:$0x2]  }
0x4: {  	s28 =	simm.s32 $0x4;
	s29 =	simm.s32 $0x1;
	s30 =	simm.s32 $0x5  }
0x5: {  	s31 =	simm.s32 $0x2;
	s0 =	sand.u32 $0x1, s0;
	s7 =	sshll.u32 s9, $0x7  }
0x6: {  	s17 =	smul.u32 $0x14000, s9;
	s2 =	sshll.u32 s0, $0x4;
	s7 =	sand.u32 $0x380, s7  }
0x7: {  	s8 =	smul.u32 $0x140000, s0;
	s0 =	ssub.s32 $0x2, s0;
	s2 =	sor.u32 s9, s2  }
0x8: {  	s9 =	smul.u32 $0x50000, s9;
	s19 =	sshrl.u32 s0, $0x1;
	s4 =	sshrl.u32 s2, $0x3  }
0x9: {  	s0 =	ssub.s32 s0, s19;
	s26 =	sshll.u32 s2, $0xB;
	s5 =	smul.u32 $0x13C00, s4  }
0xa: {  	s15 =	sshll.u32 s2, $0xE;
	s2 =	simm.s32 $0x3;
	s19 =	simm.s32 $0x6  }
0xb: {  	s4 =	simm.s32 $0x0;
	s18 =	sshrl.u32 s9, $0x2;
	s5 =	sor.u32 s7, s5  }
0xc: {  	[smem:$0x7FF] =	sst s4;
	s7 =	sadd.s32 s17, s8;
	s5 =	sshrl.u32 s5, $0x3  }
0xd: {  	_ =	strace $0x80000047;
	s7 =	sshrl.u32 s7, $0x3;
	s10 =	sadd.s32 s5, s6  }
0xe: {  	s5 =	sadd.s32 $0x2000, s6;
	s7 =	sadd.s32 s7, s6;
	s6 =	sadd.s32 s18, s3  }
0xf: {  	s18 =	smax.u32 s0, $0x1;
	s0 =	simm.s32 $0x0;
	s20 =	sadd.s32 $0x12000, s10  }
0x10: {  	s21 =	sadd.s32 $0x2800, s6;
	s22 =	sadd.s32 $0x5000, s6;
	[dreg:$0x4] =	wrdreg s20  }
0x11: {  	s23 =	sadd.s32 $0x7800, s6;
	s24 =	sadd.s32 $0xA000, s6;
	[dreg:$0x5] =	wrdreg s21  }
0x12: {  	s25 =	sadd.s32 $0xC800, s6;
	s13 =	sadd.s32 $0xF000, s6;
	[dreg:$0x6] =	wrdreg s22  }
0x13: {  	s14 =	sadd.s32 $0x11800, s6;
	s16 =	sadd.s32 s5, s26;
	[dreg:$0x7] =	wrdreg s23  }
0x14: {  	s17 =	sadd.s32 $0x1BE00, s7;
	s26 =	simm.s32 $0x2780;
	[dreg:$0x8] =	wrdreg s24  }
0x15: {  	[dreg:$0x9] =	wrdreg s25;
	s21 =	simm.s32 $0x7;
	s22 =	simm.s32 $0x2880  }
0x16: {  	v0 =	vimm.f32 $0.0e+00;
	s23 =	simm.s32 $0x2800;
	s24 =	simm.s32 $0x50;
	s25 =	simm.s32 $0x5080  }
.LBB2_1:
0x17: {  	s7 =	rddreg [dreg:$0x4];
	s8 =	simm.s32 $0x80;
	s9 =	simm.s32 $0x400  }
0x18: {  	[tilespmem:s4], [sflag:$0x7] =	stream.strided.gather [hbm4b:s7+s8], $0x2780, s9, s8, $0x38;
	[tilespmem:$0x1B880] =	vst v63  }
0x19: {  	_ =	swait.ge [sflag:s21], $0x2780  }
0x1a: {  	[sflag:s21] =	ssyncset.done $0x0  }
0x1b: {  	s20 =	simm.s32 $0x200;
	s7 =	simm.s32 $0x0;
	[sflag:s21] =	ssyncadd.s32 $0xFFFFD880  }
.LBB2_2:
0x1c: {  	p0 =	sne.s32 s20, $0x9E00;
	[tilespmem:s7+$0x28F0] =	vst v0  }
0x1d: {  	[tilespmem:s7+$0x2880] =	vst v0  }
0x1e: {  	[tilespmem:s7+$0x2890] =	vst v0  }
.Ltmp0:
0x1f: {  	[tilespmem:s7+$0x28A0] =	vst v0;
	(pc) =	sbr.rel @p0 .LBB2_2-.Ltmp0, $4  }
0x20: {  	[tilespmem:s7+$0x28B0] =	vst v0  }
0x21: {  	[tilespmem:s7+$0x28C0] =	vst v0  }
0x22: {  	[tilespmem:s7+$0x28D0] =	vst v0  }
0x23: {  	[tilespmem:s7+$0x28E0] =	vst v0;
	s7 =	sshra.s32 s20, $0x2;
	s20 =	sadd.s32 $0x200, s20  }
0x24: {  	[tilespmem:s7+$0x28F0] =	vst v0  }
0x25: {  	[tilespmem:s7+$0x2880] =	vst v0  }
0x26: {  	[tilespmem:s7+$0x2890] =	vst v0  }
0x27: {  	[tilespmem:s7+$0x28A0] =	vst v0  }
0x28: {  	[tilespmem:s7+$0x28B0] =	vst v0  }
0x29: {  	[tilespmem:s7+$0x28C0] =	vst v0  }
0x2a: {  	[tilespmem:s7+$0x28D0] =	vst v0  }
0x2b: {  	[tilespmem:s7+$0x28E0] =	vst v0;
	s7 =	simm.s32 $0x0;
	s20 =	simm.s32 $0x200  }
.LBB2_4:
0x2c: {  	p0 =	sne.s32 s20, $0x9E00;
	[tilespmem:s7+$0x50F0] =	vst v0  }
0x2d: {  	[tilespmem:s7+$0x5080] =	vst v0  }
0x2e: {  	[tilespmem:s7+$0x5090] =	vst v0  }
.Ltmp1:
0x2f: {  	[tilespmem:s7+$0x50A0] =	vst v0;
	(pc) =	sbr.rel @p0 .LBB2_4-.Ltmp1, $4  }
0x30: {  	[tilespmem:s7+$0x50B0] =	vst v0  }
0x31: {  	[tilespmem:s7+$0x50C0] =	vst v0  }
0x32: {  	[tilespmem:s7+$0x50D0] =	vst v0  }
0x33: {  	[tilespmem:s7+$0x50E0] =	vst v0;
	s7 =	sshra.s32 s20, $0x2;
	s20 =	sadd.s32 $0x200, s20  }
0x34: {  	[tilespmem:s7+$0x50F0] =	vst v0  }
0x35: {  	[tilespmem:s7+$0x5080] =	vst v0  }
0x36: {  	[tilespmem:s7+$0x5090] =	vst v0  }
0x37: {  	[tilespmem:s7+$0x50A0] =	vst v0  }
0x38: {  	[tilespmem:s7+$0x50B0] =	vst v0  }
0x39: {  	[tilespmem:s7+$0x50C0] =	vst v0  }
0x3a: {  	[tilespmem:s7+$0x50D0] =	vst v0  }
0x3b: {  	[tilespmem:s7+$0x50E0] =	vst v0  }
0x3c: {  	[spmem:s6] =	stream.linear.scatter [tilespmem:s22], [sflag:$0x7], $0x2800, $0x38;
	[tilespmem:$0x1B880] =	vst v63  }
0x3d: {  	_ =	swait.ge [sflag:s21], $0x2800  }
0x3e: {  	[sflag:s21] =	ssyncset.done $0x0  }
0x3f: {  	s10 =	rddreg [dreg:$0x5];
	[sflag:s21] =	ssyncadd.s32 $0xFFFFD800  }
0x40: {  	[spmem:s10] =	stream.linear.scatter [tilespmem:s22], [sflag:$0x7], $0x2800, $0x38;
	[tilespmem:$0x1B880] =	vst v63  }
0x41: {  	_ =	swait.ge [sflag:s21], $0x2800  }
0x42: {  	[sflag:s21] =	ssyncset.done $0x0  }
0x43: {  	s11 =	rddreg [dreg:$0x6];
	[sflag:s21] =	ssyncadd.s32 $0xFFFFD800  }
0x44: {  	[spmem:s11] =	stream.linear.scatter [tilespmem:s22], [sflag:$0x7], $0x2800, $0x38;
	[tilespmem:$0x1B880] =	vst v63  }
0x45: {  	_ =	swait.ge [sflag:s21], $0x2800  }
0x46: {  	[sflag:s21] =	ssyncset.done $0x0  }
0x47: {  	s12 =	rddreg [dreg:$0x7];
	[sflag:s21] =	ssyncadd.s32 $0xFFFFD800  }
0x48: {  	[spmem:s12] =	stream.linear.scatter [tilespmem:s22], [sflag:$0x7], $0x2800, $0x38;
	[tilespmem:$0x1B880] =	vst v63  }
0x49: {  	_ =	swait.ge [sflag:s21], $0x2800  }
0x4a: {  	[sflag:s21] =	ssyncset.done $0x0  }
0x4b: {  	s20 =	rddreg [dreg:$0x8];
	[sflag:s21] =	ssyncadd.s32 $0xFFFFD800  }
0x4c: {  	[spmem:s20] =	stream.linear.scatter [tilespmem:s22], [sflag:$0x7], $0x2800, $0x38;
	[tilespmem:$0x1B880] =	vst v63  }
0x4d: {  	_ =	swait.ge [sflag:s21], $0x2800  }
0x4e: {  	[sflag:s21] =	ssyncset.done $0x0  }
0x4f: {  	s8 =	rddreg [dreg:$0x9];
	[sflag:s21] =	ssyncadd.s32 $0xFFFFD800  }
0x50: {  	[spmem:s8] =	stream.linear.scatter [tilespmem:s22], [sflag:$0x7], $0x2800, $0x38;
	[tilespmem:$0x1B880] =	vst v63  }
0x51: {  	_ =	swait.ge [sflag:s21], $0x2800  }
0x52: {  	[sflag:s21] =	ssyncset.done $0x0  }
0x53: {  	[sflag:s21] =	ssyncadd.s32 $0xFFFFD800  }
0x54: {  	[spmem:s13] =	stream.linear.scatter [tilespmem:s22], [sflag:$0x7], $0x2800, $0x38;
	[tilespmem:$0x1B880] =	vst v63  }
0x55: {  	_ =	swait.ge [sflag:s21], $0x2800  }
0x56: {  	[sflag:s21] =	ssyncset.done $0x0  }
0x57: {  	[sflag:s21] =	ssyncadd.s32 $0xFFFFD800  }
0x58: {  	[spmem:s14] =	stream.linear.scatter [tilespmem:s22], [sflag:$0x7], $0x2800, $0x38;
	[tilespmem:$0x1B880] =	vst v63  }
0x59: {  	_ =	swait.ge [sflag:s21], $0x2800  }
0x5a: {  	[sflag:s21] =	ssyncset.done $0x0  }
0x5b: {  	[sflag:s21] =	ssyncadd.s32 $0xFFFFD800  }
0x5c: {  	s9 =	simm.s32 $0x0;
	[bflag:$0x0] =	sbarrier.arrive $0xFFFF  }
0x5d: {  	[tilespmem:s23], [sflag:$0x7] =	stream.linear.gather [hbm4b:s16+s9], $0x80, $0x38;
	[tilespmem:$0x1B880] =	vst v63  }
0x5e: {  	_ =	swait.ge [sflag:s21], $0x80  }
0x5f: {  	[sflag:s21] =	ssyncset.done $0x0  }
0x60: {  	s20 =	simm.s32 $0x0;
	s8 =	simm.s32 $0x80;
	[sflag:s21] =	ssyncadd.s32 $0xFFFFFF80  }
0x61: {  	[spmem:s3] =	stream.indirect.scatter.add.f32 [tilespmem:s25], [sflag:$0x4], $0x80, s23, s24, $0xb8;
	[tilespmem:$0x1B880] =	vst v63  }
0x62: {  	s20 =	sand.u32 $0x3C00, s20;
	s8 =	sand.u32 $0x380, s8  }
0x63: {  	[tilespmem:s26], [sflag:$0x5] =	stream.linear.gather [hbm4b:s16+s9], $0x80, $0x38;
	[tilespmem:$0x1B880] =	vst v63  }
0x64: {  	s8 =	sor.u32 s8, s20  }
0x65: {  	[tilespmem:s22], [sflag:$0x1] =	stream.indirect.gather [hbm4b:s1+s24], $0x80, s9, s24, $0xb8;
	[tilespmem:$0x1B880] =	vst v63  }
0x66: {  	s10 =	sor.u32 s15, s8;
	_ =	swait.ge [sflag:s28], $0x2800  }
0x67: {  	s7 =	sshrl.u32 s10, $0x3;
	[sflag:s28] =	ssyncset.done $0x0  }
0x68: {  	s7 =	sadd.s32 s5, s7;
	[sflag:s28] =	ssyncadd.s32 $0xFFFFD800  }
0x69: {  	[tilespmem:s23], [sflag:$0x6] =	stream.linear.gather [hbm4b:s7+s4], $0x80, $0x38;
	[tilespmem:$0x1B880] =	vst v63  }
0x6a: {  	_ =	swait.ge [sflag:s29], $0x2800  }
0x6b: {  	[sflag:s29] =	ssyncset.done $0x0  }
0x6c: {  	[sflag:s29] =	ssyncadd.s32 $0xFFFFD800  }
0x6d: {  	_ =	swait.ge [sflag:s30], $0x80  }
0x6e: {  	[sflag:s30] =	ssyncset.done $0x0  }
0x6f: {  	[sflag:s30] =	ssyncadd.s32 $0xFFFFFF80  }
0x70: {  	[spmem:s3] =	stream.indirect.scatter.add.f32 [tilespmem:s22], [sflag:$0x3], $0x80, s26, s24, $0xb8;
	[tilespmem:$0x1B880] =	vst v63  }
0x71: {  	s11 =	simm.s32 $0x50  }
0x72: {  	[tilespmem:s25], [sflag:$0x2] =	stream.indirect.gather [hbm4b:s1+s24], $0x80, s11, s24, $0xb8;
	[tilespmem:$0x1B880] =	vst v63  }
0x73: {  	s12 =	simm.s32 $0x100;
	_ =	swait.ge [sflag:s31], $0x2800  }
0x74: {  	s20 =	sand.u32 $0x7C00, s12;
	[sflag:s31] =	ssyncset.done $0x0  }
0x75: {  	s8 =	sadd.s32 s15, s20;
	s7 =	sand.u32 $0x300, s12;
	[sflag:s31] =	ssyncadd.s32 $0xFFFFD800  }
0x76: {  	s7 =	sor.u32 s7, s8;
	_ =	swait.ge [sflag:s2], $0x2800  }
0x77: {  	s7 =	sshrl.u32 s7, $0x3;
	[sflag:s2] =	ssyncset.done $0x0  }
0x78: {  	s7 =	sadd.s32 s5, s7;
	[sflag:s2] =	ssyncadd.s32 $0xFFFFD800  }
0x79: {  	[tilespmem:s26], [sflag:$0x5] =	stream.linear.gather [hbm4b:s7+s4], $0x80, $0x38;
	[tilespmem:$0x1B880] =	vst v63  }
0x7a: {  	s20 =	simm.s32 $0x200;
	s8 =	simm.s32 $0x300;
	s7 =	simm.s32 $0xA0  }
.LBB2_6:
0x7b: {  	s9 =	sadd.s32 $0xFFFFFF80, s20  }
0x7c: {  	s10 =	sadd.s32 $0xFFFFFF00, s20;
	_ =	swait.ge [sflag:s19], $0x80;
	s11 =	smov.u32 s8  }
0x7d: {  	s9 =	sand.u32 $0x380, s9;
	s10 =	sand.u32 $0x3C00, s10;
	[sflag:s19] =	ssyncset.done $0x0  }
0x7e: {  	s12 =	sadd.s32 $0x100, s8;
	s9 =	sor.u32 s9, s10;
	[sflag:s19] =	ssyncadd.s32 $0xFFFFFF80  }
0x7f: {  	[spmem:s3] =	stream.indirect.scatter.add.f32 [tilespmem:s25], [sflag:$0x4], $0x80, s23, s24, $0xb8;
	[tilespmem:$0x1B880] =	vst v63  }
0x80: {  	p0 =	sne.s32 s8, $0x3E00;
	s8 =	sor.u32 s15, s9  }
0x81: {  	[tilespmem:s22], [sflag:$0x1] =	stream.indirect.gather [hbm4b:s1+s24], $0x80, s7, s24, $0xb8;
	[tilespmem:$0x1B880] =	vst v63  }
0x82: {  	s8 =	sshrl.u32 s8, $0x3;
	_ =	swait.ge [sflag:s28], $0x2800  }
0x83: {  	[sflag:s28] =	ssyncset.done $0x0  }
0x84: {  	s8 =	sadd.s32 s5, s8;
	[sflag:s28] =	ssyncadd.s32 $0xFFFFD800  }
0x85: {  	[tilespmem:s23], [sflag:$0x6] =	stream.linear.gather [hbm4b:s8+s4], $0x80, $0x38;
	[tilespmem:$0x1B880] =	vst v63  }
0x86: {  	_ =	swait.ge [sflag:s29], $0x2800  }
0x87: {  	[sflag:s29] =	ssyncset.done $0x0  }
0x88: {  	[sflag:s29] =	ssyncadd.s32 $0xFFFFD800  }
0x89: {  	_ =	swait.ge [sflag:s30], $0x80  }
0x8a: {  	[sflag:s30] =	ssyncset.done $0x0  }
0x8b: {  	[sflag:s30] =	ssyncadd.s32 $0xFFFFFF80  }
0x8c: {  	[spmem:s3] =	stream.indirect.scatter.add.f32 [tilespmem:s22], [sflag:$0x3], $0x80, s26, s24, $0xb8;
	[tilespmem:$0x1B880] =	vst v63  }
0x8d: {  	s8 =	sadd.s32 $0x50, s7  }
0x8e: {  	[tilespmem:s25], [sflag:$0x2] =	stream.indirect.gather [hbm4b:s1+s24], $0x80, s8, s24, $0xb8;
	[tilespmem:$0x1B880] =	vst v63  }
0x8f: {  	_ =	swait.ge [sflag:s31], $0x2800  }
0x90: {  	s9 =	sand.u32 $0x300, s20;
	s8 =	sand.u32 $0x7C00, s20;
	[sflag:s31] =	ssyncset.done $0x0  }
0x91: {  	s20 =	smov.u32 s11;
	s8 =	sadd.s32 s15, s8;
	[sflag:s31] =	ssyncadd.s32 $0xFFFFD800  }
.Ltmp2:
0x92: {  	s8 =	sor.u32 s9, s8;
	_ =	swait.ge [sflag:s2], $0x2800;
	(pc) =	sbr.rel @p0 .LBB2_6-.Ltmp2, $4  }
0x93: {  	s8 =	sshrl.u32 s8, $0x3;
	[sflag:s2] =	ssyncset.done $0x0  }
0x94: {  	s7 =	sadd.s32 $0xA0, s7;
	s8 =	sadd.s32 s5, s8;
	[sflag:s2] =	ssyncadd.s32 $0xFFFFD800  }
0x95: {  	[tilespmem:s26], [sflag:$0x5] =	stream.linear.gather [hbm4b:s8+s4], $0x80, $0x38;
	[tilespmem:$0x1B880] =	vst v63  }
0x96: {  	s8 =	smov.u32 s12  }
0x97: {  	_ =	swait.ge [sflag:s19], $0x80  }
0x98: {  	s8 =	sadd.s32 $0xFFFFFF80, s20;
	s9 =	sadd.s32 $0xFFFFFF00, s20;
	[sflag:s19] =	ssyncset.done $0x0  }
0x99: {  	s8 =	sand.u32 $0x380, s8;
	s9 =	sand.u32 $0x3C00, s9;
	[sflag:s19] =	ssyncadd.s32 $0xFFFFFF80  }
0x9a: {  	[spmem:s3] =	stream.indirect.scatter.add.f32 [tilespmem:s25], [sflag:$0x4], $0x80, s23, s24, $0xb8;
	[tilespmem:$0x1B880] =	vst v63  }
0x9b: {  	s8 =	sor.u32 s8, s9  }
0x9c: {  	[tilespmem:s22], [sflag:$0x1] =	stream.indirect.gather [hbm4b:s1+s24], $0x80, s7, s24, $0xb8;
	[tilespmem:$0x1B880] =	vst v63  }
0x9d: {  	s8 =	sor.u32 s15, s8;
	_ =	swait.ge [sflag:s28], $0x2800  }
0x9e: {  	s8 =	sshrl.u32 s8, $0x3;
	[sflag:s28] =	ssyncset.done $0x0  }
0x9f: {  	s8 =	sadd.s32 s5, s8;
	[sflag:s28] =	ssyncadd.s32 $0xFFFFD800  }
0xa0: {  	[tilespmem:s23], [sflag:$0x6] =	stream.linear.gather [hbm4b:s8+s4], $0x80, $0x38;
	[tilespmem:$0x1B880] =	vst v63  }
0xa1: {  	_ =	swait.ge [sflag:s29], $0x2800  }
0xa2: {  	[sflag:s29] =	ssyncset.done $0x0  }
0xa3: {  	[sflag:s29] =	ssyncadd.s32 $0xFFFFD800  }
0xa4: {  	_ =	swait.ge [sflag:s30], $0x80  }
0xa5: {  	[sflag:s30] =	ssyncset.done $0x0  }
0xa6: {  	[sflag:s30] =	ssyncadd.s32 $0xFFFFFF80  }
0xa7: {  	[spmem:s3] =	stream.indirect.scatter.add.f32 [tilespmem:s22], [sflag:$0x3], $0x80, s26, s24, $0xb8;
	[tilespmem:$0x1B880] =	vst v63  }
0xa8: {  	s8 =	sadd.s32 $0x50, s7  }
0xa9: {  	[tilespmem:s25], [sflag:$0x2] =	stream.indirect.gather [hbm4b:s1+s24], $0x80, s8, s24, $0xb8;
	[tilespmem:$0x1B880] =	vst v63  }
0xaa: {  	_ =	swait.ge [sflag:s31], $0x2800  }
0xab: {  	s9 =	sand.u32 $0x7C00, s20;
	[sflag:s31] =	ssyncset.done $0x0  }
0xac: {  	s10 =	sand.u32 $0x300, s20;
	s7 =	sadd.s32 s15, s9;
	[sflag:s31] =	ssyncadd.s32 $0xFFFFD800  }
0xad: {  	s7 =	sor.u32 s10, s7;
	_ =	swait.ge [sflag:s2], $0x2800  }
0xae: {  	s7 =	sshrl.u32 s7, $0x3;
	[sflag:s2] =	ssyncset.done $0x0  }
0xaf: {  	s7 =	sadd.s32 s5, s7;
	[sflag:s2] =	ssyncadd.s32 $0xFFFFD800  }
0xb0: {  	[tilespmem:s26], [sflag:$0x5] =	stream.linear.gather [hbm4b:s7+s4], $0x80, $0x38;
	[tilespmem:$0x1B880] =	vst v63  }
0xb1: {  	_ =	swait.ge [sflag:s19], $0x80  }
0xb2: {  	[sflag:s19] =	ssyncset.done $0x0  }
0xb3: {  	[sflag:s19] =	ssyncadd.s32 $0xFFFFFF80  }
0xb4: {  	[spmem:s3] =	stream.indirect.scatter.add.f32 [tilespmem:s25], [sflag:$0x4], $0x80, s23, s24, $0xb8;
	[tilespmem:$0x1B880] =	vst v63  }
0xb5: {  	s11 =	simm.s32 $0x26C0  }
0xb6: {  	[tilespmem:s22], [sflag:$0x1] =	stream.indirect.gather [hbm4b:s1+s24], $0x80, s11, s24, $0xb8;
	[tilespmem:$0x1B880] =	vst v63  }
0xb7: {  	_ =	swait.ge [sflag:s28], $0x2800  }
0xb8: {  	[sflag:s28] =	ssyncset.done $0x0  }
0xb9: {  	[sflag:s28] =	ssyncadd.s32 $0xFFFFD800  }
0xba: {  	_ =	swait.ge [sflag:s29], $0x2800  }
0xbb: {  	[sflag:s29] =	ssyncset.done $0x0  }
0xbc: {  	[sflag:s29] =	ssyncadd.s32 $0xFFFFD800  }
0xbd: {  	_ =	swait.ge [sflag:s30], $0x80  }
0xbe: {  	[sflag:s30] =	ssyncset.done $0x0  }
0xbf: {  	[sflag:s30] =	ssyncadd.s32 $0xFFFFFF80  }
0xc0: {  	[spmem:s3] =	stream.indirect.scatter.add.f32 [tilespmem:s22], [sflag:$0x3], $0x80, s26, s24, $0xb8;
	[tilespmem:$0x1B880] =	vst v63  }
0xc1: {  	s0 =	sadd.s32 $0x1, s0;
	_ =	swait.ge [sflag:s2], $0x2800  }
0xc2: {  	s12 =	stileid.u32;
	p0 =	sne.s32 s0, s18;
	[sflag:s2] =	ssyncset.done $0x0  }
0xc3: {  	s20 =	sshrl.u32 s6, $0x3;
	s7 =	sshll.u32 s12, $0x6;
	[sflag:s2] =	ssyncadd.s32 $0xFFFFD800  }
.Ltmp3:
0xc4: {  	s7 =	sor.u32 $0x1C07, s7;
	[bflag:$0x0] =	sbarrier.arrive $0xFFFF;
	(pc) =	sbr.rel @p0 .LBB2_1-.Ltmp3, $4  }
0xc5: {  	[hbm:s17], [sflag:s7] =	dma.local [spmem:s20], $0x2800  }
0xc6: {  	_ =	swait.ge [sflag:s21], $0x2800  }
0xc7: {  	[sflag:s21] =	ssyncset.done $0x0  }
0xc8: {  	[sflag:s21] =	ssyncadd.s32 $0xFFFFD800  }
0xc9: {  	_ =	sfence.sel $0x180000  }
0xca: {  	[bflag:$0x0] =	sbarrier.arrive $0xFFFF  }
0xcb: {  	_ =	strace $0x90000047  }
0xcc: {  	s0 =	stileid.u32;
	[bflag:$0x2] =	sbarrier.arrive $0xFFFF  }
0xcd: {  	p0 =	sne.s32 s0, $0x0;
	s0 =	rddreg [dreg:$0x3]  }
0xce: {  	s0 =	sadd.s32 @!p0 $0x100000, s0  }
0xcf: {  	[sflag:s0] =	ssyncadd.tile.s32 @!p0 $0x1;
	_ =	shalt  }
.Lfunc_end2:
_tile_overlayer_lowered:
.L_overlay_start_2:
0xd0: {  	(tag) =	ssettag $0x2  }
0xd1: {  	s0 =	rddreg [dreg:$0x0];
	s2 =	stileid.u32  }
0xd2: {  	s1 =	rddreg [dreg:$0x1];
	p0 =	sne.s32 s2, $0x0  }
0xd3: {  	s3 =	rddreg [dreg:$0x2];
	[bflag:$0x3] =	sbarrier.arrive $0xFFFF;
	s2 =	simm.s32 @!p0 $0x1C07  }
0xd4: {  	[timem:s3], [sflag:s2] =	dma.local @!p0 [hbm:s0], s1  }
0xd5: {  	s0 =	simm.s32 @!p0 $0x7  }
0xd6: {  	_ =	swait.ge @!p0 [sflag:s0], s1  }
0xd7: {  	s1 =	ssub.s32 @!p0 $0x0, s1;
	[sflag:s0] =	ssyncset.done @!p0 $0x0  }
0xd8: {  	[sflag:s0] =	ssyncadd.s32 @!p0 s1  }
0xd9: {  	[bflag:$0x3] =	sbarrier.arrive $0xFFFF  }
0xda: {  	_ =	shalt  }

// kernel: kernel.13.cloned.1.call-start
scs
__scs_entry_jumppad:
0x0: {  	(pc) =	sbr.rel $0x88, $3  }
0x1: {  	(tag) =	ssettag $0x0;
	lr =	simm.s32 $0x1  }
0x2: {  	[smem:$0x3F99] =	sst lr;
	_ =	strace $0xD0000000  }
0x3: {  	_ = 	snop  }
0x4: {  	_ = 	snop  }
0x5: {  	_ = 	snop  }
0x6: {  	_ = 	snop  }
0x7: {  	_ = 	snop  }
__scs_overlays_trampoline_lowered:
0x8: {  	[smem:$0x3FA8] =	sst s0  }
0x9: {  	[smem:$0x3FA9] =	sst s1  }
0xa: {  	[smem:$0x3FAA] =	sst s2  }
0xb: {  	[smem:$0x3FAB] =	sst s3  }
0xc: {  	[smem:$0x3FAC] =	sst s4  }
0xd: {  	[smem:$0x3FAD] =	sst s5  }
0xe: {  	[smem:$0x3FAE] =	sst s6  }
0xf: {  	[smem:$0x3FAF] =	sst s7  }
0x10: {  	[smem:$0x3FB0] =	sst s8  }
0x11: {  	[smem:$0x3FB1] =	sst s9;
	s0 =	simm.s32 @!p0 $0x0  }
0x12: {  	s1 =	sld [smem:$0x3F97];
	s0 =	simm.s32 @p0 $0x1  }
0x13: {  	[smem:$0x3FB2] =	sst s0;
	s0 =	simm.s32 @!p1 $0x0  }
0x14: {  	s2 =	sld [smem:$0x3F96];
	s0 =	simm.s32 @p1 $0x1  }
0x15: {  	[smem:$0x3FB3] =	sst s0;
	s0 =	simm.s32 @!p2 $0x0  }
0x16: {  	s3 =	sld [smem:$0x3FDB];
	s0 =	simm.s32 @p2 $0x1  }
0x17: {  	s4 =	simm.s32 $0x1BF5;
	[smem:$0x3FB5] =	sst s0  }
0x18: {  	s0 =	sld [smem:$0x3F98];
	_ =	swait.ge [sflag:s4], $0x0  }
0x19: {  	s7 =	sld [smem:$0x3F99]  }
0x1a: {  	s8 =	sadd.s32 $0xFFFFE003, lr  }
0x1b: {  	s9 =	sadd.s32 $0xFFFFFEF7, lr;
	s5 =	simm.s32 $0xFFFFFFFF;
	p2 =	slt.u32 s8, $0xFFFFF086  }
0x1c: {  	p1 =	slt.u32 s9, $0xF7A;
	s5 =	simm.s32 @!p2 $0x0  }
0x1d: {  	s5 =	simm.s32 @p1 $0x1;
	p0 =	seq.s32 s7, s2  }
0x1e: {  	s7 =	smul.u32 @!p0 $0xF7A, s2;
	p2 =	seq.s32 @!p0 s5, $0x0  }
0x1f: {  	s9 =	smul.u32 $0xF7A, s1;
	s8 =	simm.s32 @!p0 $0x1BF5;
	p2 =	por !p2, p0  }
0x20: {  	[sflag:s8] =	ssyncset.s32 @!p0 $0xFFFFF086;
	s6 =	sadd.s32 @!p0 s3, s7;
	s7 =	simm.s32 @!p0 $0x108  }
0x21: {  	s3 =	sadd.s32 s3, s9;
	s6 =	sadd.s32 @!p0 $0x88, s6;
	s7 =	simm.s32 @p2 $0x1082  }
0x22: {  	[simem:s7], [sflag:s8] =	dma.local @!p0 [hbm:s6], $0xF7A  }
0x23: {  	s9 =	sor.u32 $0xD0000000, s2;
	s6 =	simm.s32 $0x108;
	_ =	swait.ge @!p0 [sflag:s8], $0x0  }
0x24: {  	s3 =	sadd.s32 $0x88, s3;
	s6 =	simm.s32 @!p1 $0x1082;
	[sflag:s4] =	ssyncset.s32 $0xFFFFF086  }
0x25: {  	[simem:s6], [sflag:s4] =	dma.local [hbm:s3], $0xF7A  }
0x26: {  	[smem:$0x3F99] =	sst s1;
	(tag) =	ssettag s2;
	_ =	strace s9  }
0x27: {  	s1 =	sld [smem:$0x3FA9]  }
0x28: {  	s2 =	sld [smem:$0x3FAA]  }
0x29: {  	s4 =	sld [smem:$0x3FAC]  }
0x2a: {  	p0 =	seq.s32 s5, $0x0;
	s5 =	sld [smem:$0x3FAD]  }
0x2b: {  	s6 =	sld [smem:$0x3FAE]  }
0x2c: {  	s7 =	sld [smem:$0x3FAF]  }
0x2d: {  	s3 =	simm.s32 $0x108;
	s8 =	sld [smem:$0x3FB0]  }
0x2e: {  	s3 =	simm.s32 @!p0 $0x1082;
	s9 =	sld [smem:$0x3FB1]  }
0x2f: {  	lr =	sadd.s32 s0, s3;
	s0 =	sld [smem:$0x3FA8]  }
0x30: {  	s3 =	sld [smem:$0x3FAB]  }
0x31: {  	[smem:$0x3FB4] =	sst s10  }
0x32: {  	s10 =	sld [smem:$0x3FB2];
	_ =	sdelay $0x3  }
0x33: {  	p0 =	seq.s32 s10, $0x1;
	s10 =	sld [smem:$0x3FB4];
	_ =	sdelay $0x3  }
0x34: {  	[smem:$0x3FB4] =	sst s10  }
0x35: {  	s10 =	sld [smem:$0x3FB3];
	_ =	sdelay $0x3  }
0x36: {  	p1 =	seq.s32 s10, $0x1;
	s10 =	sld [smem:$0x3FB4];
	_ =	sdelay $0x3  }
0x37: {  	[smem:$0x3FB4] =	sst s10  }
0x38: {  	s10 =	sld [smem:$0x3FB5]  }
0x39: {  	_ = 	snop;
	(pc) =	sbr.ind lr, $3  }
0x3a: {  	_ = 	snop  }
0x3b: {  	_ = 	snop  }
0x3c: {  	p2 =	seq.s32 s10, $0x1;
	s10 =	sld [smem:$0x3FB4]  }
0x3d: {  	_ =	shalt  }
0x3e: {  	_ =	shalt  }
0x3f: {  	_ =	shalt  }
0x40: {  	_ =	shalt  }
0x41: {  	_ =	shalt  }
0x42: {  	_ =	shalt  }
0x43: {  	_ =	shalt  }
0x44: {  	_ =	shalt  }
0x45: {  	_ =	shalt  }
0x46: {  	_ =	shalt  }
0x47: {  	_ =	shalt  }
0x48: {  	_ =	shalt  }
0x49: {  	_ =	shalt  }
0x4a: {  	_ =	shalt  }
0x4b: {  	_ =	shalt  }
0x4c: {  	_ =	shalt  }
0x4d: {  	_ =	shalt  }
0x4e: {  	_ =	shalt  }
0x4f: {  	_ =	shalt  }
0x50: {  	_ =	shalt  }
0x51: {  	_ =	shalt  }
0x52: {  	_ =	shalt  }
0x53: {  	_ =	shalt  }
0x54: {  	_ =	shalt  }
0x55: {  	_ =	shalt  }
0x56: {  	_ =	shalt  }
0x57: {  	_ =	shalt  }
0x58: {  	_ =	shalt  }
0x59: {  	_ =	shalt  }
0x5a: {  	_ =	shalt  }
0x5b: {  	_ =	shalt  }
0x5c: {  	_ =	shalt  }
0x5d: {  	_ =	shalt  }
0x5e: {  	_ =	shalt  }
0x5f: {  	_ =	shalt  }
0x60: {  	_ =	shalt  }
0x61: {  	_ =	shalt  }
0x62: {  	_ =	shalt  }
0x63: {  	_ =	shalt  }
0x64: {  	_ =	shalt  }
0x65: {  	_ =	shalt  }
0x66: {  	_ =	shalt  }
0x67: {  	_ =	shalt  }
0x68: {  	_ =	shalt  }
0x69: {  	_ =	shalt  }
0x6a: {  	_ =	shalt  }
0x6b: {  	_ =	shalt  }
0x6c: {  	_ =	shalt  }
0x6d: {  	_ =	shalt  }
0x6e: {  	_ =	shalt  }
0x6f: {  	_ =	shalt  }
0x70: {  	_ =	shalt  }
0x71: {  	_ =	shalt  }
0x72: {  	_ =	shalt  }
0x73: {  	_ =	shalt  }
0x74: {  	_ =	shalt  }
0x75: {  	_ =	shalt  }
0x76: {  	_ =	shalt  }
0x77: {  	_ =	shalt  }
0x78: {  	_ =	shalt  }
0x79: {  	_ =	shalt  }
0x7a: {  	_ =	shalt  }
0x7b: {  	_ =	shalt  }
0x7c: {  	_ =	shalt  }
0x7d: {  	_ =	shalt  }
0x7e: {  	_ =	shalt  }
0x7f: {  	_ =	shalt  }
0x80: {  	_ =	shalt  }
0x81: {  	_ =	shalt  }
0x82: {  	_ =	shalt  }
0x83: {  	_ =	shalt  }
0x84: {  	_ =	shalt  }
0x85: {  	_ =	shalt  }
0x86: {  	_ =	shalt  }
0x87: {  	_ =	shalt  }
.Lfunc_end0:
.L_simem_size_0:
called_computation.2_lowered:
.L_overlay_start_0:
0x88: {  	s2 =	sld [smem:$0x3FD9]  }
0x89: {  	s3 =	sld [smem:$0x3FFE];
	_ =	sdelay $0x1  }
0x8a: {  	s1 =	srdreg.scid  }
0x8b: {  	s0 =	sand.u32 $0x1, s1  }
0x8c: {  	s17 =	sshll.u32 s0, $0xA;
	s2 =	sadd.s32 s3, s2  }
0x8d: {  	s2 =	sadd.s32 s2, s17  }
0x8e: {  	[smem:$0x3FC0] =	sst s2  }
0x8f: {  	_ = 	snop  }
0x90: {  	s2 =	sld [smem:$0x3FD0];
	(tm) =	ssettm $0x1  }
0x91: {  	s18 =	sld [smem:$0x3FFB];
	_ =	sdelay $0x3  }
0x92: {  	_ =	strace s18  }
0x93: {  	s3 =	sld [smem:$0x3FFC];
	_ =	sdelay $0x3  }
0x94: {  	_ =	strace s3  }
0x95: {  	s3 =	sld [smem:$0x3FFD];
	_ =	sdelay $0x3  }
0x96: {  	_ =	strace s3  }
0x97: {  	_ =	strace $0x8FFFFFFF  }
0x98: {  	s19 =	sld [smem:$0x3FDB];
	_ =	sdelay $0x1  }
0x99: {  	s4 =	simm.s32 $_scs_section_size  }
0x9a: {  	s5 =	simm.s32 $_size__tile_overlayer_lowered;
	s6 =	simm.s32 $_tile_overlayer_lowered  }
0x9b: {  	s22 =	simm.s32 $0x1BFF;
	s21 =	sshll.u32 s6, $0x1;
	s3 =	sadd.s32 s4, s19  }
0x9c: {  	s7 =	simm.s32 $0x0;
	s20 =	sshll.u32 s5, $0x1;
	s5 =	sadd.s32 s21, s3  }
0x9d: {  	[timem:s7], [sflag:s22] =	dma.local [hbm:s5], s20  }
0x9e: {  	_ =	swait.ge [sflag:s22], s20  }
0x9f: {  	s4 =	ssub.s32 $0x0, s20;
	[sflag:s22] =	ssyncset.done $0x0  }
0xa0: {  	[sflag:s22] =	ssyncadd.s32 s4;
	_ =	sdelay $0x1  }
0xa1: {  	s23 =	simm.s32 $0x1B8B  }
0xa2: {  	_ =	swait.ge [sflag:s23], $0x1  }
0xa3: {  	[sflag:s23] =	ssyncset.done $0x0  }
0xa4: {  	s25 =	simm.s32 $0x1B8E;
	s24 =	sld [smem:$0x3FFE];
	[sflag:s23] =	ssyncadd.s32 $0xFFFFFFFF  }
0xa5: {  	s26 =	simm.s32 $execute0_lowered;
	[smem:$0x3FD2] =	sst s25  }
0xa6: {  	s5 =	sshll.u32 s26, $0x1;
	_ =	strace $0x8000004C;
	[dreg:$0x1] =	wrdreg $0xFFFFFFFF  }
0xa7: {  	s28 =	simm.s32 $_size_execute0_lowered;
	s3 =	sadd.s32 s3, s5;
	[dreg:$0x0] =	wrdreg $0x0  }
0xa8: {  	s5 =	sshll.u32 s28, $0x1;
	[dreg:$0x2] =	wrdreg s3  }
0xa9: {  	[dreg:$0x3] =	wrdreg s5  }
0xaa: {  	[dreg:$0x4] =	wrdreg $0xC0  }
0xab: {  	_ =	task [dreg:s7], $0x5FFFF  }
0xac: {  	[dreg:$0x1] =	wrdreg $0xFFFFFFFF  }
0xad: {  	[dreg:$0x0] =	wrdreg $0x60  }
0xae: {  	[dreg:$0x2] =	wrdreg s2  }
0xaf: {  	[dreg:$0x3] =	wrdreg s24  }
0xb0: {  	[dreg:$0x4] =	wrdreg $0x78800  }
0xb1: {  	[dreg:$0x5] =	wrdreg $0x9  }
0xb2: {  	_ =	task.clear_ibuf [dreg:s7], $0x6FFFF;
	_ =	strace $0x9000004C  }
0xb3: {  	s29 =	simm.s32 $0x9;
	_ =	strace $0x8000004E  }
0xb4: {  	_ =	swait.ge [sflag:s29], $0x1  }
0xb5: {  	[sflag:s29] =	ssyncadd.s32 $0xFFFFFFFF  }
0xb6: {  	_ =	strace $0x9000004E  }
0xb7: {  	_ =	sfence  }
0xb8: {  	s30 =	sld [smem:$0x0];
	_ =	sdelay $0x2  }
0xb9: {  	s31 =	sshll.u32 s1, $0xD;
	s1 =	sshrl.u32 s1, $0x2  }
0xba: {  	s3 =	sand.u32 $0x4000, s31;
	s1 =	sadd.s32 s1, s30  }
0xbb: {  	s0 =	sor.u32 s3, s0;
	s1 =	sshll.u32 s1, $0x11  }
0xbc: {  	s0 =	sor.u32 s1, s0  }
0xbd: {  	s0 =	sadd.s32 $0x8F2B, s0  }
0xbe: {  	[sflag:s0] =	ssyncadd.remote.s32 $0x1  }
0xbf: {  	_ =	sfence.sel $0xFFFF  }
0xc0: {  	[dreg:$0x0] =	wrdreg $0xFFFFFFFF;
	(pc) =	sbr.abs _section_cstart, $3  }
0xc1: {  	[dreg:$0x1] =	wrdreg $0xFFFFFFFF  }
0xc2: {  	_ =	task.clear_ibuf [dreg:s7], $0x2FFFF;
	_ =	strace $0x9FFFFFFF  }
0xc3: {  	(tm) =	ssettm $0x7FFFFFFF  }
tec
execute0_lowered:
.L_overlay_start_1:
0x0: {  	(tag) =	ssettag $0x1  }
0x1: {  	s1 =	rddreg [dreg:$0x0]  }
0x2: {  	s0 =	srdreg.scid;
	s6 =	rddreg [dreg:$0x1]  }
0x3: {  	s9 =	stileid.u32;
	s3 =	rddreg [dreg:$0x2]  }
0x4: {  	s28 =	simm.s32 $0x4;
	s29 =	simm.s32 $0x1;
	s30 =	simm.s32 $0x5  }
0x5: {  	s31 =	simm.s32 $0x2;
	s0 =	sand.u32 $0x1, s0;
	s7 =	sshll.u32 s9, $0x7  }
0x6: {  	s17 =	smul.u32 $0x14000, s9;
	s2 =	sshll.u32 s0, $0x4;
	s7 =	sand.u32 $0x380, s7  }
0x7: {  	s8 =	smul.u32 $0x140000, s0;
	s0 =	ssub.s32 $0x2, s0;
	s2 =	sor.u32 s9, s2  }
0x8: {  	s9 =	smul.u32 $0x50000, s9;
	s19 =	sshrl.u32 s0, $0x1;
	s4 =	sshrl.u32 s2, $0x3  }
0x9: {  	s0 =	ssub.s32 s0, s19;
	s26 =	sshll.u32 s2, $0xB;
	s5 =	smul.u32 $0x13C00, s4  }
0xa: {  	s15 =	sshll.u32 s2, $0xE;
	s2 =	simm.s32 $0x3;
	s19 =	simm.s32 $0x6  }
0xb: {  	s4 =	simm.s32 $0x0;
	s18 =	sshrl.u32 s9, $0x2;
	s5 =	sor.u32 s7, s5  }
0xc: {  	[smem:$0x7FF] =	sst s4;
	s7 =	sadd.s32 s17, s8;
	s5 =	sshrl.u32 s5, $0x3  }
0xd: {  	_ =	strace $0x8000004D;
	s7 =	sshrl.u32 s7, $0x3;
	s10 =	sadd.s32 s5, s6  }
0xe: {  	s5 =	sadd.s32 $0x2000, s6;
	s7 =	sadd.s32 s7, s6;
	s6 =	sadd.s32 s18, s3  }
0xf: {  	s18 =	smax.u32 s0, $0x1;
	s0 =	simm.s32 $0x0;
	s20 =	sadd.s32 $0x12000, s10  }
0x10: {  	s21 =	sadd.s32 $0x2800, s6;
	s22 =	sadd.s32 $0x5000, s6;
	[dreg:$0x4] =	wrdreg s20  }
0x11: {  	s23 =	sadd.s32 $0x7800, s6;
	s24 =	sadd.s32 $0xA000, s6;
	[dreg:$0x5] =	wrdreg s21  }
0x12: {  	s25 =	sadd.s32 $0xC800, s6;
	s13 =	sadd.s32 $0xF000, s6;
	[dreg:$0x6] =	wrdreg s22  }
0x13: {  	s14 =	sadd.s32 $0x11800, s6;
	s16 =	sadd.s32 s5, s26;
	[dreg:$0x7] =	wrdreg s23  }
0x14: {  	s17 =	sadd.s32 $0x1BE00, s7;
	s26 =	simm.s32 $0x2780;
	[dreg:$0x8] =	wrdreg s24  }
0x15: {  	[dreg:$0x9] =	wrdreg s25;
	s21 =	simm.s32 $0x7;
	s22 =	simm.s32 $0x2880  }
0x16: {  	v0 =	vimm.f32 $0.0e+00;
	s23 =	simm.s32 $0x2800;
	s24 =	simm.s32 $0x50;
	s25 =	simm.s32 $0x5080  }
.LBB2_1:
0x17: {  	s7 =	rddreg [dreg:$0x4];
	s8 =	simm.s32 $0x80;
	s9 =	simm.s32 $0x400  }
0x18: {  	[tilespmem:s4], [sflag:$0x7] =	stream.strided.gather [hbm4b:s7+s8], $0x2780, s9, s8, $0x38;
	[tilespmem:$0x1B880] =	vst v63  }
0x19: {  	_ =	swait.ge [sflag:s21], $0x2780  }
0x1a: {  	[sflag:s21] =	ssyncset.done $0x0  }
0x1b: {  	s20 =	simm.s32 $0x200;
	s7 =	simm.s32 $0x0;
	[sflag:s21] =	ssyncadd.s32 $0xFFFFD880  }
.LBB2_2:
0x1c: {  	p0 =	sne.s32 s20, $0x9E00;
	[tilespmem:s7+$0x28F0] =	vst v0  }
0x1d: {  	[tilespmem:s7+$0x2880] =	vst v0  }
0x1e: {  	[tilespmem:s7+$0x2890] =	vst v0  }
.Ltmp0:
0x1f: {  	[tilespmem:s7+$0x28A0] =	vst v0;
	(pc) =	sbr.rel @p0 .LBB2_2-.Ltmp0, $4  }
0x20: {  	[tilespmem:s7+$0x28B0] =	vst v0  }
0x21: {  	[tilespmem:s7+$0x28C0] =	vst v0  }
0x22: {  	[tilespmem:s7+$0x28D0] =	vst v0  }
0x23: {  	[tilespmem:s7+$0x28E0] =	vst v0;
	s7 =	sshra.s32 s20, $0x2;
	s20 =	sadd.s32 $0x200, s20  }
0x24: {  	[tilespmem:s7+$0x28F0] =	vst v0  }
0x25: {  	[tilespmem:s7+$0x2880] =	vst v0  }
0x26: {  	[tilespmem:s7+$0x2890] =	vst v0  }
0x27: {  	[tilespmem:s7+$0x28A0] =	vst v0  }
0x28: {  	[tilespmem:s7+$0x28B0] =	vst v0  }
0x29: {  	[tilespmem:s7+$0x28C0] =	vst v0  }
0x2a: {  	[tilespmem:s7+$0x28D0] =	vst v0  }
0x2b: {  	[tilespmem:s7+$0x28E0] =	vst v0;
	s7 =	simm.s32 $0x0;
	s20 =	simm.s32 $0x200  }
.LBB2_4:
0x2c: {  	p0 =	sne.s32 s20, $0x9E00;
	[tilespmem:s7+$0x50F0] =	vst v0  }
0x2d: {  	[tilespmem:s7+$0x5080] =	vst v0  }
0x2e: {  	[tilespmem:s7+$0x5090] =	vst v0  }
.Ltmp1:
0x2f: {  	[tilespmem:s7+$0x50A0] =	vst v0;
	(pc) =	sbr.rel @p0 .LBB2_4-.Ltmp1, $4  }
0x30: {  	[tilespmem:s7+$0x50B0] =	vst v0  }
0x31: {  	[tilespmem:s7+$0x50C0] =	vst v0  }
0x32: {  	[tilespmem:s7+$0x50D0] =	vst v0  }
0x33: {  	[tilespmem:s7+$0x50E0] =	vst v0;
	s7 =	sshra.s32 s20, $0x2;
	s20 =	sadd.s32 $0x200, s20  }
0x34: {  	[tilespmem:s7+$0x50F0] =	vst v0  }
0x35: {  	[tilespmem:s7+$0x5080] =	vst v0  }
0x36: {  	[tilespmem:s7+$0x5090] =	vst v0  }
0x37: {  	[tilespmem:s7+$0x50A0] =	vst v0  }
0x38: {  	[tilespmem:s7+$0x50B0] =	vst v0  }
0x39: {  	[tilespmem:s7+$0x50C0] =	vst v0  }
0x3a: {  	[tilespmem:s7+$0x50D0] =	vst v0  }
0x3b: {  	[tilespmem:s7+$0x50E0] =	vst v0  }
0x3c: {  	[spmem:s6] =	stream.linear.scatter [tilespmem:s22], [sflag:$0x7], $0x2800, $0x38;
	[tilespmem:$0x1B880] =	vst v63  }
0x3d: {  	_ =	swait.ge [sflag:s21], $0x2800  }
0x3e: {  	[sflag:s21] =	ssyncset.done $0x0  }
0x3f: {  	s10 =	rddreg [dreg:$0x5];
	[sflag:s21] =	ssyncadd.s32 $0xFFFFD800  }
0x40: {  	[spmem:s10] =	stream.linear.scatter [tilespmem:s22], [sflag:$0x7], $0x2800, $0x38;
	[tilespmem:$0x1B880] =	vst v63  }
0x41: {  	_ =	swait.ge [sflag:s21], $0x2800  }
0x42: {  	[sflag:s21] =	ssyncset.done $0x0  }
0x43: {  	s11 =	rddreg [dreg:$0x6];
	[sflag:s21] =	ssyncadd.s32 $0xFFFFD800  }
0x44: {  	[spmem:s11] =	stream.linear.scatter [tilespmem:s22], [sflag:$0x7], $0x2800, $0x38;
	[tilespmem:$0x1B880] =	vst v63  }
0x45: {  	_ =	swait.ge [sflag:s21], $0x2800  }
0x46: {  	[sflag:s21] =	ssyncset.done $0x0  }
0x47: {  	s12 =	rddreg [dreg:$0x7];
	[sflag:s21] =	ssyncadd.s32 $0xFFFFD800  }
0x48: {  	[spmem:s12] =	stream.linear.scatter [tilespmem:s22], [sflag:$0x7], $0x2800, $0x38;
	[tilespmem:$0x1B880] =	vst v63  }
0x49: {  	_ =	swait.ge [sflag:s21], $0x2800  }
0x4a: {  	[sflag:s21] =	ssyncset.done $0x0  }
0x4b: {  	s20 =	rddreg [dreg:$0x8];
	[sflag:s21] =	ssyncadd.s32 $0xFFFFD800  }
0x4c: {  	[spmem:s20] =	stream.linear.scatter [tilespmem:s22], [sflag:$0x7], $0x2800, $0x38;
	[tilespmem:$0x1B880] =	vst v63  }
0x4d: {  	_ =	swait.ge [sflag:s21], $0x2800  }
0x4e: {  	[sflag:s21] =	ssyncset.done $0x0  }
0x4f: {  	s8 =	rddreg [dreg:$0x9];
	[sflag:s21] =	ssyncadd.s32 $0xFFFFD800  }
0x50: {  	[spmem:s8] =	stream.linear.scatter [tilespmem:s22], [sflag:$0x7], $0x2800, $0x38;
	[tilespmem:$0x1B880] =	vst v63  }
0x51: {  	_ =	swait.ge [sflag:s21], $0x2800  }
0x52: {  	[sflag:s21] =	ssyncset.done $0x0  }
0x53: {  	[sflag:s21] =	ssyncadd.s32 $0xFFFFD800  }
0x54: {  	[spmem:s13] =	stream.linear.scatter [tilespmem:s22], [sflag:$0x7], $0x2800, $0x38;
	[tilespmem:$0x1B880] =	vst v63  }
0x55: {  	_ =	swait.ge [sflag:s21], $0x2800  }
0x56: {  	[sflag:s21] =	ssyncset.done $0x0  }
0x57: {  	[sflag:s21] =	ssyncadd.s32 $0xFFFFD800  }
0x58: {  	[spmem:s14] =	stream.linear.scatter [tilespmem:s22], [sflag:$0x7], $0x2800, $0x38;
	[tilespmem:$0x1B880] =	vst v63  }
0x59: {  	_ =	swait.ge [sflag:s21], $0x2800  }
0x5a: {  	[sflag:s21] =	ssyncset.done $0x0  }
0x5b: {  	[sflag:s21] =	ssyncadd.s32 $0xFFFFD800  }
0x5c: {  	s9 =	simm.s32 $0x0;
	[bflag:$0x0] =	sbarrier.arrive $0xFFFF  }
0x5d: {  	[tilespmem:s23], [sflag:$0x7] =	stream.linear.gather [hbm4b:s16+s9], $0x80, $0x38;
	[tilespmem:$0x1B880] =	vst v63  }
0x5e: {  	_ =	swait.ge [sflag:s21], $0x80  }
0x5f: {  	[sflag:s21] =	ssyncset.done $0x0  }
0x60: {  	s20 =	simm.s32 $0x0;
	s8 =	simm.s32 $0x80;
	[sflag:s21] =	ssyncadd.s32 $0xFFFFFF80  }
0x61: {  	[spmem:s3] =	stream.indirect.scatter.add.f32 [tilespmem:s25], [sflag:$0x4], $0x80, s23, s24, $0xb8;
	[tilespmem:$0x1B880] =	vst v63  }
0x62: {  	s20 =	sand.u32 $0x3C00, s20;
	s8 =	sand.u32 $0x380, s8  }
0x63: {  	[tilespmem:s26], [sflag:$0x5] =	stream.linear.gather [hbm4b:s16+s9], $0x80, $0x38;
	[tilespmem:$0x1B880] =	vst v63  }
0x64: {  	s8 =	sor.u32 s8, s20  }
0x65: {  	[tilespmem:s22], [sflag:$0x1] =	stream.indirect.gather [hbm4b:s1+s24], $0x80, s9, s24, $0xb8;
	[tilespmem:$0x1B880] =	vst v63  }
0x66: {  	s10 =	sor.u32 s15, s8;
	_ =	swait.ge [sflag:s28], $0x2800  }
0x67: {  	s7 =	sshrl.u32 s10, $0x3;
	[sflag:s28] =	ssyncset.done $0x0  }
0x68: {  	s7 =	sadd.s32 s5, s7;
	[sflag:s28] =	ssyncadd.s32 $0xFFFFD800  }
0x69: {  	[tilespmem:s23], [sflag:$0x6] =	stream.linear.gather [hbm4b:s7+s4], $0x80, $0x38;
	[tilespmem:$0x1B880] =	vst v63  }
0x6a: {  	_ =	swait.ge [sflag:s29], $0x2800  }
0x6b: {  	[sflag:s29] =	ssyncset.done $0x0  }
0x6c: {  	[sflag:s29] =	ssyncadd.s32 $0xFFFFD800  }
0x6d: {  	_ =	swait.ge [sflag:s30], $0x80  }
0x6e: {  	[sflag:s30] =	ssyncset.done $0x0  }
0x6f: {  	[sflag:s30] =	ssyncadd.s32 $0xFFFFFF80  }
0x70: {  	[spmem:s3] =	stream.indirect.scatter.add.f32 [tilespmem:s22], [sflag:$0x3], $0x80, s26, s24, $0xb8;
	[tilespmem:$0x1B880] =	vst v63  }
0x71: {  	s11 =	simm.s32 $0x50  }
0x72: {  	[tilespmem:s25], [sflag:$0x2] =	stream.indirect.gather [hbm4b:s1+s24], $0x80, s11, s24, $0xb8;
	[tilespmem:$0x1B880] =	vst v63  }
0x73: {  	s12 =	simm.s32 $0x100;
	_ =	swait.ge [sflag:s31], $0x2800  }
0x74: {  	s20 =	sand.u32 $0x7C00, s12;
	[sflag:s31] =	ssyncset.done $0x0  }
0x75: {  	s8 =	sadd.s32 s15, s20;
	s7 =	sand.u32 $0x300, s12;
	[sflag:s31] =	ssyncadd.s32 $0xFFFFD800  }
0x76: {  	s7 =	sor.u32 s7, s8;
	_ =	swait.ge [sflag:s2], $0x2800  }
0x77: {  	s7 =	sshrl.u32 s7, $0x3;
	[sflag:s2] =	ssyncset.done $0x0  }
0x78: {  	s7 =	sadd.s32 s5, s7;
	[sflag:s2] =	ssyncadd.s32 $0xFFFFD800  }
0x79: {  	[tilespmem:s26], [sflag:$0x5] =	stream.linear.gather [hbm4b:s7+s4], $0x80, $0x38;
	[tilespmem:$0x1B880] =	vst v63  }
0x7a: {  	s20 =	simm.s32 $0x200;
	s8 =	simm.s32 $0x300;
	s7 =	simm.s32 $0xA0  }
.LBB2_6:
0x7b: {  	s9 =	sadd.s32 $0xFFFFFF80, s20  }
0x7c: {  	s10 =	sadd.s32 $0xFFFFFF00, s20;
	_ =	swait.ge [sflag:s19], $0x80;
	s11 =	smov.u32 s8  }
0x7d: {  	s9 =	sand.u32 $0x380, s9;
	s10 =	sand.u32 $0x3C00, s10;
	[sflag:s19] =	ssyncset.done $0x0  }
0x7e: {  	s12 =	sadd.s32 $0x100, s8;
	s9 =	sor.u32 s9, s10;
	[sflag:s19] =	ssyncadd.s32 $0xFFFFFF80  }
0x7f: {  	[spmem:s3] =	stream.indirect.scatter.add.f32 [tilespmem:s25], [sflag:$0x4], $0x80, s23, s24, $0xb8;
	[tilespmem:$0x1B880] =	vst v63  }
0x80: {  	p0 =	sne.s32 s8, $0x3E00;
	s8 =	sor.u32 s15, s9  }
0x81: {  	[tilespmem:s22], [sflag:$0x1] =	stream.indirect.gather [hbm4b:s1+s24], $0x80, s7, s24, $0xb8;
	[tilespmem:$0x1B880] =	vst v63  }
0x82: {  	s8 =	sshrl.u32 s8, $0x3;
	_ =	swait.ge [sflag:s28], $0x2800  }
0x83: {  	[sflag:s28] =	ssyncset.done $0x0  }
0x84: {  	s8 =	sadd.s32 s5, s8;
	[sflag:s28] =	ssyncadd.s32 $0xFFFFD800  }
0x85: {  	[tilespmem:s23], [sflag:$0x6] =	stream.linear.gather [hbm4b:s8+s4], $0x80, $0x38;
	[tilespmem:$0x1B880] =	vst v63  }
0x86: {  	_ =	swait.ge [sflag:s29], $0x2800  }
0x87: {  	[sflag:s29] =	ssyncset.done $0x0  }
0x88: {  	[sflag:s29] =	ssyncadd.s32 $0xFFFFD800  }
0x89: {  	_ =	swait.ge [sflag:s30], $0x80  }
0x8a: {  	[sflag:s30] =	ssyncset.done $0x0  }
0x8b: {  	[sflag:s30] =	ssyncadd.s32 $0xFFFFFF80  }
0x8c: {  	[spmem:s3] =	stream.indirect.scatter.add.f32 [tilespmem:s22], [sflag:$0x3], $0x80, s26, s24, $0xb8;
	[tilespmem:$0x1B880] =	vst v63  }
0x8d: {  	s8 =	sadd.s32 $0x50, s7  }
0x8e: {  	[tilespmem:s25], [sflag:$0x2] =	stream.indirect.gather [hbm4b:s1+s24], $0x80, s8, s24, $0xb8;
	[tilespmem:$0x1B880] =	vst v63  }
0x8f: {  	_ =	swait.ge [sflag:s31], $0x2800  }
0x90: {  	s9 =	sand.u32 $0x300, s20;
	s8 =	sand.u32 $0x7C00, s20;
	[sflag:s31] =	ssyncset.done $0x0  }
0x91: {  	s20 =	smov.u32 s11;
	s8 =	sadd.s32 s15, s8;
	[sflag:s31] =	ssyncadd.s32 $0xFFFFD800  }
.Ltmp2:
0x92: {  	s8 =	sor.u32 s9, s8;
	_ =	swait.ge [sflag:s2], $0x2800;
	(pc) =	sbr.rel @p0 .LBB2_6-.Ltmp2, $4  }
0x93: {  	s8 =	sshrl.u32 s8, $0x3;
	[sflag:s2] =	ssyncset.done $0x0  }
0x94: {  	s7 =	sadd.s32 $0xA0, s7;
	s8 =	sadd.s32 s5, s8;
	[sflag:s2] =	ssyncadd.s32 $0xFFFFD800  }
0x95: {  	[tilespmem:s26], [sflag:$0x5] =	stream.linear.gather [hbm4b:s8+s4], $0x80, $0x38;
	[tilespmem:$0x1B880] =	vst v63  }
0x96: {  	s8 =	smov.u32 s12  }
0x97: {  	_ =	swait.ge [sflag:s19], $0x80  }
0x98: {  	s8 =	sadd.s32 $0xFFFFFF80, s20;
	s9 =	sadd.s32 $0xFFFFFF00, s20;
	[sflag:s19] =	ssyncset.done $0x0  }
0x99: {  	s8 =	sand.u32 $0x380, s8;
	s9 =	sand.u32 $0x3C00, s9;
	[sflag:s19] =	ssyncadd.s32 $0xFFFFFF80  }
0x9a: {  	[spmem:s3] =	stream.indirect.scatter.add.f32 [tilespmem:s25], [sflag:$0x4], $0x80, s23, s24, $0xb8;
	[tilespmem:$0x1B880] =	vst v63  }
0x9b: {  	s8 =	sor.u32 s8, s9  }
0x9c: {  	[tilespmem:s22], [sflag:$0x1] =	stream.indirect.gather [hbm4b:s1+s24], $0x80, s7, s24, $0xb8;
	[tilespmem:$0x1B880] =	vst v63  }
0x9d: {  	s8 =	sor.u32 s15, s8;
	_ =	swait.ge [sflag:s28], $0x2800  }
0x9e: {  	s8 =	sshrl.u32 s8, $0x3;
	[sflag:s28] =	ssyncset.done $0x0  }
0x9f: {  	s8 =	sadd.s32 s5, s8;
	[sflag:s28] =	ssyncadd.s32 $0xFFFFD800  }
0xa0: {  	[tilespmem:s23], [sflag:$0x6] =	stream.linear.gather [hbm4b:s8+s4], $0x80, $0x38;
	[tilespmem:$0x1B880] =	vst v63  }
0xa1: {  	_ =	swait.ge [sflag:s29], $0x2800  }
0xa2: {  	[sflag:s29] =	ssyncset.done $0x0  }
0xa3: {  	[sflag:s29] =	ssyncadd.s32 $0xFFFFD800  }
0xa4: {  	_ =	swait.ge [sflag:s30], $0x80  }
0xa5: {  	[sflag:s30] =	ssyncset.done $0x0  }
0xa6: {  	[sflag:s30] =	ssyncadd.s32 $0xFFFFFF80  }
0xa7: {  	[spmem:s3] =	stream.indirect.scatter.add.f32 [tilespmem:s22], [sflag:$0x3], $0x80, s26, s24, $0xb8;
	[tilespmem:$0x1B880] =	vst v63  }
0xa8: {  	s8 =	sadd.s32 $0x50, s7  }
0xa9: {  	[tilespmem:s25], [sflag:$0x2] =	stream.indirect.gather [hbm4b:s1+s24], $0x80, s8, s24, $0xb8;
	[tilespmem:$0x1B880] =	vst v63  }
0xaa: {  	_ =	swait.ge [sflag:s31], $0x2800  }
0xab: {  	s9 =	sand.u32 $0x7C00, s20;
	[sflag:s31] =	ssyncset.done $0x0  }
0xac: {  	s10 =	sand.u32 $0x300, s20;
	s7 =	sadd.s32 s15, s9;
	[sflag:s31] =	ssyncadd.s32 $0xFFFFD800  }
0xad: {  	s7 =	sor.u32 s10, s7;
	_ =	swait.ge [sflag:s2], $0x2800  }
0xae: {  	s7 =	sshrl.u32 s7, $0x3;
	[sflag:s2] =	ssyncset.done $0x0  }
0xaf: {  	s7 =	sadd.s32 s5, s7;
	[sflag:s2] =	ssyncadd.s32 $0xFFFFD800  }
0xb0: {  	[tilespmem:s26], [sflag:$0x5] =	stream.linear.gather [hbm4b:s7+s4], $0x80, $0x38;
	[tilespmem:$0x1B880] =	vst v63  }
0xb1: {  	_ =	swait.ge [sflag:s19], $0x80  }
0xb2: {  	[sflag:s19] =	ssyncset.done $0x0  }
0xb3: {  	[sflag:s19] =	ssyncadd.s32 $0xFFFFFF80  }
0xb4: {  	[spmem:s3] =	stream.indirect.scatter.add.f32 [tilespmem:s25], [sflag:$0x4], $0x80, s23, s24, $0xb8;
	[tilespmem:$0x1B880] =	vst v63  }
0xb5: {  	s11 =	simm.s32 $0x26C0  }
0xb6: {  	[tilespmem:s22], [sflag:$0x1] =	stream.indirect.gather [hbm4b:s1+s24], $0x80, s11, s24, $0xb8;
	[tilespmem:$0x1B880] =	vst v63  }
0xb7: {  	_ =	swait.ge [sflag:s28], $0x2800  }
0xb8: {  	[sflag:s28] =	ssyncset.done $0x0  }
0xb9: {  	[sflag:s28] =	ssyncadd.s32 $0xFFFFD800  }
0xba: {  	_ =	swait.ge [sflag:s29], $0x2800  }
0xbb: {  	[sflag:s29] =	ssyncset.done $0x0  }
0xbc: {  	[sflag:s29] =	ssyncadd.s32 $0xFFFFD800  }
0xbd: {  	_ =	swait.ge [sflag:s30], $0x80  }
0xbe: {  	[sflag:s30] =	ssyncset.done $0x0  }
0xbf: {  	[sflag:s30] =	ssyncadd.s32 $0xFFFFFF80  }
0xc0: {  	[spmem:s3] =	stream.indirect.scatter.add.f32 [tilespmem:s22], [sflag:$0x3], $0x80, s26, s24, $0xb8;
	[tilespmem:$0x1B880] =	vst v63  }
0xc1: {  	s0 =	sadd.s32 $0x1, s0;
	_ =	swait.ge [sflag:s2], $0x2800  }
0xc2: {  	s12 =	stileid.u32;
	p0 =	sne.s32 s0, s18;
	[sflag:s2] =	ssyncset.done $0x0  }
0xc3: {  	s20 =	sshrl.u32 s6, $0x3;
	s7 =	sshll.u32 s12, $0x6;
	[sflag:s2] =	ssyncadd.s32 $0xFFFFD800  }
.Ltmp3:
0xc4: {  	s7 =	sor.u32 $0x1C07, s7;
	[bflag:$0x0] =	sbarrier.arrive $0xFFFF;
	(pc) =	sbr.rel @p0 .LBB2_1-.Ltmp3, $4  }
0xc5: {  	[hbm:s17], [sflag:s7] =	dma.local [spmem:s20], $0x2800  }
0xc6: {  	_ =	swait.ge [sflag:s21], $0x2800  }
0xc7: {  	[sflag:s21] =	ssyncset.done $0x0  }
0xc8: {  	[sflag:s21] =	ssyncadd.s32 $0xFFFFD800  }
0xc9: {  	_ =	sfence.sel $0x180000  }
0xca: {  	[bflag:$0x0] =	sbarrier.arrive $0xFFFF  }
0xcb: {  	_ =	strace $0x9000004D  }
0xcc: {  	s0 =	stileid.u32;
	[bflag:$0x2] =	sbarrier.arrive $0xFFFF  }
0xcd: {  	p0 =	sne.s32 s0, $0x0;
	s0 =	rddreg [dreg:$0x3]  }
0xce: {  	s0 =	sadd.s32 @!p0 $0x100000, s0  }
0xcf: {  	[sflag:s0] =	ssyncadd.tile.s32 @!p0 $0x1;
	_ =	shalt  }
.Lfunc_end2:
_tile_overlayer_lowered:
.L_overlay_start_2:
0xd0: {  	(tag) =	ssettag $0x2  }
0xd1: {  	s0 =	rddreg [dreg:$0x0];
	s2 =	stileid.u32  }
0xd2: {  	s1 =	rddreg [dreg:$0x1];
	p0 =	sne.s32 s2, $0x0  }
0xd3: {  	s3 =	rddreg [dreg:$0x2];
	[bflag:$0x3] =	sbarrier.arrive $0xFFFF;
	s2 =	simm.s32 @!p0 $0x1C07  }
0xd4: {  	[timem:s3], [sflag:s2] =	dma.local @!p0 [hbm:s0], s1  }
0xd5: {  	s0 =	simm.s32 @!p0 $0x7  }
0xd6: {  	_ =	swait.ge @!p0 [sflag:s0], s1  }
0xd7: {  	s1 =	ssub.s32 @!p0 $0x0, s1;
	[sflag:s0] =	ssyncset.done @!p0 $0x0  }
0xd8: {  	[sflag:s0] =	ssyncadd.s32 @!p0 s1  }
0xd9: {  	[bflag:$0x3] =	sbarrier.arrive $0xFFFF  }
0xda: {  	_ =	shalt  }

// kernel: kernel.7.cloned.1.call-start
scs
__scs_entry_jumppad:
0x0: {  	(pc) =	sbr.rel $0x88, $3  }
0x1: {  	(tag) =	ssettag $0x0;
	lr =	simm.s32 $0x1  }
0x2: {  	[smem:$0x3F99] =	sst lr;
	_ =	strace $0xD0000000  }
0x3: {  	_ = 	snop  }
0x4: {  	_ = 	snop  }
0x5: {  	_ = 	snop  }
0x6: {  	_ = 	snop  }
0x7: {  	_ = 	snop  }
__scs_overlays_trampoline_lowered:
0x8: {  	[smem:$0x3FA8] =	sst s0  }
0x9: {  	[smem:$0x3FA9] =	sst s1  }
0xa: {  	[smem:$0x3FAA] =	sst s2  }
0xb: {  	[smem:$0x3FAB] =	sst s3  }
0xc: {  	[smem:$0x3FAC] =	sst s4  }
0xd: {  	[smem:$0x3FAD] =	sst s5  }
0xe: {  	[smem:$0x3FAE] =	sst s6  }
0xf: {  	[smem:$0x3FAF] =	sst s7  }
0x10: {  	[smem:$0x3FB0] =	sst s8  }
0x11: {  	[smem:$0x3FB1] =	sst s9;
	s0 =	simm.s32 @!p0 $0x0  }
0x12: {  	s1 =	sld [smem:$0x3F97];
	s0 =	simm.s32 @p0 $0x1  }
0x13: {  	[smem:$0x3FB2] =	sst s0;
	s0 =	simm.s32 @!p1 $0x0  }
0x14: {  	s2 =	sld [smem:$0x3F96];
	s0 =	simm.s32 @p1 $0x1  }
0x15: {  	[smem:$0x3FB3] =	sst s0;
	s0 =	simm.s32 @!p2 $0x0  }
0x16: {  	s3 =	sld [smem:$0x3FDB];
	s0 =	simm.s32 @p2 $0x1  }
0x17: {  	s4 =	simm.s32 $0x1BF5;
	[smem:$0x3FB5] =	sst s0  }
0x18: {  	s0 =	sld [smem:$0x3F98];
	_ =	swait.ge [sflag:s4], $0x0  }
0x19: {  	s7 =	sld [smem:$0x3F99]  }
0x1a: {  	s8 =	sadd.s32 $0xFFFFE003, lr  }
0x1b: {  	s9 =	sadd.s32 $0xFFFFFEF7, lr;
	s5 =	simm.s32 $0xFFFFFFFF;
	p2 =	slt.u32 s8, $0xFFFFF086  }
0x1c: {  	p1 =	slt.u32 s9, $0xF7A;
	s5 =	simm.s32 @!p2 $0x0  }
0x1d: {  	s5 =	simm.s32 @p1 $0x1;
	p0 =	seq.s32 s7, s2  }
0x1e: {  	s7 =	smul.u32 @!p0 $0xF7A, s2;
	p2 =	seq.s32 @!p0 s5, $0x0  }
0x1f: {  	s9 =	smul.u32 $0xF7A, s1;
	s8 =	simm.s32 @!p0 $0x1BF5;
	p2 =	por !p2, p0  }
0x20: {  	[sflag:s8] =	ssyncset.s32 @!p0 $0xFFFFF086;
	s6 =	sadd.s32 @!p0 s3, s7;
	s7 =	simm.s32 @!p0 $0x108  }
0x21: {  	s3 =	sadd.s32 s3, s9;
	s6 =	sadd.s32 @!p0 $0x88, s6;
	s7 =	simm.s32 @p2 $0x1082  }
0x22: {  	[simem:s7], [sflag:s8] =	dma.local @!p0 [hbm:s6], $0xF7A  }
0x23: {  	s9 =	sor.u32 $0xD0000000, s2;
	s6 =	simm.s32 $0x108;
	_ =	swait.ge @!p0 [sflag:s8], $0x0  }
0x24: {  	s3 =	sadd.s32 $0x88, s3;
	s6 =	simm.s32 @!p1 $0x1082;
	[sflag:s4] =	ssyncset.s32 $0xFFFFF086  }
0x25: {  	[simem:s6], [sflag:s4] =	dma.local [hbm:s3], $0xF7A  }
0x26: {  	[smem:$0x3F99] =	sst s1;
	(tag) =	ssettag s2;
	_ =	strace s9  }
0x27: {  	s1 =	sld [smem:$0x3FA9]  }
0x28: {  	s2 =	sld [smem:$0x3FAA]  }
0x29: {  	s4 =	sld [smem:$0x3FAC]  }
0x2a: {  	p0 =	seq.s32 s5, $0x0;
	s5 =	sld [smem:$0x3FAD]  }
0x2b: {  	s6 =	sld [smem:$0x3FAE]  }
0x2c: {  	s7 =	sld [smem:$0x3FAF]  }
0x2d: {  	s3 =	simm.s32 $0x108;
	s8 =	sld [smem:$0x3FB0]  }
0x2e: {  	s3 =	simm.s32 @!p0 $0x1082;
	s9 =	sld [smem:$0x3FB1]  }
0x2f: {  	lr =	sadd.s32 s0, s3;
	s0 =	sld [smem:$0x3FA8]  }
0x30: {  	s3 =	sld [smem:$0x3FAB]  }
0x31: {  	[smem:$0x3FB4] =	sst s10  }
0x32: {  	s10 =	sld [smem:$0x3FB2];
	_ =	sdelay $0x3  }
0x33: {  	p0 =	seq.s32 s10, $0x1;
	s10 =	sld [smem:$0x3FB4];
	_ =	sdelay $0x3  }
0x34: {  	[smem:$0x3FB4] =	sst s10  }
0x35: {  	s10 =	sld [smem:$0x3FB3];
	_ =	sdelay $0x3  }
0x36: {  	p1 =	seq.s32 s10, $0x1;
	s10 =	sld [smem:$0x3FB4];
	_ =	sdelay $0x3  }
0x37: {  	[smem:$0x3FB4] =	sst s10  }
0x38: {  	s10 =	sld [smem:$0x3FB5]  }
0x39: {  	_ = 	snop;
	(pc) =	sbr.ind lr, $3  }
0x3a: {  	_ = 	snop  }
0x3b: {  	_ = 	snop  }
0x3c: {  	p2 =	seq.s32 s10, $0x1;
	s10 =	sld [smem:$0x3FB4]  }
0x3d: {  	_ =	shalt  }
0x3e: {  	_ =	shalt  }
0x3f: {  	_ =	shalt  }
0x40: {  	_ =	shalt  }
0x41: {  	_ =	shalt  }
0x42: {  	_ =	shalt  }
0x43: {  	_ =	shalt  }
0x44: {  	_ =	shalt  }
0x45: {  	_ =	shalt  }
0x46: {  	_ =	shalt  }
0x47: {  	_ =	shalt  }
0x48: {  	_ =	shalt  }
0x49: {  	_ =	shalt  }
0x4a: {  	_ =	shalt  }
0x4b: {  	_ =	shalt  }
0x4c: {  	_ =	shalt  }
0x4d: {  	_ =	shalt  }
0x4e: {  	_ =	shalt  }
0x4f: {  	_ =	shalt  }
0x50: {  	_ =	shalt  }
0x51: {  	_ =	shalt  }
0x52: {  	_ =	shalt  }
0x53: {  	_ =	shalt  }
0x54: {  	_ =	shalt  }
0x55: {  	_ =	shalt  }
0x56: {  	_ =	shalt  }
0x57: {  	_ =	shalt  }
0x58: {  	_ =	shalt  }
0x59: {  	_ =	shalt  }
0x5a: {  	_ =	shalt  }
0x5b: {  	_ =	shalt  }
0x5c: {  	_ =	shalt  }
0x5d: {  	_ =	shalt  }
0x5e: {  	_ =	shalt  }
0x5f: {  	_ =	shalt  }
0x60: {  	_ =	shalt  }
0x61: {  	_ =	shalt  }
0x62: {  	_ =	shalt  }
0x63: {  	_ =	shalt  }
0x64: {  	_ =	shalt  }
0x65: {  	_ =	shalt  }
0x66: {  	_ =	shalt  }
0x67: {  	_ =	shalt  }
0x68: {  	_ =	shalt  }
0x69: {  	_ =	shalt  }
0x6a: {  	_ =	shalt  }
0x6b: {  	_ =	shalt  }
0x6c: {  	_ =	shalt  }
0x6d: {  	_ =	shalt  }
0x6e: {  	_ =	shalt  }
0x6f: {  	_ =	shalt  }
0x70: {  	_ =	shalt  }
0x71: {  	_ =	shalt  }
0x72: {  	_ =	shalt  }
0x73: {  	_ =	shalt  }
0x74: {  	_ =	shalt  }
0x75: {  	_ =	shalt  }
0x76: {  	_ =	shalt  }
0x77: {  	_ =	shalt  }
0x78: {  	_ =	shalt  }
0x79: {  	_ =	shalt  }
0x7a: {  	_ =	shalt  }
0x7b: {  	_ =	shalt  }
0x7c: {  	_ =	shalt  }
0x7d: {  	_ =	shalt  }
0x7e: {  	_ =	shalt  }
0x7f: {  	_ =	shalt  }
0x80: {  	_ =	shalt  }
0x81: {  	_ =	shalt  }
0x82: {  	_ =	shalt  }
0x83: {  	_ =	shalt  }
0x84: {  	_ =	shalt  }
0x85: {  	_ =	shalt  }
0x86: {  	_ =	shalt  }
0x87: {  	_ =	shalt  }
.Lfunc_end0:
.L_simem_size_0:
called_computation_lowered:
.L_overlay_start_0:
0x88: {  	s2 =	sld [smem:$0x3FD9]  }
0x89: {  	s3 =	sld [smem:$0x3FFE];
	_ =	sdelay $0x1  }
0x8a: {  	s1 =	srdreg.scid  }
0x8b: {  	s0 =	sand.u32 $0x1, s1  }
0x8c: {  	s17 =	sshll.u32 s0, $0xA;
	s2 =	sadd.s32 s3, s2  }
0x8d: {  	s2 =	sadd.s32 s2, s17  }
0x8e: {  	[smem:$0x3FC0] =	sst s2  }
0x8f: {  	_ = 	snop  }
0x90: {  	(tm) =	ssettm $0x1  }
0x91: {  	s18 =	sld [smem:$0x3FFB];
	_ =	sdelay $0x3  }
0x92: {  	_ =	strace s18  }
0x93: {  	s2 =	sld [smem:$0x3FFC];
	_ =	sdelay $0x3  }
0x94: {  	_ =	strace s2  }
0x95: {  	s2 =	sld [smem:$0x3FFD];
	_ =	sdelay $0x3  }
0x96: {  	_ =	strace s2  }
0x97: {  	_ =	strace $0x8FFFFFFF  }
0x98: {  	s19 =	sld [smem:$0x3FDB];
	_ =	sdelay $0x1  }
0x99: {  	s20 =	simm.s32 $_scs_section_size  }
0x9a: {  	s4 =	simm.s32 $_size__tile_overlayer_lowered;
	s5 =	simm.s32 $_tile_overlayer_lowered  }
0x9b: {  	s6 =	simm.s32 $0x1BFF;
	s21 =	sshll.u32 s5, $0x1;
	s3 =	sadd.s32 s20, s19  }
0x9c: {  	s22 =	simm.s32 $0x0;
	s4 =	sshll.u32 s4, $0x1;
	s5 =	sadd.s32 s21, s3  }
0x9d: {  	[timem:s22], [sflag:s6] =	dma.local [hbm:s5], s4  }
0x9e: {  	_ =	swait.ge [sflag:s6], s4  }
0x9f: {  	s4 =	ssub.s32 $0x0, s4;
	[sflag:s6] =	ssyncset.done $0x0  }
0xa0: {  	[sflag:s6] =	ssyncadd.s32 s4;
	_ =	sdelay $0x1  }
0xa1: {  	s23 =	simm.s32 $0x1B8B  }
0xa2: {  	_ =	swait.ge [sflag:s23], $0x1  }
0xa3: {  	[sflag:s23] =	ssyncset.done $0x0  }
0xa4: {  	[sflag:s23] =	ssyncadd.s32 $0xFFFFFFFF  }
0xa5: {  	s4 =	sld [smem:$0x0]  }
0xa6: {  	s5 =	sand.u32 $0xFFFFFFFE, s1  }
0xa7: {  	p0 =	sne.s32 s1, s5  }
0xa8: {  	s5 =	sshll.u32 @p0 s5, $0xE  }
0xa9: {  	s5 =	sadd.s32 @p0 $0x11B8D, s5;
	s6 =	sshll.u32 @p0 s4, $0x11  }
0xaa: {  	s5 =	sor.u32 @p0 s6, s5  }
0xab: {  	[sflag:s5] =	ssyncadd.remote.s32 @p0 $0x1;
	_ =	sdelay $0x1  }
0xac: {  	s5 =	simm.s32 @p0 $0x1B8D  }
0xad: {  	_ =	swait.eq @p0 [sflag:s5], $0x1  }
0xae: {  	[sflag:s5] =	ssyncadd.s32 @p0 $0xFFFFFFFF  }
0xaf: {  	s6 =	sshll.u32 @!p0 s1, $0xE  }
0xb0: {  	s6 =	sor.u32 @!p0 $0x4000, s6;
	s5 =	simm.s32 @!p0 $0x1B8D  }
0xb1: {  	s4 =	sshll.u32 @!p0 s4, $0x11;
	s6 =	sadd.s32 @!p0 $0x11B8D, s6;
	_ =	swait.eq @!p0 [sflag:s5], $0x1  }
0xb2: {  	s4 =	sor.u32 @!p0 s4, s6;
	[sflag:s5] =	ssyncadd.s32 @!p0 $0xFFFFFFFF  }
0xb3: {  	s25 =	simm.s32 $0x1B8E;
	s24 =	sld [smem:$0x3FFE];
	[sflag:s4] =	ssyncadd.remote.s32 @!p0 $0x1  }
0xb4: {  	s26 =	simm.s32 $execute0_lowered;
	[smem:$0x3FD2] =	sst s25  }
0xb5: {  	s5 =	sshll.u32 s26, $0x1;
	_ =	strace $0x80000049;
	[dreg:$0x1] =	wrdreg $0xFFFFFFFF  }
0xb6: {  	s28 =	simm.s32 $_size_execute0_lowered;
	s3 =	sadd.s32 s3, s5;
	[dreg:$0x0] =	wrdreg $0x0  }
0xb7: {  	s5 =	sshll.u32 s28, $0x1;
	[dreg:$0x2] =	wrdreg s3  }
0xb8: {  	[dreg:$0x3] =	wrdreg s5  }
0xb9: {  	[dreg:$0x4] =	wrdreg $0xC0  }
0xba: {  	_ =	task [dreg:s22], $0x5FFFF  }
0xbb: {  	[dreg:$0x1] =	wrdreg $0xFFFFFFFF  }
0xbc: {  	[dreg:$0x0] =	wrdreg $0x60  }
0xbd: {  	[dreg:$0x2] =	wrdreg s24  }
0xbe: {  	[dreg:$0x3] =	wrdreg $0x90000  }
0xbf: {  	[dreg:$0x4] =	wrdreg $0x9  }
0xc0: {  	_ =	task.clear_ibuf [dreg:s22], $0x5FFFF;
	_ =	strace $0x90000049  }
0xc1: {  	s29 =	simm.s32 $0x9;
	_ =	strace $0x8000004B  }
0xc2: {  	_ =	swait.ge [sflag:s29], $0x1  }
0xc3: {  	[sflag:s29] =	ssyncadd.s32 $0xFFFFFFFF  }
0xc4: {  	_ =	strace $0x9000004B  }
0xc5: {  	_ =	sfence  }
0xc6: {  	s30 =	sld [smem:$0x0];
	_ =	sdelay $0x2  }
0xc7: {  	s31 =	sshll.u32 s1, $0xD;
	s1 =	sshrl.u32 s1, $0x2  }
0xc8: {  	s4 =	sand.u32 $0x4000, s31;
	s1 =	sadd.s32 s1, s30  }
0xc9: {  	s0 =	sor.u32 s4, s0;
	s1 =	sshll.u32 s1, $0x11  }
0xca: {  	s0 =	sor.u32 s1, s0  }
0xcb: {  	s0 =	sadd.s32 $0x8F2B, s0  }
0xcc: {  	[sflag:s0] =	ssyncadd.remote.s32 $0x1  }
0xcd: {  	_ =	sfence.sel $0xFFFF  }
0xce: {  	[dreg:$0x0] =	wrdreg $0xFFFFFFFF;
	(pc) =	sbr.abs _section_cstart, $3  }
0xcf: {  	[dreg:$0x1] =	wrdreg $0xFFFFFFFF  }
0xd0: {  	_ =	task.clear_ibuf [dreg:s22], $0x2FFFF;
	_ =	strace $0x9FFFFFFF  }
0xd1: {  	(tm) =	ssettm $0x7FFFFFFF  }
tec
execute0_lowered:
.L_overlay_start_1:
0x0: {  	(tag) =	ssettag $0x1  }
0x1: {  	s4 =	rddreg [dreg:$0x0];
	s0 =	srdreg.scid  }
0x2: {  	s2 =	rddreg [dreg:$0x1];
	s1 =	stileid.u32  }
0x3: {  	s3 =	simm.s32 $0x0;
	s15 =	simm.s32 $0x3;
	s16 =	simm.s32 $0x6800  }
0x4: {  	s17 =	simm.s32 $0x50;
	s18 =	simm.s32 $0x4000;
	s19 =	simm.s32 $0x80  }
0x5: {  	s20 =	simm.s32 $0x1;
	s21 =	simm.s32 $0x2;
	s22 =	simm.s32 $0x3E00  }
0x6: {  	s5 =	sand.u32 $0x1, s0;
	s0 =	rddreg [dreg:$0x2];
	s7 =	smul.u32 $0x14000, s1  }
0x7: {  	s23 =	simm.s32 $0x0;
	[smem:$0x7FF] =	sst s3;
	s28 =	smul.u32 $0x50000, s1  }
0x8: {  	s8 =	sshll.u32 s1, $0xB;
	s6 =	smul.u32 $0x140000, s5;
	_ =	strace $0x8000004A  }
0x9: {  	s26 =	sadd.s32 s8, s4;
	s29 =	ssub.s32 $0x2, s5;
	s5 =	sshll.u32 s5, $0xF  }
0xa: {  	s30 =	sshrl.u32 s29, $0x1;
	s5 =	sadd.s32 s5, s26;
	s6 =	sadd.s32 s7, s6  }
0xb: {  	s31 =	sshrl.u32 s28, $0x2;
	s14 =	ssub.s32 s29, s30;
	s6 =	sshrl.u32 s6, $0x3  }
0xc: {  	s13 =	sadd.s32 s6, s4;
	s4 =	sadd.s32 $0x2000, s5;
	s5 =	sadd.s32 s31, s2  }
0xd: {  	s14 =	smax.u32 s14, $0x1;
	s6 =	sadd.s32 $0x2800, s5;
	s7 =	sadd.s32 $0x5000, s5  }
0xe: {  	s8 =	sadd.s32 $0x7800, s5;
	s9 =	sadd.s32 $0xA000, s5;
	s10 =	sadd.s32 $0xC800, s5  }
0xf: {  	v0 =	vimm.f32 $1.000000000e+00;
	v1 =	vimm.f32 $0.0e+00;
	s11 =	sadd.s32 $0xF000, s5;
	s12 =	sadd.s32 $0x11800, s5;
	s13 =	sadd.s32 $0x6BE00, s13  }
.LBB2_1:
0x10: {  	[tilespmem:s3], [sflag:$0x3] =	stream.linear.gather [hbm4b:s4+s3], $0x3E80, $0x38;
	[tilespmem:$0x1D000] =	vst v63  }
0x11: {  	_ =	swait.ge [sflag:s15], $0x3E80  }
0x12: {  	[sflag:s15] =	ssyncset.done $0x0  }
0x13: {  	s24 =	simm.s32 $0x0;
	s25 =	simm.s32 $0x200;
	[sflag:s15] =	ssyncadd.s32 $0xFFFFC180  }
.LBB2_2:
0x14: {  	p0 =	sne.s32 s25, $0x9E00;
	[tilespmem:s24+$0x4070] =	vst v0  }
0x15: {  	[tilespmem:s24+$0x4000] =	vst v0  }
0x16: {  	[tilespmem:s24+$0x4010] =	vst v0  }
.Ltmp0:
0x17: {  	[tilespmem:s24+$0x4020] =	vst v0;
	(pc) =	sbr.rel @p0 .LBB2_2-.Ltmp0, $4  }
0x18: {  	[tilespmem:s24+$0x4030] =	vst v0  }
0x19: {  	[tilespmem:s24+$0x4040] =	vst v0  }
0x1a: {  	[tilespmem:s24+$0x4050] =	vst v0  }
0x1b: {  	[tilespmem:s24+$0x4060] =	vst v0;
	s24 =	sshra.s32 s25, $0x2;
	s25 =	sadd.s32 $0x200, s25  }
0x1c: {  	[tilespmem:s24+$0x4070] =	vst v0  }
0x1d: {  	[tilespmem:s24+$0x4000] =	vst v0  }
0x1e: {  	[tilespmem:s24+$0x4010] =	vst v0  }
0x1f: {  	[tilespmem:s24+$0x4020] =	vst v0  }
0x20: {  	[tilespmem:s24+$0x4030] =	vst v0  }
0x21: {  	[tilespmem:s24+$0x4040] =	vst v0  }
0x22: {  	[tilespmem:s24+$0x4050] =	vst v0  }
0x23: {  	[tilespmem:s24+$0x4060] =	vst v0;
	s24 =	simm.s32 $0x0;
	s25 =	simm.s32 $0x200  }
.LBB2_4:
0x24: {  	p0 =	sne.s32 s25, $0x9E00;
	[tilespmem:s24+$0x6870] =	vst v1  }
0x25: {  	[tilespmem:s24+$0x6800] =	vst v1  }
0x26: {  	[tilespmem:s24+$0x6810] =	vst v1  }
.Ltmp1:
0x27: {  	[tilespmem:s24+$0x6820] =	vst v1;
	(pc) =	sbr.rel @p0 .LBB2_4-.Ltmp1, $4  }
0x28: {  	[tilespmem:s24+$0x6830] =	vst v1  }
0x29: {  	[tilespmem:s24+$0x6840] =	vst v1  }
0x2a: {  	[tilespmem:s24+$0x6850] =	vst v1  }
0x2b: {  	[tilespmem:s24+$0x6860] =	vst v1;
	s24 =	sshra.s32 s25, $0x2;
	s25 =	sadd.s32 $0x200, s25  }
0x2c: {  	[tilespmem:s24+$0x6870] =	vst v1  }
0x2d: {  	[tilespmem:s24+$0x6800] =	vst v1  }
0x2e: {  	[tilespmem:s24+$0x6810] =	vst v1  }
0x2f: {  	[tilespmem:s24+$0x6820] =	vst v1  }
0x30: {  	[tilespmem:s24+$0x6830] =	vst v1  }
0x31: {  	[tilespmem:s24+$0x6840] =	vst v1  }
0x32: {  	[tilespmem:s24+$0x6850] =	vst v1  }
0x33: {  	[tilespmem:s24+$0x6860] =	vst v1  }
0x34: {  	[spmem:s5] =	stream.linear.scatter [tilespmem:s16], [sflag:$0x3], $0x2800, $0x38;
	[tilespmem:$0x1D000] =	vst v63  }
0x35: {  	_ =	swait.ge [sflag:s15], $0x2800  }
0x36: {  	[sflag:s15] =	ssyncset.done $0x0  }
0x37: {  	[sflag:s15] =	ssyncadd.s32 $0xFFFFD800  }
0x38: {  	[spmem:s6] =	stream.linear.scatter [tilespmem:s16], [sflag:$0x3], $0x2800, $0x38;
	[tilespmem:$0x1D000] =	vst v63  }
0x39: {  	_ =	swait.ge [sflag:s15], $0x2800  }
0x3a: {  	[sflag:s15] =	ssyncset.done $0x0  }
0x3b: {  	[sflag:s15] =	ssyncadd.s32 $0xFFFFD800  }
0x3c: {  	[spmem:s7] =	stream.linear.scatter [tilespmem:s16], [sflag:$0x3], $0x2800, $0x38;
	[tilespmem:$0x1D000] =	vst v63  }
0x3d: {  	_ =	swait.ge [sflag:s15], $0x2800  }
0x3e: {  	[sflag:s15] =	ssyncset.done $0x0  }
0x3f: {  	[sflag:s15] =	ssyncadd.s32 $0xFFFFD800  }
0x40: {  	[spmem:s8] =	stream.linear.scatter [tilespmem:s16], [sflag:$0x3], $0x2800, $0x38;
	[tilespmem:$0x1D000] =	vst v63  }
0x41: {  	_ =	swait.ge [sflag:s15], $0x2800  }
0x42: {  	[sflag:s15] =	ssyncset.done $0x0  }
0x43: {  	[sflag:s15] =	ssyncadd.s32 $0xFFFFD800  }
0x44: {  	[spmem:s9] =	stream.linear.scatter [tilespmem:s16], [sflag:$0x3], $0x2800, $0x38;
	[tilespmem:$0x1D000] =	vst v63  }
0x45: {  	_ =	swait.ge [sflag:s15], $0x2800  }
0x46: {  	[sflag:s15] =	ssyncset.done $0x0  }
0x47: {  	[sflag:s15] =	ssyncadd.s32 $0xFFFFD800  }
0x48: {  	[spmem:s10] =	stream.linear.scatter [tilespmem:s16], [sflag:$0x3], $0x2800, $0x38;
	[tilespmem:$0x1D000] =	vst v63  }
0x49: {  	_ =	swait.ge [sflag:s15], $0x2800  }
0x4a: {  	[sflag:s15] =	ssyncset.done $0x0  }
0x4b: {  	[sflag:s15] =	ssyncadd.s32 $0xFFFFD800  }
0x4c: {  	[spmem:s11] =	stream.linear.scatter [tilespmem:s16], [sflag:$0x3], $0x2800, $0x38;
	[tilespmem:$0x1D000] =	vst v63  }
0x4d: {  	_ =	swait.ge [sflag:s15], $0x2800  }
0x4e: {  	[sflag:s15] =	ssyncset.done $0x0  }
0x4f: {  	[sflag:s15] =	ssyncadd.s32 $0xFFFFD800  }
0x50: {  	[spmem:s12] =	stream.linear.scatter [tilespmem:s16], [sflag:$0x3], $0x2800, $0x38;
	[tilespmem:$0x1D000] =	vst v63  }
0x51: {  	_ =	swait.ge [sflag:s15], $0x2800  }
0x52: {  	[sflag:s15] =	ssyncset.done $0x0  }
0x53: {  	[sflag:s15] =	ssyncadd.s32 $0xFFFFD800  }
0x54: {  	[bflag:$0x0] =	sbarrier.arrive $0xFFFF  }
0x55: {  	[spmem:s2] =	stream.indirect.scatter.add.f32 [tilespmem:s18], [sflag:$0x1], $0x80, s3, s17, $0xb8;
	[tilespmem:$0x1D000] =	vst v63  }
0x56: {  	_ = 	snop  }
0x57: {  	[spmem:s2] =	stream.indirect.scatter.add.f32 [tilespmem:s18], [sflag:$0x2], $0x80, s19, s17, $0xb8;
	[tilespmem:$0x1D000] =	vst v63  }
0x58: {  	_ =	swait.ge [sflag:s20], $0x2800  }
0x59: {  	[sflag:s20] =	ssyncset.done $0x0  }
0x5a: {  	s31 =	simm.s32 $0x100;
	[sflag:s20] =	ssyncadd.s32 $0xFFFFD800  }
0x5b: {  	[spmem:s2] =	stream.indirect.scatter.add.f32 [tilespmem:s18], [sflag:$0x1], $0x80, s31, s17, $0xb8;
	[tilespmem:$0x1D000] =	vst v63  }
0x5c: {  	_ =	swait.ge [sflag:s21], $0x2800  }
0x5d: {  	[sflag:s21] =	ssyncset.done $0x0  }
0x5e: {  	s24 =	simm.s32 $0xFFFF1000;
	s25 =	simm.s32 $0x180;
	[sflag:s21] =	ssyncadd.s32 $0xFFFFD800  }
.LBB2_6:
0x5f: {  	[spmem:s2] =	stream.indirect.scatter.add.f32 [tilespmem:s18], [sflag:$0x2], $0x80, s25, s17, $0xb8;
	[tilespmem:$0x1D000] =	vst v63  }
0x60: {  	s25 =	smov.u32 s24  }
0x61: {  	p0 =	sne.s32 s24, $0xFFFFFC00;
	s24 =	sadd.s32 $0x400, s24;
	_ =	swait.ge [sflag:s20], $0x2800  }
0x62: {  	s25 =	sshra.s32 s25, $0x2;
	[sflag:s20] =	ssyncset.done $0x0  }
.Ltmp2:
0x63: {  	s26 =	sadd.s32 $0x3E00, s25;
	[sflag:s20] =	ssyncadd.s32 $0xFFFFD800;
	(pc) =	sbr.rel @p0 .LBB2_6-.Ltmp2, $4  }
0x64: {  	[spmem:s2] =	stream.indirect.scatter.add.f32 [tilespmem:s18], [sflag:$0x1], $0x80, s26, s17, $0xb8;
	[tilespmem:$0x1D000] =	vst v63  }
0x65: {  	_ =	swait.ge [sflag:s21], $0x2800  }
0x66: {  	[sflag:s21] =	ssyncset.done $0x0  }
0x67: {  	s25 =	sadd.s32 $0x3E80, s25;
	[sflag:s21] =	ssyncadd.s32 $0xFFFFD800  }
0x68: {  	[spmem:s2] =	stream.indirect.scatter.add.f32 [tilespmem:s18], [sflag:$0x2], $0x80, s25, s17, $0xb8;
	[tilespmem:$0x1D000] =	vst v63  }
0x69: {  	_ =	swait.ge [sflag:s20], $0x2800  }
0x6a: {  	[sflag:s20] =	ssyncset.done $0x0  }
0x6b: {  	[sflag:s20] =	ssyncadd.s32 $0xFFFFD800  }
0x6c: {  	[spmem:s2] =	stream.indirect.scatter.add.f32 [tilespmem:s18], [sflag:$0x1], $0x80, s22, s17, $0xb8;
	[tilespmem:$0x1D000] =	vst v63  }
0x6d: {  	_ =	swait.ge [sflag:s20], $0x2800  }
0x6e: {  	[sflag:s20] =	ssyncset.done $0x0  }
0x6f: {  	[sflag:s20] =	ssyncadd.s32 $0xFFFFD800  }
0x70: {  	_ =	swait.ge [sflag:s21], $0x2800  }
0x71: {  	s24 =	sshll.u32 s1, $0x6;
	s23 =	sadd.s32 $0x1, s23;
	[sflag:s21] =	ssyncset.done $0x0  }
0x72: {  	s31 =	sshrl.u32 s5, $0x3;
	p0 =	sne.s32 s23, s14;
	[sflag:s21] =	ssyncadd.s32 $0xFFFFD800  }
.Ltmp3:
0x73: {  	s24 =	sor.u32 $0x1C03, s24;
	[bflag:$0x0] =	sbarrier.arrive $0xFFFF;
	(pc) =	sbr.rel @p0 .LBB2_1-.Ltmp3, $4  }
0x74: {  	[hbm:s13], [sflag:s24] =	dma.local [spmem:s31], $0x2800  }
0x75: {  	_ =	swait.ge [sflag:s15], $0x2800  }
0x76: {  	[sflag:s15] =	ssyncset.done $0x0  }
0x77: {  	[sflag:s15] =	ssyncadd.s32 $0xFFFFD800  }
0x78: {  	_ =	sfence.sel $0x180000  }
0x79: {  	[bflag:$0x0] =	sbarrier.arrive $0xFFFF  }
0x7a: {  	p0 =	sne.s32 s1, $0x0;
	_ =	strace $0x9000004A  }
0x7b: {  	s0 =	sadd.s32 @!p0 $0x100000, s0;
	[bflag:$0x2] =	sbarrier.arrive $0xFFFF  }
0x7c: {  	[sflag:s0] =	ssyncadd.tile.s32 @!p0 $0x1;
	_ =	shalt  }
.Lfunc_end2:
_tile_overlayer_lowered:
.L_overlay_start_2:
0x7d: {  	(tag) =	ssettag $0x2  }
0x7e: {  	s0 =	rddreg [dreg:$0x0];
	s2 =	stileid.u32  }
0x7f: {  	s1 =	rddreg [dreg:$0x1];
	p0 =	sne.s32 s2, $0x0  }
0x80: {  	s3 =	rddreg [dreg:$0x2];
	[bflag:$0x3] =	sbarrier.arrive $0xFFFF;
	s2 =	simm.s32 @!p0 $0x1C03  }
0x81: {  	[timem:s3], [sflag:s2] =	dma.local @!p0 [hbm:s0], s1  }
0x82: {  	s0 =	simm.s32 @!p0 $0x3  }
0x83: {  	_ =	swait.ge @!p0 [sflag:s0], s1  }
0x84: {  	s1 =	ssub.s32 @!p0 $0x0, s1;
	[sflag:s0] =	ssyncset.done @!p0 $0x0  }
0x85: {  	[sflag:s0] =	ssyncadd.s32 @!p0 s1  }
0x86: {  	[bflag:$0x3] =	sbarrier.arrive $0xFFFF  }
0x87: {  	_ =	shalt  }

</sc_bundles>
